<compile_context>
chip_gen: v7x
topology: tpu7x:2x2x1
jax: 0.10.2.dev20260603
libtpu: 0.0.44.dev20260713+nightly
codegen_flags: <defaults>
</compile_context>

<pallas_src>
import functools
import math

import jax
from jax import lax
import jax.numpy as jnp
from jax.experimental import pallas as pl
from jax.experimental.pallas import tpu as pltpu
from jax.experimental.pallas import tpu_sc as plsc

_H = 4
_K = 16
_INTERVAL = 3


def _proj_kernel(wq_ref, wk_ref, wv_ref, x_ref, q_ref, k_ref, v_ref):
    x = x_ref[...]
    q_ref[...] = jax.lax.dot(wq_ref[...], x, preferred_element_type=jnp.float32)
    k_ref[...] = jax.lax.dot(wk_ref[...], x, preferred_element_type=jnp.float32)
    v_ref[...] = jax.lax.dot(wv_ref[...], x, preferred_element_type=jnp.float32)


def _make_sc_knn(BT, J, N):
    nw = 32
    rows_per_w = (BT * N) // nw
    seg_per_bt = N // rows_per_w
    mesh = plsc.VectorSubcoreMesh(core_axis_name="c", subcore_axis_name="s")

    @functools.partial(
        pl.kernel,
        mesh=mesh,
        compiler_params=pltpu.CompilerParams(needs_layout_passes=False),
        out_type=jax.ShapeDtypeStruct((BT * N * 16,), jnp.float32),
        scratch_types=[
            pltpu.VMEM((3, J), jnp.float32),
            pltpu.VMEM((rows_per_w * 3 * 16,), jnp.float32),
            pltpu.VMEM((rows_per_w * 16,), jnp.float32),
        ],
    )
    def sc_knn(cand_hbm, pts_hbm, top_hbm, cnd_v, pts_v, top_v):
        wid = lax.axis_index("s") * 2 + lax.axis_index("c")
        bt = wid // seg_per_bt
        pltpu.sync_copy(cand_hbm.at[bt], cnd_v)
        pltpu.sync_copy(pts_hbm.at[wid], pts_v)
        inf16 = jnp.full((16,), jnp.inf, jnp.float32)

        def blk_body(blk, carry):
            base = blk * 16 * 48
            pxs = [pts_v[pl.ds(base + r * 48, 16)] for r in range(16)]
            pys = [pts_v[pl.ds(base + r * 48 + 16, 16)] for r in range(16)]
            pzs = [pts_v[pl.ds(base + r * 48 + 32, 16)] for r in range(16)]

            def ch_body(j, Ss):
                cx = cnd_v[0, pl.ds(j * 16, 16)]
                cy = cnd_v[1, pl.ds(j * 16, 16)]
                cz = cnd_v[2, pl.ds(j * 16, 16)]
                out = []
                for r in range(16):
                    dx = pxs[r] - cx
                    dy = pys[r] - cy
                    dz = pzs[r] - cz
                    d2 = dx * dx + dy * dy + dz * dz
                    dsrt, _ = plsc.sort_key_val(d2, d2, descending=True)
                    merged = jnp.minimum(Ss[r], dsrt)
                    msrt, _ = plsc.sort_key_val(merged, merged)
                    out.append(msrt)
                return tuple(out)

            Ss = lax.fori_loop(0, J // 16, ch_body, tuple([inf16] * 16))
            for r in range(16):
                top_v[pl.ds((blk * 16 + r) * 16, 16)] = Ss[r]
            return carry

        lax.fori_loop(0, rows_per_w // 16, blk_body, 0)
        pltpu.sync_copy(
            top_v, top_hbm.at[pl.ds(wid * rows_per_w * 16, rows_per_w * 16)])

    return sc_knn


def _attn_kernel(pos_ref, cand_ref, th_ref, q_ref, x_ref, vx_ref, kc_ref,
                 vc_ref, out_ref):
    R = pos_ref.shape[1]
    J = cand_ref.shape[2]
    pos = pos_ref[0]
    cnd = cand_ref[0]

    d2 = jnp.zeros((R, J), jnp.float32)
    for c in range(3):
        diff = pos[:, c][:, None] - cnd[c, :][None, :]
        d2 = d2 + diff * diff

    kf = float(_K)
    th = th_ref[0, 0, :][:, None]
    lt = d2 < th
    eqm = d2 == th
    mprev = jnp.sum(lt.astype(jnp.float32), axis=1, keepdims=True)
    ecur = jnp.sum(eqm.astype(jnp.float32), axis=1, keepdims=True)
    frac = jnp.where(ecur > 0.0,
                     jnp.maximum(kf - mprev, 0.0) / jnp.maximum(ecur, 1.0),
                     0.0)
    w = lt.astype(jnp.float32) + eqm.astype(jnp.float32) * frac

    x = x_ref[0]
    q = q_ref[0]
    vx = vx_ref[0]
    d = q.shape[1] // _H
    scale = 1.0 / math.sqrt(d)
    for h in range(_H):
        sl = slice(h * d, (h + 1) * d)
        qh = q[:, sl]
        kch = kc_ref[0, sl, :]
        vch = vc_ref[0, sl, :]
        en = (-scale) * jax.lax.dot(qh, kch, preferred_element_type=jnp.float32)
        mx = jnp.max(en, axis=1, keepdims=True)
        p = w * jnp.exp(en - mx)
        s = jnp.sum(p, axis=1, keepdims=True)
        av = jax.lax.dot_general(p, vch, (((1,), (1,)), ((), ())),
                                 preferred_element_type=jnp.float32)
        out_ref[0, :, sl] = x[:, sl] + vx[:, sl] - av / s


def _bn_mlp_kernel(xr_ref, g_ref, b_ref, w1_ref, w2_ref, out_ref):
    xr = xr_ref[0]
    mean = jnp.mean(xr, axis=1, keepdims=True)
    var = jnp.mean((xr - mean) * (xr - mean), axis=1, keepdims=True)
    g = g_ref[0][:, None]
    b = b_ref[0][:, None]
    xn = (xr - mean) / jnp.sqrt(var + 1e-5) * g + b
    h1 = jax.lax.dot(w1_ref[...], xn, preferred_element_type=jnp.float32)
    h1 = jnp.where(h1 > 0.0, h1, 0.2 * h1)
    out_ref[0] = jax.lax.dot(w2_ref[...], h1, preferred_element_type=jnp.float32)


def kernel(x_all, Wq, Wk, Wv, W1, W2, gamma1, beta1):
    B, C, T, N = x_all.shape
    BT = B * T
    J = _INTERVAL * N
    R = 256
    Cout = W2.shape[0]
    Cmid = W1.shape[0]

    x_flat = x_all.transpose(1, 0, 2, 3).reshape(C, BT * N)
    q_flat, kp_flat, vp_flat = pl.pallas_call(
        _proj_kernel,
        out_shape=[jax.ShapeDtypeStruct((C, BT * N), jnp.float32)] * 3,
    )(Wq, Wk, Wv, x_flat)

    def windows(arr):
        Ch = arr.shape[1]
        pad0 = arr[:, :, :1]
        padT = arr[:, :, T - 1:]
        ap = jnp.concatenate([pad0, arr, padT], axis=2)
        st = jnp.stack([ap[:, :, t:t + _INTERVAL].reshape(B, Ch, J)
                        for t in range(T)], axis=1)
        return st.reshape(BT, Ch, J)

    kp = kp_flat.reshape(C, B, T, N).transpose(1, 0, 2, 3)
    vp = vp_flat.reshape(C, B, T, N).transpose(1, 0, 2, 3)
    kc = windows(kp)
    vc = windows(vp)
    cand3 = windows(x_all[:, :3])

    SPLITS = 2
    BTs = BT // SPLITS

    def pts_for(xpos_bt):
        rows = (BTs * N) // 32
        nseg = N // rows
        p = (xpos_bt.reshape(BTs, 3, nseg, rows)
             .transpose(0, 2, 3, 1))
        p = jnp.broadcast_to(p[..., None], p.shape + (16,))
        return p.reshape(32, rows * 3 * 16)

    xpos = x_all[:, :3].transpose(0, 2, 1, 3).reshape(BT, 3, N)
    sc_knn = _make_sc_knn(BTs, J, N)

    pos_pts = x_all[:, :4].transpose(0, 2, 3, 1).reshape(BT, N, 4)
    x_in = x_all.transpose(0, 2, 3, 1).reshape(BT, N, C)
    q_in = q_flat.reshape(C, B, T, N).transpose(1, 2, 3, 0).reshape(BT, N, C)
    vx_in = vp_flat.reshape(C, B, T, N).transpose(1, 2, 3, 0).reshape(BT, N, C)

    thetas = []
    for sp in range(SPLITS):
        sl = slice(sp * BTs, (sp + 1) * BTs)
        top16 = sc_knn(cand3[sl], pts_for(xpos[sl]))
        thetas.append(top16.reshape(BTs * N, 16)[:, 15].reshape(BTs, 1, N))

    xr_parts = []
    for sp in range(SPLITS):
        sl = slice(sp * BTs, (sp + 1) * BTs)
        xr_parts.append(pl.pallas_call(
            _attn_kernel,
            grid=(BTs, N // R),
            in_specs=[
                pl.BlockSpec((1, R, 4), lambda bt, nt: (bt, nt, 0)),
                pl.BlockSpec((1, 3, J), lambda bt, nt: (bt, 0, 0)),
                pl.BlockSpec((1, 1, R), lambda bt, nt: (bt, 0, nt)),
                pl.BlockSpec((1, R, C), lambda bt, nt: (bt, nt, 0)),
                pl.BlockSpec((1, R, C), lambda bt, nt: (bt, nt, 0)),
                pl.BlockSpec((1, R, C), lambda bt, nt: (bt, nt, 0)),
                pl.BlockSpec((1, C, J), lambda bt, nt: (bt, 0, 0)),
                pl.BlockSpec((1, C, J), lambda bt, nt: (bt, 0, 0)),
            ],
            out_specs=pl.BlockSpec((1, R, C), lambda bt, nt: (bt, nt, 0)),
            out_shape=jax.ShapeDtypeStruct((BTs, N, C), jnp.float32),
        )(pos_pts[sl], cand3[sl], thetas[sp], q_in[sl], x_in[sl],
          vx_in[sl], kc[sl], vc[sl]))
    xr = jnp.concatenate(xr_parts, axis=0)

    xr_t = xr.reshape(B, T, N, C).transpose(1, 3, 0, 2).reshape(T, C, B * N)
    y = pl.pallas_call(
        _bn_mlp_kernel,
        grid=(T,),
        in_specs=[
            pl.BlockSpec((1, C, B * N), lambda t: (t, 0, 0)),
            pl.BlockSpec((1, C), lambda t: (0, 0)),
            pl.BlockSpec((1, C), lambda t: (0, 0)),
            pl.BlockSpec((Cmid, C), lambda t: (0, 0)),
            pl.BlockSpec((Cout, Cmid), lambda t: (0, 0)),
        ],
        out_specs=pl.BlockSpec((1, Cout, B * N), lambda t: (t, 0, 0)),
        out_shape=jax.ShapeDtypeStruct((T, Cout, B * N), jnp.float32),
    )(xr_t, gamma1.reshape(1, C), beta1.reshape(1, C), W1, W2)

    y = y.reshape(T, Cout, B, N).transpose(2, 1, 0, 3)
    return jnp.concatenate([x_all[:, :4], y], axis=1)

# --- scband reference (transcript-rebuilt; emitter-appended) ---
"""Pipeline reference for scband-n2-pattention-63333587747380 (READ-ONLY COPY).

The authoritative reference and input builder live on the scoring server;
editing this copy changes nothing except your own understanding.
"""

import jax, jax.numpy as jnp
import numpy as np
import math

HEADS = 4
KNN = 16
INTERVAL = 3


def st_group_points(array, interval, K):
    # array: (B, C, T, N)
    B, C, T, N = array.shape
    pad = interval // 2
    first = jnp.broadcast_to(array[:, :, :1], (B, C, pad, N))
    last = jnp.broadcast_to(array[:, :, T - 1:], (B, C, pad, N))
    array_padded = jnp.concatenate([first, array, last], axis=2)  # (B,C,T+2*pad,N)
    # sliding temporal window of `interval` frames flattened along points
    neighbor_points = jnp.stack(
        [array_padded[:, :, t:t + interval].reshape(B, C, interval * N) for t in range(T)],
        axis=2)  # (B, C, T, interval*N)
    # pairwise euclidean distance on first 3 (position) channels; indices are
    # non-differentiable, so detach the distance computation (matches torch topk indices)
    d1 = jax.lax.stop_gradient(array[:, :3])            # (B,3,T,N)
    d2 = jax.lax.stop_gradient(neighbor_points[:, :3])  # (B,3,T,iN)
    diff = d1[:, :, :, :, None] - d2[:, :, :, None, :]  # (B,3,T,N,iN)
    dist = jnp.sqrt(jnp.sum(diff ** 2, axis=1))         # (B,T,N,iN)
    _, idx = jax.lax.top_k(-dist, K)                    # K smallest, sorted -> (B,T,N,K)
    # gather neighbor features: neighbor[b,c,t,n,k] = neighbor_points[b,c,t,idx[b,t,n,k]]
    npts = jnp.transpose(neighbor_points, (0, 2, 3, 1))  # (B,T,iN,C)
    idx_flat = idx.reshape(B, T, N * K)
    gathered = jnp.take_along_axis(npts, idx_flat[:, :, :, None], axis=2)  # (B,T,N*K,C)
    neighbor = jnp.transpose(gathered.reshape(B, T, N, K, C), (0, 4, 1, 2, 3))  # (B,C,T,N,K)
    # diff grouping: cat(arr[:4]-nb[:4], arr[4:]-nb[4:]) == full difference
    return array[:, :, :, :, None] - neighbor


def split_heads(x, H):
    # 'B (H D) N K -> B H N K D'
    B, C, N, K = x.shape
    D = C // H
    return jnp.transpose(x.reshape(B, H, D, N, K), (0, 1, 3, 4, 2))


def setup_inputs(seed: int = 0):
    key = jax.random.key(seed)
    ks = jax.random.split(key, 8)
    B, C, T, N = 2, 64, 4, 1024
    Cout = 64
    Cmid = C * 2 + Cout * 2
    x_all = jax.random.normal(ks[0], (B, C, T, N), dtype=jnp.float32)
    s = 1.0 / math.sqrt(C)
    Wq = jax.random.normal(ks[1], (C, C), dtype=jnp.float32) * s
    Wk = jax.random.normal(ks[2], (C, C), dtype=jnp.float32) * s
    Wv = jax.random.normal(ks[3], (C, C), dtype=jnp.float32) * s
    W1 = jax.random.normal(ks[4], (Cmid, C), dtype=jnp.float32) * s
    W2 = jax.random.normal(ks[5], (Cout, Cmid), dtype=jnp.float32) * (1.0 / math.sqrt(Cmid))
    gamma1 = jnp.ones((Cout,), dtype=jnp.float32)
    beta1 = jnp.zeros((Cout,), dtype=jnp.float32)
    return {"x_all": x_all, "Wq": Wq, "Wk": Wk, "Wv": Wv, "W1": W1, "W2": W2,
            "gamma1": gamma1, "beta1": beta1}


def reference(x_all, Wq, Wk, Wv, W1, W2, gamma1, beta1):
    B, C, T, N = x_all.shape
    H = HEADS
    D = C // H
    position = x_all[:, :4]  # (B,4,T,N)
    neighbors_all = st_group_points(x_all, INTERVAL, KNN)  # (B,C,T,N,K)
    outs = []
    for t in range(T):
        x = x_all[:, :, t]            # (B,C,N)
        nb = neighbors_all[:, :, t]   # (B,C,N,K)
        q = jnp.einsum('oc,bcn->bon', Wq, x)       # 1x1 conv, no bias
        k = jnp.einsum('oc,bcnk->bonk', Wk, nb)
        v = jnp.einsum('oc,bcnk->bonk', Wv, nb)
        qh = jnp.transpose(q.reshape(B, H, D, N), (0, 1, 3, 2))  # (B,H,N,D)
        kh = split_heads(k, H)  # (B,H,N,K,D)
        vh = split_heads(v, H)
        energy = jnp.einsum('bhnd,bhnkd->bhnk', qh, kh) / math.sqrt(D)
        attn = jax.nn.softmax(energy, axis=-1)
        tmp = jnp.einsum('bhnk,bhnkd->bhnd', attn, vh)  # (B,H,N,D)
        tmp = jnp.transpose(tmp, (0, 1, 3, 2)).reshape(B, H * D, N)  # 'B H N 1 D -> B (H D) N'
        xr = x + tmp
        # BatchNorm1d (training mode: batch statistics over B and N)
        mean = jnp.mean(xr, axis=(0, 2), keepdims=True)
        var = jnp.var(xr, axis=(0, 2), keepdims=True)
        xn = (xr - mean) / jnp.sqrt(var + 1e-5) * gamma1[None, :, None] + beta1[None, :, None]
        h = jnp.einsum('mc,bcn->bmn', W1, xn)
        h = jnp.where(h > 0, h, 0.2 * h)  # LeakyReLU(0.2)
        y = jnp.einsum('om,bmn->bon', W2, h)
        outs.append(y)
    out = jnp.concatenate([position, jnp.stack(outs, axis=2)], axis=1)  # (B,4+Cout,T,N)
    return out

if __name__ == "__main__":
    import jax
    _d = setup_inputs()
    print(jax.jit(kernel)(*tuple(_d.values())))

</pallas_src>

<mosaic_0001>
#map = affine_map<(d0, d1) -> (0, 0, 0)>
#map1 = affine_map<(d0, d1) -> (0, 0)>
#map2 = affine_map<(d0, d1) -> (0)>
module attributes {stable_mosaic.version = 14 : i64} {
  func.func @sc_knn(%arg0: i32, %arg1: i32, %arg2: memref<4x3x3072xf32, #tpu.memory_space<hbm>>, %arg3: memref<32x6144xf32, #tpu.memory_space<hbm>>, %arg4: memref<65536xf32, #tpu.memory_space<hbm>>, %arg5: memref<3x3072xf32, #tpu.memory_space<vmem>>, %arg6: memref<6144xf32, #tpu.memory_space<vmem>>, %arg7: memref<2048xf32, #tpu.memory_space<vmem>>) attributes {dimension_semantics = [#tpu.dimension_semantics<core_parallel>, #tpu.dimension_semantics<subcore_parallel>], iteration_bounds = array<i64: 2, 16>, scalar_prefetch = 0 : i64, scratch_operands = 3 : i64, tpu.core_type = #tpu.core_type<sc_vector_subcore>, window_params = [{transform_indices = #map}, {transform_indices = #map1}, {transform_indices = #map2}]} {
    %mul3A = arith.constant 2 : i32
    %mul3A_0 = arith.muli %arg1, %mul3A : i32
    %add3A = arith.addi %mul3A_0, %arg0 : i32
    %jit3A = arith.constant 8 : i32
    %div3A = arith.divsi %add3A, %jit3A : i32
    %sign3A = arith.constant 0 : i32
    %sign3A_1 = arith.cmpi sgt, %add3A, %sign3A : i32
    %sign3A_2 = arith.extui %sign3A_1 : i1 to i32
    %sign3A_3 = arith.constant 0 : i32
    %sign3A_4 = arith.cmpi slt, %add3A, %sign3A_3 : i32
    %sign3A_5 = arith.extui %sign3A_4 : i1 to i32
    %sign3A_6 = arith.subi %sign3A_2, %sign3A_5 : i32
    %sign3A_7 = arith.constant 0 : i32
    %sign3A_8 = arith.cmpi sgt, %jit3A, %sign3A_7 : i32
    %sign3A_9 = arith.extui %sign3A_8 : i1 to i32
    %sign3A_10 = arith.constant 0 : i32
    %sign3A_11 = arith.cmpi slt, %jit3A, %sign3A_10 : i32
    %sign3A_12 = arith.extui %sign3A_11 : i1 to i32
    %sign3A_13 = arith.subi %sign3A_9, %sign3A_12 : i32
    %ne3A = arith.cmpi ne, %sign3A_6, %sign3A_13 : i32
    %rem3A = arith.remsi %add3A, %jit3A : i32
    %ne3A_14 = arith.constant 0 : i32
    %ne3A_15 = arith.cmpi ne, %rem3A, %ne3A_14 : i32
    %and3A = arith.andi %ne3A, %ne3A_15 : i1
    %sub3A = arith.constant 1 : i32
    %sub3A_16 = arith.subi %div3A, %sub3A : i32
    %select_n3A = arith.select %and3A, %sub3A_16, %div3A : i32
    "tpu.region"() ({
      %run_scoped3A = tpu.sem_alloc : memref<!tpu.dma_semaphore, #tpu.memory_space<semaphore_mem>>
      %dma_start3A = arith.constant 0 : i32
      %dma_start3A_27 = arith.constant 0 : i32
      %dma_start3A_28 = tpu.memref_slice %arg2[%select_n3A, %dma_start3A, %dma_start3A_27] : memref<4x3x3072xf32, #tpu.memory_space<hbm>> -> memref<1x3x3072xf32, #tpu.memory_space<hbm>>
      %dma_start3A_29 = tpu.memref_squeeze %dma_start3A_28 : memref<1x3x3072xf32, #tpu.memory_space<hbm>> -> memref<3x3072xf32, #tpu.memory_space<hbm>>
      %dma_start3A_30 = arith.constant 0 : i32
      %dma_start3A_31 = arith.constant 0 : i32
      %dma_start3A_32 = tpu.memref_slice %arg2[%select_n3A, %dma_start3A_30, %dma_start3A_31] : memref<4x3x3072xf32, #tpu.memory_space<hbm>> -> memref<1x3x3072xf32, #tpu.memory_space<hbm>>
      %dma_start3A_33 = tpu.memref_squeeze %dma_start3A_32 : memref<1x3x3072xf32, #tpu.memory_space<hbm>> -> memref<3x3072xf32, #tpu.memory_space<hbm>>
      tpu.enqueue_dma source(%dma_start3A_33 : memref<3x3072xf32, #tpu.memory_space<hbm>>) target(%arg5 : memref<3x3072xf32, #tpu.memory_space<vmem>>) target_semaphore(%run_scoped3A : memref<!tpu.dma_semaphore, #tpu.memory_space<semaphore_mem>>)
      %dma_wait3A = arith.constant 0 : i32
      %dma_wait3A_34 = arith.constant 0 : i32
      %dma_wait3A_35 = tpu.memref_slice %arg2[%select_n3A, %dma_wait3A, %dma_wait3A_34] : memref<4x3x3072xf32, #tpu.memory_space<hbm>> -> memref<1x3x3072xf32, #tpu.memory_space<hbm>>
      %dma_wait3A_36 = tpu.memref_squeeze %dma_wait3A_35 : memref<1x3x3072xf32, #tpu.memory_space<hbm>> -> memref<3x3072xf32, #tpu.memory_space<hbm>>
      %dma_wait3A_37 = arith.constant 0 : i32
      %dma_wait3A_38 = arith.constant 0 : i32
      %dma_wait3A_39 = tpu.memref_slice %arg2[%select_n3A, %dma_wait3A_37, %dma_wait3A_38] : memref<4x3x3072xf32, #tpu.memory_space<hbm>> -> memref<1x3x3072xf32, #tpu.memory_space<hbm>>
      %dma_wait3A_40 = tpu.memref_squeeze %dma_wait3A_39 : memref<1x3x3072xf32, #tpu.memory_space<hbm>> -> memref<3x3072xf32, #tpu.memory_space<hbm>>
      tpu.wait_dma2 semaphore(%run_scoped3A : memref<!tpu.dma_semaphore, #tpu.memory_space<semaphore_mem>>) src(%dma_wait3A_40 : memref<3x3072xf32, #tpu.memory_space<hbm>>) dst(%arg5 : memref<3x3072xf32, #tpu.memory_space<vmem>>)
      tpu.yield
    }) : () -> ()
    "tpu.region"() ({
      %run_scoped3A = tpu.sem_alloc : memref<!tpu.dma_semaphore, #tpu.memory_space<semaphore_mem>>
      %dma_start3A = arith.constant 0 : i32
      %dma_start3A_27 = tpu.memref_slice %arg3[%add3A, %dma_start3A] : memref<32x6144xf32, #tpu.memory_space<hbm>> -> memref<1x6144xf32, #tpu.memory_space<hbm>>
      %dma_start3A_28 = tpu.memref_squeeze %dma_start3A_27 : memref<1x6144xf32, #tpu.memory_space<hbm>> -> memref<6144xf32, #tpu.memory_space<hbm>>
      %dma_start3A_29 = arith.constant 0 : i32
      %dma_start3A_30 = tpu.memref_slice %arg3[%add3A, %dma_start3A_29] : memref<32x6144xf32, #tpu.memory_space<hbm>> -> memref<1x6144xf32, #tpu.memory_space<hbm>>
      %dma_start3A_31 = tpu.memref_squeeze %dma_start3A_30 : memref<1x6144xf32, #tpu.memory_space<hbm>> -> memref<6144xf32, #tpu.memory_space<hbm>>
      tpu.enqueue_dma source(%dma_start3A_31 : memref<6144xf32, #tpu.memory_space<hbm>>) target(%arg6 : memref<6144xf32, #tpu.memory_space<vmem>>) target_semaphore(%run_scoped3A : memref<!tpu.dma_semaphore, #tpu.memory_space<semaphore_mem>>)
      %dma_wait3A = arith.constant 0 : i32
      %dma_wait3A_32 = tpu.memref_slice %arg3[%add3A, %dma_wait3A] : memref<32x6144xf32, #tpu.memory_space<hbm>> -> memref<1x6144xf32, #tpu.memory_space<hbm>>
      %dma_wait3A_33 = tpu.memref_squeeze %dma_wait3A_32 : memref<1x6144xf32, #tpu.memory_space<hbm>> -> memref<6144xf32, #tpu.memory_space<hbm>>
      %dma_wait3A_34 = arith.constant 0 : i32
      %dma_wait3A_35 = tpu.memref_slice %arg3[%add3A, %dma_wait3A_34] : memref<32x6144xf32, #tpu.memory_space<hbm>> -> memref<1x6144xf32, #tpu.memory_space<hbm>>
      %dma_wait3A_36 = tpu.memref_squeeze %dma_wait3A_35 : memref<1x6144xf32, #tpu.memory_space<hbm>> -> memref<6144xf32, #tpu.memory_space<hbm>>
      tpu.wait_dma2 semaphore(%run_scoped3A : memref<!tpu.dma_semaphore, #tpu.memory_space<semaphore_mem>>) src(%dma_wait3A_36 : memref<6144xf32, #tpu.memory_space<hbm>>) dst(%arg6 : memref<6144xf32, #tpu.memory_space<vmem>>)
      tpu.yield
    }) : () -> ()
    %broadcast_in_dim3A = arith.constant 0x7F800000 : f32
    %broadcast_in_dim3A_17 = vector.broadcast %broadcast_in_dim3A : f32 to vector<16xf32>
    %scan3A = arith.constant 0 : i32
    %scan3A_18 = arith.constant 0 : i32
    %scan3A_19 = arith.constant 8 : i32
    %scan3A_20 = arith.addi %scan3A_18, %scan3A_19 : i32
    %scan3A_21 = arith.constant 1 : i32
    scf.for %scan3A_27 = %scan3A_18 to %scan3A_20 step %scan3A_21  : i32 {
      %mul3A_28 = arith.constant 16 : i32
      %mul3A_29 = arith.muli %scan3A_27, %mul3A_28 : i32
      %mul3A_30 = arith.constant 48 : i32
      %mul3A_31 = arith.muli %mul3A_29, %mul3A_30 : i32
      %add3A_32 = arith.constant 0 : i32
      %add3A_33 = arith.addi %mul3A_31, %add3A_32 : i32
      %get3A = arith.index_cast %add3A_33 : i32 to index
      %get3A_34 = tpu.vector_load %arg6[%get3A] {strides = array<i32>} : memref<6144xf32, #tpu.memory_space<vmem>>, vector<16xf32>,
      %add3A_35 = arith.constant 48 : i32
      %add3A_36 = arith.addi %mul3A_31, %add3A_35 : i32
      %get3A_37 = arith.index_cast %add3A_36 : i32 to index
      %get3A_38 = tpu.vector_load %arg6[%get3A_37] {strides = array<i32>} : memref<6144xf32, #tpu.memory_space<vmem>>, vector<16xf32>,
      %add3A_39 = arith.constant 96 : i32
      %add3A_40 = arith.addi %mul3A_31, %add3A_39 : i32
      %get3A_41 = arith.index_cast %add3A_40 : i32 to index
      %get3A_42 = tpu.vector_load %arg6[%get3A_41] {strides = array<i32>} : memref<6144xf32, #tpu.memory_space<vmem>>, vector<16xf32>,
      %add3A_43 = arith.constant 144 : i32
      %add3A_44 = arith.addi %mul3A_31, %add3A_43 : i32
      %get3A_45 = arith.index_cast %add3A_44 : i32 to index
      %get3A_46 = tpu.vector_load %arg6[%get3A_45] {strides = array<i32>} : memref<6144xf32, #tpu.memory_space<vmem>>, vector<16xf32>,
      %add3A_47 = arith.constant 192 : i32
      %add3A_48 = arith.addi %mul3A_31, %add3A_47 : i32
      %get3A_49 = arith.index_cast %add3A_48 : i32 to index
      %get3A_50 = tpu.vector_load %arg6[%get3A_49] {strides = array<i32>} : memref<6144xf32, #tpu.memory_space<vmem>>, vector<16xf32>,
      %add3A_51 = arith.constant 240 : i32
      %add3A_52 = arith.addi %mul3A_31, %add3A_51 : i32
      %get3A_53 = arith.index_cast %add3A_52 : i32 to index
      %get3A_54 = tpu.vector_load %arg6[%get3A_53] {strides = array<i32>} : memref<6144xf32, #tpu.memory_space<vmem>>, vector<16xf32>,
      %add3A_55 = arith.constant 288 : i32
      %add3A_56 = arith.addi %mul3A_31, %add3A_55 : i32
      %get3A_57 = arith.index_cast %add3A_56 : i32 to index
      %get3A_58 = tpu.vector_load %arg6[%get3A_57] {strides = array<i32>} : memref<6144xf32, #tpu.memory_space<vmem>>, vector<16xf32>,
      %add3A_59 = arith.constant 336 : i32
      %add3A_60 = arith.addi %mul3A_31, %add3A_59 : i32
      %get3A_61 = arith.index_cast %add3A_60 : i32 to index
      %get3A_62 = tpu.vector_load %arg6[%get3A_61] {strides = array<i32>} : memref<6144xf32, #tpu.memory_space<vmem>>, vector<16xf32>,
      %add3A_63 = arith.constant 384 : i32
      %add3A_64 = arith.addi %mul3A_31, %add3A_63 : i32
      %get3A_65 = arith.index_cast %add3A_64 : i32 to index
      %get3A_66 = tpu.vector_load %arg6[%get3A_65] {strides = array<i32>} : memref<6144xf32, #tpu.memory_space<vmem>>, vector<16xf32>,
      %add3A_67 = arith.constant 432 : i32
      %add3A_68 = arith.addi %mul3A_31, %add3A_67 : i32
      %get3A_69 = arith.index_cast %add3A_68 : i32 to index
      %get3A_70 = tpu.vector_load %arg6[%get3A_69] {strides = array<i32>} : memref<6144xf32, #tpu.memory_space<vmem>>, vector<16xf32>,
      %add3A_71 = arith.constant 480 : i32
      %add3A_72 = arith.addi %mul3A_31, %add3A_71 : i32
      %get3A_73 = arith.index_cast %add3A_72 : i32 to index
      %get3A_74 = tpu.vector_load %arg6[%get3A_73] {strides = array<i32>} : memref<6144xf32, #tpu.memory_space<vmem>>, vector<16xf32>,
      %add3A_75 = arith.constant 528 : i32
      %add3A_76 = arith.addi %mul3A_31, %add3A_75 : i32
      %get3A_77 = arith.index_cast %add3A_76 : i32 to index
      %get3A_78 = tpu.vector_load %arg6[%get3A_77] {strides = array<i32>} : memref<6144xf32, #tpu.memory_space<vmem>>, vector<16xf32>,
      %add3A_79 = arith.constant 576 : i32
      %add3A_80 = arith.addi %mul3A_31, %add3A_79 : i32
      %get3A_81 = arith.index_cast %add3A_80 : i32 to index
      %get3A_82 = tpu.vector_load %arg6[%get3A_81] {strides = array<i32>} : memref<6144xf32, #tpu.memory_space<vmem>>, vector<16xf32>,
      %add3A_83 = arith.constant 624 : i32
      %add3A_84 = arith.addi %mul3A_31, %add3A_83 : i32
      %get3A_85 = arith.index_cast %add3A_84 : i32 to index
      %get3A_86 = tpu.vector_load %arg6[%get3A_85] {strides = array<i32>} : memref<6144xf32, #tpu.memory_space<vmem>>, vector<16xf32>,
      %add3A_87 = arith.constant 672 : i32
      %add3A_88 = arith.addi %mul3A_31, %add3A_87 : i32
      %get3A_89 = arith.index_cast %add3A_88 : i32 to index
      %get3A_90 = tpu.vector_load %arg6[%get3A_89] {strides = array<i32>} : memref<6144xf32, #tpu.memory_space<vmem>>, vector<16xf32>,
      %add3A_91 = arith.constant 720 : i32
      %add3A_92 = arith.addi %mul3A_31, %add3A_91 : i32
      %get3A_93 = arith.index_cast %add3A_92 : i32 to index
      %get3A_94 = tpu.vector_load %arg6[%get3A_93] {strides = array<i32>} : memref<6144xf32, #tpu.memory_space<vmem>>, vector<16xf32>,
      %add3A_95 = arith.constant 0 : i32
      %add3A_96 = arith.addi %mul3A_31, %add3A_95 : i32
      %add3A_97 = arith.constant 16 : i32
      %add3A_98 = arith.addi %add3A_96, %add3A_97 : i32
      %get3A_99 = arith.index_cast %add3A_98 : i32 to index
      %get3A_100 = tpu.vector_load %arg6[%get3A_99] {strides = array<i32>} : memref<6144xf32, #tpu.memory_space<vmem>>, vector<16xf32>,
      %add3A_101 = arith.constant 48 : i32
      %add3A_102 = arith.addi %mul3A_31, %add3A_101 : i32
      %add3A_103 = arith.constant 16 : i32
      %add3A_104 = arith.addi %add3A_102, %add3A_103 : i32
      %get3A_105 = arith.index_cast %add3A_104 : i32 to index
      %get3A_106 = tpu.vector_load %arg6[%get3A_105] {strides = array<i32>} : memref<6144xf32, #tpu.memory_space<vmem>>, vector<16xf32>,
      %add3A_107 = arith.constant 96 : i32
      %add3A_108 = arith.addi %mul3A_31, %add3A_107 : i32
      %add3A_109 = arith.constant 16 : i32
      %add3A_110 = arith.addi %add3A_108, %add3A_109 : i32
      %get3A_111 = arith.index_cast %add3A_110 : i32 to index
      %get3A_112 = tpu.vector_load %arg6[%get3A_111] {strides = array<i32>} : memref<6144xf32, #tpu.memory_space<vmem>>, vector<16xf32>,
      %add3A_113 = arith.constant 144 : i32
      %add3A_114 = arith.addi %mul3A_31, %add3A_113 : i32
      %add3A_115 = arith.constant 16 : i32
      %add3A_116 = arith.addi %add3A_114, %add3A_115 : i32
      %get3A_117 = arith.index_cast %add3A_116 : i32 to index
      %get3A_118 = tpu.vector_load %arg6[%get3A_117] {strides = array<i32>} : memref<6144xf32, #tpu.memory_space<vmem>>, vector<16xf32>,
      %add3A_119 = arith.constant 192 : i32
      %add3A_120 = arith.addi %mul3A_31, %add3A_119 : i32
      %add3A_121 = arith.constant 16 : i32
      %add3A_122 = arith.addi %add3A_120, %add3A_121 : i32
      %get3A_123 = arith.index_cast %add3A_122 : i32 to index
      %get3A_124 = tpu.vector_load %arg6[%get3A_123] {strides = array<i32>} : memref<6144xf32, #tpu.memory_space<vmem>>, vector<16xf32>,
      %add3A_125 = arith.constant 240 : i32
      %add3A_126 = arith.addi %mul3A_31, %add3A_125 : i32
      %add3A_127 = arith.constant 16 : i32
      %add3A_128 = arith.addi %add3A_126, %add3A_127 : i32
      %get3A_129 = arith.index_cast %add3A_128 : i32 to index
      %get3A_130 = tpu.vector_load %arg6[%get3A_129] {strides = array<i32>} : memref<6144xf32, #tpu.memory_space<vmem>>, vector<16xf32>,
      %add3A_131 = arith.constant 288 : i32
      %add3A_132 = arith.addi %mul3A_31, %add3A_131 : i32
      %add3A_133 = arith.constant 16 : i32
      %add3A_134 = arith.addi %add3A_132, %add3A_133 : i32
      %get3A_135 = arith.index_cast %add3A_134 : i32 to index
      %get3A_136 = tpu.vector_load %arg6[%get3A_135] {strides = array<i32>} : memref<6144xf32, #tpu.memory_space<vmem>>, vector<16xf32>,
      %add3A_137 = arith.constant 336 : i32
      %add3A_138 = arith.addi %mul3A_31, %add3A_137 : i32
      %add3A_139 = arith.constant 16 : i32
      %add3A_140 = arith.addi %add3A_138, %add3A_139 : i32
      %get3A_141 = arith.index_cast %add3A_140 : i32 to index
      %get3A_142 = tpu.vector_load %arg6[%get3A_141] {strides = array<i32>} : memref<6144xf32, #tpu.memory_space<vmem>>, vector<16xf32>,
      %add3A_143 = arith.constant 384 : i32
      %add3A_144 = arith.addi %mul3A_31, %add3A_143 : i32
      %add3A_145 = arith.constant 16 : i32
      %add3A_146 = arith.addi %add3A_144, %add3A_145 : i32
      %get3A_147 = arith.index_cast %add3A_146 : i32 to index
      %get3A_148 = tpu.vector_load %arg6[%get3A_147] {strides = array<i32>} : memref<6144xf32, #tpu.memory_space<vmem>>, vector<16xf32>,
      %add3A_149 = arith.constant 432 : i32
      %add3A_150 = arith.addi %mul3A_31, %add3A_149 : i32
      %add3A_151 = arith.constant 16 : i32
      %add3A_152 = arith.addi %add3A_150, %add3A_151 : i32
      %get3A_153 = arith.index_cast %add3A_152 : i32 to index
      %get3A_154 = tpu.vector_load %arg6[%get3A_153] {strides = array<i32>} : memref<6144xf32, #tpu.memory_space<vmem>>, vector<16xf32>,
      %add3A_155 = arith.constant 480 : i32
      %add3A_156 = arith.addi %mul3A_31, %add3A_155 : i32
      %add3A_157 = arith.constant 16 : i32
      %add3A_158 = arith.addi %add3A_156, %add3A_157 : i32
      %get3A_159 = arith.index_cast %add3A_158 : i32 to index
      %get3A_160 = tpu.vector_load %arg6[%get3A_159] {strides = array<i32>} : memref<6144xf32, #tpu.memory_space<vmem>>, vector<16xf32>,
      %add3A_161 = arith.constant 528 : i32
      %add3A_162 = arith.addi %mul3A_31, %add3A_161 : i32
      %add3A_163 = arith.constant 16 : i32
      %add3A_164 = arith.addi %add3A_162, %add3A_163 : i32
      %get3A_165 = arith.index_cast %add3A_164 : i32 to index
      %get3A_166 = tpu.vector_load %arg6[%get3A_165] {strides = array<i32>} : memref<6144xf32, #tpu.memory_space<vmem>>, vector<16xf32>,
      %add3A_167 = arith.constant 576 : i32
      %add3A_168 = arith.addi %mul3A_31, %add3A_167 : i32
      %add3A_169 = arith.constant 16 : i32
      %add3A_170 = arith.addi %add3A_168, %add3A_169 : i32
      %get3A_171 = arith.index_cast %add3A_170 : i32 to index
      %get3A_172 = tpu.vector_load %arg6[%get3A_171] {strides = array<i32>} : memref<6144xf32, #tpu.memory_space<vmem>>, vector<16xf32>,
      %add3A_173 = arith.constant 624 : i32
      %add3A_174 = arith.addi %mul3A_31, %add3A_173 : i32
      %add3A_175 = arith.constant 16 : i32
      %add3A_176 = arith.addi %add3A_174, %add3A_175 : i32
      %get3A_177 = arith.index_cast %add3A_176 : i32 to index
      %get3A_178 = tpu.vector_load %arg6[%get3A_177] {strides = array<i32>} : memref<6144xf32, #tpu.memory_space<vmem>>, vector<16xf32>,
      %add3A_179 = arith.constant 672 : i32
      %add3A_180 = arith.addi %mul3A_31, %add3A_179 : i32
      %add3A_181 = arith.constant 16 : i32
      %add3A_182 = arith.addi %add3A_180, %add3A_181 : i32
      %get3A_183 = arith.index_cast %add3A_182 : i32 to index
      %get3A_184 = tpu.vector_load %arg6[%get3A_183] {strides = array<i32>} : memref<6144xf32, #tpu.memory_space<vmem>>, vector<16xf32>,
      %add3A_185 = arith.constant 720 : i32
      %add3A_186 = arith.addi %mul3A_31, %add3A_185 : i32
      %add3A_187 = arith.constant 16 : i32
      %add3A_188 = arith.addi %add3A_186, %add3A_187 : i32
      %get3A_189 = arith.index_cast %add3A_188 : i32 to index
      %get3A_190 = tpu.vector_load %arg6[%get3A_189] {strides = array<i32>} : memref<6144xf32, #tpu.memory_space<vmem>>, vector<16xf32>,
      %add3A_191 = arith.constant 0 : i32
      %add3A_192 = arith.addi %mul3A_31, %add3A_191 : i32
      %add3A_193 = arith.constant 32 : i32
      %add3A_194 = arith.addi %add3A_192, %add3A_193 : i32
      %get3A_195 = arith.index_cast %add3A_194 : i32 to index
      %get3A_196 = tpu.vector_load %arg6[%get3A_195] {strides = array<i32>} : memref<6144xf32, #tpu.memory_space<vmem>>, vector<16xf32>,
      %add3A_197 = arith.constant 48 : i32
      %add3A_198 = arith.addi %mul3A_31, %add3A_197 : i32
      %add3A_199 = arith.constant 32 : i32
      %add3A_200 = arith.addi %add3A_198, %add3A_199 : i32
      %get3A_201 = arith.index_cast %add3A_200 : i32 to index
      %get3A_202 = tpu.vector_load %arg6[%get3A_201] {strides = array<i32>} : memref<6144xf32, #tpu.memory_space<vmem>>, vector<16xf32>,
      %add3A_203 = arith.constant 96 : i32
      %add3A_204 = arith.addi %mul3A_31, %add3A_203 : i32
      %add3A_205 = arith.constant 32 : i32
      %add3A_206 = arith.addi %add3A_204, %add3A_205 : i32
      %get3A_207 = arith.index_cast %add3A_206 : i32 to index
      %get3A_208 = tpu.vector_load %arg6[%get3A_207] {strides = array<i32>} : memref<6144xf32, #tpu.memory_space<vmem>>, vector<16xf32>,
      %add3A_209 = arith.constant 144 : i32
      %add3A_210 = arith.addi %mul3A_31, %add3A_209 : i32
      %add3A_211 = arith.constant 32 : i32
      %add3A_212 = arith.addi %add3A_210, %add3A_211 : i32
      %get3A_213 = arith.index_cast %add3A_212 : i32 to index
      %get3A_214 = tpu.vector_load %arg6[%get3A_213] {strides = array<i32>} : memref<6144xf32, #tpu.memory_space<vmem>>, vector<16xf32>,
      %add3A_215 = arith.constant 192 : i32
      %add3A_216 = arith.addi %mul3A_31, %add3A_215 : i32
      %add3A_217 = arith.constant 32 : i32
      %add3A_218 = arith.addi %add3A_216, %add3A_217 : i32
      %get3A_219 = arith.index_cast %add3A_218 : i32 to index
      %get3A_220 = tpu.vector_load %arg6[%get3A_219] {strides = array<i32>} : memref<6144xf32, #tpu.memory_space<vmem>>, vector<16xf32>,
      %add3A_221 = arith.constant 240 : i32
      %add3A_222 = arith.addi %mul3A_31, %add3A_221 : i32
      %add3A_223 = arith.constant 32 : i32
      %add3A_224 = arith.addi %add3A_222, %add3A_223 : i32
      %get3A_225 = arith.index_cast %add3A_224 : i32 to index
      %get3A_226 = tpu.vector_load %arg6[%get3A_225] {strides = array<i32>} : memref<6144xf32, #tpu.memory_space<vmem>>, vector<16xf32>,
      %add3A_227 = arith.constant 288 : i32
      %add3A_228 = arith.addi %mul3A_31, %add3A_227 : i32
      %add3A_229 = arith.constant 32 : i32
      %add3A_230 = arith.addi %add3A_228, %add3A_229 : i32
      %get3A_231 = arith.index_cast %add3A_230 : i32 to index
      %get3A_232 = tpu.vector_load %arg6[%get3A_231] {strides = array<i32>} : memref<6144xf32, #tpu.memory_space<vmem>>, vector<16xf32>,
      %add3A_233 = arith.constant 336 : i32
      %add3A_234 = arith.addi %mul3A_31, %add3A_233 : i32
      %add3A_235 = arith.constant 32 : i32
      %add3A_236 = arith.addi %add3A_234, %add3A_235 : i32
      %get3A_237 = arith.index_cast %add3A_236 : i32 to index
      %get3A_238 = tpu.vector_load %arg6[%get3A_237] {strides = array<i32>} : memref<6144xf32, #tpu.memory_space<vmem>>, vector<16xf32>,
      %add3A_239 = arith.constant 384 : i32
      %add3A_240 = arith.addi %mul3A_31, %add3A_239 : i32
      %add3A_241 = arith.constant 32 : i32
      %add3A_242 = arith.addi %add3A_240, %add3A_241 : i32
      %get3A_243 = arith.index_cast %add3A_242 : i32 to index
      %get3A_244 = tpu.vector_load %arg6[%get3A_243] {strides = array<i32>} : memref<6144xf32, #tpu.memory_space<vmem>>, vector<16xf32>,
      %add3A_245 = arith.constant 432 : i32
      %add3A_246 = arith.addi %mul3A_31, %add3A_245 : i32
      %add3A_247 = arith.constant 32 : i32
      %add3A_248 = arith.addi %add3A_246, %add3A_247 : i32
      %get3A_249 = arith.index_cast %add3A_248 : i32 to index
      %get3A_250 = tpu.vector_load %arg6[%get3A_249] {strides = array<i32>} : memref<6144xf32, #tpu.memory_space<vmem>>, vector<16xf32>,
      %add3A_251 = arith.constant 480 : i32
      %add3A_252 = arith.addi %mul3A_31, %add3A_251 : i32
      %add3A_253 = arith.constant 32 : i32
      %add3A_254 = arith.addi %add3A_252, %add3A_253 : i32
      %get3A_255 = arith.index_cast %add3A_254 : i32 to index
      %get3A_256 = tpu.vector_load %arg6[%get3A_255] {strides = array<i32>} : memref<6144xf32, #tpu.memory_space<vmem>>, vector<16xf32>,
      %add3A_257 = arith.constant 528 : i32
      %add3A_258 = arith.addi %mul3A_31, %add3A_257 : i32
      %add3A_259 = arith.constant 32 : i32
      %add3A_260 = arith.addi %add3A_258, %add3A_259 : i32
      %get3A_261 = arith.index_cast %add3A_260 : i32 to index
      %get3A_262 = tpu.vector_load %arg6[%get3A_261] {strides = array<i32>} : memref<6144xf32, #tpu.memory_space<vmem>>, vector<16xf32>,
      %add3A_263 = arith.constant 576 : i32
      %add3A_264 = arith.addi %mul3A_31, %add3A_263 : i32
      %add3A_265 = arith.constant 32 : i32
      %add3A_266 = arith.addi %add3A_264, %add3A_265 : i32
      %get3A_267 = arith.index_cast %add3A_266 : i32 to index
      %get3A_268 = tpu.vector_load %arg6[%get3A_267] {strides = array<i32>} : memref<6144xf32, #tpu.memory_space<vmem>>, vector<16xf32>,
      %add3A_269 = arith.constant 624 : i32
      %add3A_270 = arith.addi %mul3A_31, %add3A_269 : i32
      %add3A_271 = arith.constant 32 : i32
      %add3A_272 = arith.addi %add3A_270, %add3A_271 : i32
      %get3A_273 = arith.index_cast %add3A_272 : i32 to index
      %get3A_274 = tpu.vector_load %arg6[%get3A_273] {strides = array<i32>} : memref<6144xf32, #tpu.memory_space<vmem>>, vector<16xf32>,
      %add3A_275 = arith.constant 672 : i32
      %add3A_276 = arith.addi %mul3A_31, %add3A_275 : i32
      %add3A_277 = arith.constant 32 : i32
      %add3A_278 = arith.addi %add3A_276, %add3A_277 : i32
      %get3A_279 = arith.index_cast %add3A_278 : i32 to index
      %get3A_280 = tpu.vector_load %arg6[%get3A_279] {strides = array<i32>} : memref<6144xf32, #tpu.memory_space<vmem>>, vector<16xf32>,
      %add3A_281 = arith.constant 720 : i32
      %add3A_282 = arith.addi %mul3A_31, %add3A_281 : i32
      %add3A_283 = arith.constant 32 : i32
      %add3A_284 = arith.addi %add3A_282, %add3A_283 : i32
      %get3A_285 = arith.index_cast %add3A_284 : i32 to index
      %get3A_286 = tpu.vector_load %arg6[%get3A_285] {strides = array<i32>} : memref<6144xf32, #tpu.memory_space<vmem>>, vector<16xf32>,
      %scan3A_287 = arith.constant 0 : i32
      %scan3A_288 = arith.constant 192 : i32
      %scan3A_289 = arith.addi %scan3A_287, %scan3A_288 : i32
      %scan3A_290 = arith.constant 1 : i32
      %scan3A_291:16 = scf.for %scan3A_420 = %scan3A_287 to %scan3A_289 step %scan3A_290 iter_args(%scan3A_421 = %broadcast_in_dim3A_17, %scan3A_422 = %broadcast_in_dim3A_17, %scan3A_423 = %broadcast_in_dim3A_17, %scan3A_424 = %broadcast_in_dim3A_17, %scan3A_425 = %broadcast_in_dim3A_17, %scan3A_426 = %broadcast_in_dim3A_17, %scan3A_427 = %broadcast_in_dim3A_17, %scan3A_428 = %broadcast_in_dim3A_17, %scan3A_429 = %broadcast_in_dim3A_17, %scan3A_430 = %broadcast_in_dim3A_17, %scan3A_431 = %broadcast_in_dim3A_17, %scan3A_432 = %broadcast_in_dim3A_17, %scan3A_433 = %broadcast_in_dim3A_17, %scan3A_434 = %broadcast_in_dim3A_17, %scan3A_435 = %broadcast_in_dim3A_17, %scan3A_436 = %broadcast_in_dim3A_17) -> (vector<16xf32>, vector<16xf32>, vector<16xf32>, vector<16xf32>, vector<16xf32>, vector<16xf32>, vector<16xf32>, vector<16xf32>, vector<16xf32>, vector<16xf32>, vector<16xf32>, vector<16xf32>, vector<16xf32>, vector<16xf32>, vector<16xf32>, vector<16xf32>)  : i32 {
        %mul3A_437 = arith.constant 16 : i32
        %mul3A_438 = arith.muli %scan3A_420, %mul3A_437 : i32
        %get3A_439 = arith.constant 0 : i32
        %get3A_440 = arith.index_cast %get3A_439 : i32 to index
        %get3A_441 = arith.index_cast %mul3A_438 : i32 to index
        %get3A_442 = tpu.vector_load %arg5[%get3A_440, %get3A_441] {strides = array<i32>} : memref<3x3072xf32, #tpu.memory_space<vmem>>, vector<16xf32>,
        %mul3A_443 = arith.constant 16 : i32
        %mul3A_444 = arith.muli %scan3A_420, %mul3A_443 : i32
        %get3A_445 = arith.constant 1 : i32
        %get3A_446 = arith.index_cast %get3A_445 : i32 to index
        %get3A_447 = arith.index_cast %mul3A_444 : i32 to index
        %get3A_448 = tpu.vector_load %arg5[%get3A_446, %get3A_447] {strides = array<i32>} : memref<3x3072xf32, #tpu.memory_space<vmem>>, vector<16xf32>,
        %mul3A_449 = arith.constant 16 : i32
        %mul3A_450 = arith.muli %scan3A_420, %mul3A_449 : i32
        %get3A_451 = arith.constant 2 : i32
        %get3A_452 = arith.index_cast %get3A_451 : i32 to index
        %get3A_453 = arith.index_cast %mul3A_450 : i32 to index
        %get3A_454 = tpu.vector_load %arg5[%get3A_452, %get3A_453] {strides = array<i32>} : memref<3x3072xf32, #tpu.memory_space<vmem>>, vector<16xf32>,
        %sub3A_455 = arith.subf %get3A_34, %get3A_442 : vector<16xf32>
        %sub3A_456 = arith.subf %get3A_100, %get3A_448 : vector<16xf32>
        %sub3A_457 = arith.subf %get3A_196, %get3A_454 : vector<16xf32>
        %mul3A_458 = arith.mulf %sub3A_455, %sub3A_455 : vector<16xf32>
        %mul3A_459 = arith.mulf %sub3A_456, %sub3A_456 : vector<16xf32>
        %add3A_460 = arith.addf %mul3A_458, %mul3A_459 : vector<16xf32>
        %mul3A_461 = arith.mulf %sub3A_457, %sub3A_457 : vector<16xf32>
        %add3A_462 = arith.addf %add3A_460, %mul3A_461 : vector<16xf32>
        %masked_sort3A = arith.constant dense<true> : vector<16xi1>
        %masked_sort3A_463, %masked_sort3A_464, %masked_sort3A_465 = tpu.sort %add3A_462, %add3A_462 masked %masked_sort3A {descending = true} : (vector<16xf32>, vector<16xf32>, vector<16xi1>) -> (vector<16xi1>, vector<16xf32>, vector<16xf32>)
        %min3A = arith.minimumf %scan3A_421, %masked_sort3A_464 : vector<16xf32>
        %masked_sort3A_466 = arith.constant dense<true> : vector<16xi1>
        %masked_sort3A_467, %masked_sort3A_468, %masked_sort3A_469 = tpu.sort %min3A, %min3A masked %masked_sort3A_466 : (vector<16xf32>, vector<16xf32>, vector<16xi1>) -> (vector<16xi1>, vector<16xf32>, vector<16xf32>)
        %sub3A_470 = arith.subf %get3A_38, %get3A_442 : vector<16xf32>
        %sub3A_471 = arith.subf %get3A_106, %get3A_448 : vector<16xf32>
        %sub3A_472 = arith.subf %get3A_202, %get3A_454 : vector<16xf32>
        %mul3A_473 = arith.mulf %sub3A_470, %sub3A_470 : vector<16xf32>
        %mul3A_474 = arith.mulf %sub3A_471, %sub3A_471 : vector<16xf32>
        %add3A_475 = arith.addf %mul3A_473, %mul3A_474 : vector<16xf32>
        %mul3A_476 = arith.mulf %sub3A_472, %sub3A_472 : vector<16xf32>
        %add3A_477 = arith.addf %add3A_475, %mul3A_476 : vector<16xf32>
        %masked_sort3A_478 = arith.constant dense<true> : vector<16xi1>
        %masked_sort3A_479, %masked_sort3A_480, %masked_sort3A_481 = tpu.sort %add3A_477, %add3A_477 masked %masked_sort3A_478 {descending = true} : (vector<16xf32>, vector<16xf32>, vector<16xi1>) -> (vector<16xi1>, vector<16xf32>, vector<16xf32>)
        %min3A_482 = arith.minimumf %scan3A_422, %masked_sort3A_480 : vector<16xf32>
        %masked_sort3A_483 = arith.constant dense<true> : vector<16xi1>
        %masked_sort3A_484, %masked_sort3A_485, %masked_sort3A_486 = tpu.sort %min3A_482, %min3A_482 masked %masked_sort3A_483 : (vector<16xf32>, vector<16xf32>, vector<16xi1>) -> (vector<16xi1>, vector<16xf32>, vector<16xf32>)
        %sub3A_487 = arith.subf %get3A_42, %get3A_442 : vector<16xf32>
        %sub3A_488 = arith.subf %get3A_112, %get3A_448 : vector<16xf32>
        %sub3A_489 = arith.subf %get3A_208, %get3A_454 : vector<16xf32>
        %mul3A_490 = arith.mulf %sub3A_487, %sub3A_487 : vector<16xf32>
        %mul3A_491 = arith.mulf %sub3A_488, %sub3A_488 : vector<16xf32>
        %add3A_492 = arith.addf %mul3A_490, %mul3A_491 : vector<16xf32>
        %mul3A_493 = arith.mulf %sub3A_489, %sub3A_489 : vector<16xf32>
        %add3A_494 = arith.addf %add3A_492, %mul3A_493 : vector<16xf32>
        %masked_sort3A_495 = arith.constant dense<true> : vector<16xi1>
        %masked_sort3A_496, %masked_sort3A_497, %masked_sort3A_498 = tpu.sort %add3A_494, %add3A_494 masked %masked_sort3A_495 {descending = true} : (vector<16xf32>, vector<16xf32>, vector<16xi1>) -> (vector<16xi1>, vector<16xf32>, vector<16xf32>)
        %min3A_499 = arith.minimumf %scan3A_423, %masked_sort3A_497 : vector<16xf32>
        %masked_sort3A_500 = arith.constant dense<true> : vector<16xi1>
        %masked_sort3A_501, %masked_sort3A_502, %masked_sort3A_503 = tpu.sort %min3A_499, %min3A_499 masked %masked_sort3A_500 : (vector<16xf32>, vector<16xf32>, vector<16xi1>) -> (vector<16xi1>, vector<16xf32>, vector<16xf32>)
        %sub3A_504 = arith.subf %get3A_46, %get3A_442 : vector<16xf32>
        %sub3A_505 = arith.subf %get3A_118, %get3A_448 : vector<16xf32>
        %sub3A_506 = arith.subf %get3A_214, %get3A_454 : vector<16xf32>
        %mul3A_507 = arith.mulf %sub3A_504, %sub3A_504 : vector<16xf32>
        %mul3A_508 = arith.mulf %sub3A_505, %sub3A_505 : vector<16xf32>
        %add3A_509 = arith.addf %mul3A_507, %mul3A_508 : vector<16xf32>
        %mul3A_510 = arith.mulf %sub3A_506, %sub3A_506 : vector<16xf32>
        %add3A_511 = arith.addf %add3A_509, %mul3A_510 : vector<16xf32>
        %masked_sort3A_512 = arith.constant dense<true> : vector<16xi1>
        %masked_sort3A_513, %masked_sort3A_514, %masked_sort3A_515 = tpu.sort %add3A_511, %add3A_511 masked %masked_sort3A_512 {descending = true} : (vector<16xf32>, vector<16xf32>, vector<16xi1>) -> (vector<16xi1>, vector<16xf32>, vector<16xf32>)
        %min3A_516 = arith.minimumf %scan3A_424, %masked_sort3A_514 : vector<16xf32>
        %masked_sort3A_517 = arith.constant dense<true> : vector<16xi1>
        %masked_sort3A_518, %masked_sort3A_519, %masked_sort3A_520 = tpu.sort %min3A_516, %min3A_516 masked %masked_sort3A_517 : (vector<16xf32>, vector<16xf32>, vector<16xi1>) -> (vector<16xi1>, vector<16xf32>, vector<16xf32>)
        %sub3A_521 = arith.subf %get3A_50, %get3A_442 : vector<16xf32>
        %sub3A_522 = arith.subf %get3A_124, %get3A_448 : vector<16xf32>
        %sub3A_523 = arith.subf %get3A_220, %get3A_454 : vector<16xf32>
        %mul3A_524 = arith.mulf %sub3A_521, %sub3A_521 : vector<16xf32>
        %mul3A_525 = arith.mulf %sub3A_522, %sub3A_522 : vector<16xf32>
        %add3A_526 = arith.addf %mul3A_524, %mul3A_525 : vector<16xf32>
        %mul3A_527 = arith.mulf %sub3A_523, %sub3A_523 : vector<16xf32>
        %add3A_528 = arith.addf %add3A_526, %mul3A_527 : vector<16xf32>
        %masked_sort3A_529 = arith.constant dense<true> : vector<16xi1>
        %masked_sort3A_530, %masked_sort3A_531, %masked_sort3A_532 = tpu.sort %add3A_528, %add3A_528 masked %masked_sort3A_529 {descending = true} : (vector<16xf32>, vector<16xf32>, vector<16xi1>) -> (vector<16xi1>, vector<16xf32>, vector<16xf32>)
        %min3A_533 = arith.minimumf %scan3A_425, %masked_sort3A_531 : vector<16xf32>
        %masked_sort3A_534 = arith.constant dense<true> : vector<16xi1>
        %masked_sort3A_535, %masked_sort3A_536, %masked_sort3A_537 = tpu.sort %min3A_533, %min3A_533 masked %masked_sort3A_534 : (vector<16xf32>, vector<16xf32>, vector<16xi1>) -> (vector<16xi1>, vector<16xf32>, vector<16xf32>)
        %sub3A_538 = arith.subf %get3A_54, %get3A_442 : vector<16xf32>
        %sub3A_539 = arith.subf %get3A_130, %get3A_448 : vector<16xf32>
        %sub3A_540 = arith.subf %get3A_226, %get3A_454 : vector<16xf32>
        %mul3A_541 = arith.mulf %sub3A_538, %sub3A_538 : vector<16xf32>
        %mul3A_542 = arith.mulf %sub3A_539, %sub3A_539 : vector<16xf32>
        %add3A_543 = arith.addf %mul3A_541, %mul3A_542 : vector<16xf32>
        %mul3A_544 = arith.mulf %sub3A_540, %sub3A_540 : vector<16xf32>
        %add3A_545 = arith.addf %add3A_543, %mul3A_544 : vector<16xf32>
        %masked_sort3A_546 = arith.constant dense<true> : vector<16xi1>
        %masked_sort3A_547, %masked_sort3A_548, %masked_sort3A_549 = tpu.sort %add3A_545, %add3A_545 masked %masked_sort3A_546 {descending = true} : (vector<16xf32>, vector<16xf32>, vector<16xi1>) -> (vector<16xi1>, vector<16xf32>, vector<16xf32>)
        %min3A_550 = arith.minimumf %scan3A_426, %masked_sort3A_548 : vector<16xf32>
        %masked_sort3A_551 = arith.constant dense<true> : vector<16xi1>
        %masked_sort3A_552, %masked_sort3A_553, %masked_sort3A_554 = tpu.sort %min3A_550, %min3A_550 masked %masked_sort3A_551 : (vector<16xf32>, vector<16xf32>, vector<16xi1>) -> (vector<16xi1>, vector<16xf32>, vector<16xf32>)
        %sub3A_555 = arith.subf %get3A_58, %get3A_442 : vector<16xf32>
        %sub3A_556 = arith.subf %get3A_136, %get3A_448 : vector<16xf32>
        %sub3A_557 = arith.subf %get3A_232, %get3A_454 : vector<16xf32>
        %mul3A_558 = arith.mulf %sub3A_555, %sub3A_555 : vector<16xf32>
        %mul3A_559 = arith.mulf %sub3A_556, %sub3A_556 : vector<16xf32>
        %add3A_560 = arith.addf %mul3A_558, %mul3A_559 : vector<16xf32>
        %mul3A_561 = arith.mulf %sub3A_557, %sub3A_557 : vector<16xf32>
        %add3A_562 = arith.addf %add3A_560, %mul3A_561 : vector<16xf32>
        %masked_sort3A_563 = arith.constant dense<true> : vector<16xi1>
        %masked_sort3A_564, %masked_sort3A_565, %masked_sort3A_566 = tpu.sort %add3A_562, %add3A_562 masked %masked_sort3A_563 {descending = true} : (vector<16xf32>, vector<16xf32>, vector<16xi1>) -> (vector<16xi1>, vector<16xf32>, vector<16xf32>)
        %min3A_567 = arith.minimumf %scan3A_427, %masked_sort3A_565 : vector<16xf32>
        %masked_sort3A_568 = arith.constant dense<true> : vector<16xi1>
        %masked_sort3A_569, %masked_sort3A_570, %masked_sort3A_571 = tpu.sort %min3A_567, %min3A_567 masked %masked_sort3A_568 : (vector<16xf32>, vector<16xf32>, vector<16xi1>) -> (vector<16xi1>, vector<16xf32>, vector<16xf32>)
        %sub3A_572 = arith.subf %get3A_62, %get3A_442 : vector<16xf32>
        %sub3A_573 = arith.subf %get3A_142, %get3A_448 : vector<16xf32>
        %sub3A_574 = arith.subf %get3A_238, %get3A_454 : vector<16xf32>
        %mul3A_575 = arith.mulf %sub3A_572, %sub3A_572 : vector<16xf32>
        %mul3A_576 = arith.mulf %sub3A_573, %sub3A_573 : vector<16xf32>
        %add3A_577 = arith.addf %mul3A_575, %mul3A_576 : vector<16xf32>
        %mul3A_578 = arith.mulf %sub3A_574, %sub3A_574 : vector<16xf32>
        %add3A_579 = arith.addf %add3A_577, %mul3A_578 : vector<16xf32>
        %masked_sort3A_580 = arith.constant dense<true> : vector<16xi1>
        %masked_sort3A_581, %masked_sort3A_582, %masked_sort3A_583 = tpu.sort %add3A_579, %add3A_579 masked %masked_sort3A_580 {descending = true} : (vector<16xf32>, vector<16xf32>, vector<16xi1>) -> (vector<16xi1>, vector<16xf32>, vector<16xf32>)
        %min3A_584 = arith.minimumf %scan3A_428, %masked_sort3A_582 : vector<16xf32>
        %masked_sort3A_585 = arith.constant dense<true> : vector<16xi1>
        %masked_sort3A_586, %masked_sort3A_587, %masked_sort3A_588 = tpu.sort %min3A_584, %min3A_584 masked %masked_sort3A_585 : (vector<16xf32>, vector<16xf32>, vector<16xi1>) -> (vector<16xi1>, vector<16xf32>, vector<16xf32>)
        %sub3A_589 = arith.subf %get3A_66, %get3A_442 : vector<16xf32>
        %sub3A_590 = arith.subf %get3A_148, %get3A_448 : vector<16xf32>
        %sub3A_591 = arith.subf %get3A_244, %get3A_454 : vector<16xf32>
        %mul3A_592 = arith.mulf %sub3A_589, %sub3A_589 : vector<16xf32>
        %mul3A_593 = arith.mulf %sub3A_590, %sub3A_590 : vector<16xf32>
        %add3A_594 = arith.addf %mul3A_592, %mul3A_593 : vector<16xf32>
        %mul3A_595 = arith.mulf %sub3A_591, %sub3A_591 : vector<16xf32>
        %add3A_596 = arith.addf %add3A_594, %mul3A_595 : vector<16xf32>
        %masked_sort3A_597 = arith.constant dense<true> : vector<16xi1>
        %masked_sort3A_598, %masked_sort3A_599, %masked_sort3A_600 = tpu.sort %add3A_596, %add3A_596 masked %masked_sort3A_597 {descending = true} : (vector<16xf32>, vector<16xf32>, vector<16xi1>) -> (vector<16xi1>, vector<16xf32>, vector<16xf32>)
        %min3A_601 = arith.minimumf %scan3A_429, %masked_sort3A_599 : vector<16xf32>
        %masked_sort3A_602 = arith.constant dense<true> : vector<16xi1>
        %masked_sort3A_603, %masked_sort3A_604, %masked_sort3A_605 = tpu.sort %min3A_601, %min3A_601 masked %masked_sort3A_602 : (vector<16xf32>, vector<16xf32>, vector<16xi1>) -> (vector<16xi1>, vector<16xf32>, vector<16xf32>)
        %sub3A_606 = arith.subf %get3A_70, %get3A_442 : vector<16xf32>
        %sub3A_607 = arith.subf %get3A_154, %get3A_448 : vector<16xf32>
        %sub3A_608 = arith.subf %get3A_250, %get3A_454 : vector<16xf32>
        %mul3A_609 = arith.mulf %sub3A_606, %sub3A_606 : vector<16xf32>
        %mul3A_610 = arith.mulf %sub3A_607, %sub3A_607 : vector<16xf32>
        %add3A_611 = arith.addf %mul3A_609, %mul3A_610 : vector<16xf32>
        %mul3A_612 = arith.mulf %sub3A_608, %sub3A_608 : vector<16xf32>
        %add3A_613 = arith.addf %add3A_611, %mul3A_612 : vector<16xf32>
        %masked_sort3A_614 = arith.constant dense<true> : vector<16xi1>
        %masked_sort3A_615, %masked_sort3A_616, %masked_sort3A_617 = tpu.sort %add3A_613, %add3A_613 masked %masked_sort3A_614 {descending = true} : (vector<16xf32>, vector<16xf32>, vector<16xi1>) -> (vector<16xi1>, vector<16xf32>, vector<16xf32>)
        %min3A_618 = arith.minimumf %scan3A_430, %masked_sort3A_616 : vector<16xf32>
        %masked_sort3A_619 = arith.constant dense<true> : vector<16xi1>
        %masked_sort3A_620, %masked_sort3A_621, %masked_sort3A_622 = tpu.sort %min3A_618, %min3A_618 masked %masked_sort3A_619 : (vector<16xf32>, vector<16xf32>, vector<16xi1>) -> (vector<16xi1>, vector<16xf32>, vector<16xf32>)
        %sub3A_623 = arith.subf %get3A_74, %get3A_442 : vector<16xf32>
        %sub3A_624 = arith.subf %get3A_160, %get3A_448 : vector<16xf32>
        %sub3A_625 = arith.subf %get3A_256, %get3A_454 : vector<16xf32>
        %mul3A_626 = arith.mulf %sub3A_623, %sub3A_623 : vector<16xf32>
        %mul3A_627 = arith.mulf %sub3A_624, %sub3A_624 : vector<16xf32>
        %add3A_628 = arith.addf %mul3A_626, %mul3A_627 : vector<16xf32>
        %mul3A_629 = arith.mulf %sub3A_625, %sub3A_625 : vector<16xf32>
        %add3A_630 = arith.addf %add3A_628, %mul3A_629 : vector<16xf32>
        %masked_sort3A_631 = arith.constant dense<true> : vector<16xi1>
        %masked_sort3A_632, %masked_sort3A_633, %masked_sort3A_634 = tpu.sort %add3A_630, %add3A_630 masked %masked_sort3A_631 {descending = true} : (vector<16xf32>, vector<16xf32>, vector<16xi1>) -> (vector<16xi1>, vector<16xf32>, vector<16xf32>)
        %min3A_635 = arith.minimumf %scan3A_431, %masked_sort3A_633 : vector<16xf32>
        %masked_sort3A_636 = arith.constant dense<true> : vector<16xi1>
        %masked_sort3A_637, %masked_sort3A_638, %masked_sort3A_639 = tpu.sort %min3A_635, %min3A_635 masked %masked_sort3A_636 : (vector<16xf32>, vector<16xf32>, vector<16xi1>) -> (vector<16xi1>, vector<16xf32>, vector<16xf32>)
        %sub3A_640 = arith.subf %get3A_78, %get3A_442 : vector<16xf32>
        %sub3A_641 = arith.subf %get3A_166, %get3A_448 : vector<16xf32>
        %sub3A_642 = arith.subf %get3A_262, %get3A_454 : vector<16xf32>
        %mul3A_643 = arith.mulf %sub3A_640, %sub3A_640 : vector<16xf32>
        %mul3A_644 = arith.mulf %sub3A_641, %sub3A_641 : vector<16xf32>
        %add3A_645 = arith.addf %mul3A_643, %mul3A_644 : vector<16xf32>
        %mul3A_646 = arith.mulf %sub3A_642, %sub3A_642 : vector<16xf32>
        %add3A_647 = arith.addf %add3A_645, %mul3A_646 : vector<16xf32>
        %masked_sort3A_648 = arith.constant dense<true> : vector<16xi1>
        %masked_sort3A_649, %masked_sort3A_650, %masked_sort3A_651 = tpu.sort %add3A_647, %add3A_647 masked %masked_sort3A_648 {descending = true} : (vector<16xf32>, vector<16xf32>, vector<16xi1>) -> (vector<16xi1>, vector<16xf32>, vector<16xf32>)
        %min3A_652 = arith.minimumf %scan3A_432, %masked_sort3A_650 : vector<16xf32>
        %masked_sort3A_653 = arith.constant dense<true> : vector<16xi1>
        %masked_sort3A_654, %masked_sort3A_655, %masked_sort3A_656 = tpu.sort %min3A_652, %min3A_652 masked %masked_sort3A_653 : (vector<16xf32>, vector<16xf32>, vector<16xi1>) -> (vector<16xi1>, vector<16xf32>, vector<16xf32>)
        %sub3A_657 = arith.subf %get3A_82, %get3A_442 : vector<16xf32>
        %sub3A_658 = arith.subf %get3A_172, %get3A_448 : vector<16xf32>
        %sub3A_659 = arith.subf %get3A_268, %get3A_454 : vector<16xf32>
        %mul3A_660 = arith.mulf %sub3A_657, %sub3A_657 : vector<16xf32>
        %mul3A_661 = arith.mulf %sub3A_658, %sub3A_658 : vector<16xf32>
        %add3A_662 = arith.addf %mul3A_660, %mul3A_661 : vector<16xf32>
        %mul3A_663 = arith.mulf %sub3A_659, %sub3A_659 : vector<16xf32>
        %add3A_664 = arith.addf %add3A_662, %mul3A_663 : vector<16xf32>
        %masked_sort3A_665 = arith.constant dense<true> : vector<16xi1>
        %masked_sort3A_666, %masked_sort3A_667, %masked_sort3A_668 = tpu.sort %add3A_664, %add3A_664 masked %masked_sort3A_665 {descending = true} : (vector<16xf32>, vector<16xf32>, vector<16xi1>) -> (vector<16xi1>, vector<16xf32>, vector<16xf32>)
        %min3A_669 = arith.minimumf %scan3A_433, %masked_sort3A_667 : vector<16xf32>
        %masked_sort3A_670 = arith.constant dense<true> : vector<16xi1>
        %masked_sort3A_671, %masked_sort3A_672, %masked_sort3A_673 = tpu.sort %min3A_669, %min3A_669 masked %masked_sort3A_670 : (vector<16xf32>, vector<16xf32>, vector<16xi1>) -> (vector<16xi1>, vector<16xf32>, vector<16xf32>)
        %sub3A_674 = arith.subf %get3A_86, %get3A_442 : vector<16xf32>
        %sub3A_675 = arith.subf %get3A_178, %get3A_448 : vector<16xf32>
        %sub3A_676 = arith.subf %get3A_274, %get3A_454 : vector<16xf32>
        %mul3A_677 = arith.mulf %sub3A_674, %sub3A_674 : vector<16xf32>
        %mul3A_678 = arith.mulf %sub3A_675, %sub3A_675 : vector<16xf32>
        %add3A_679 = arith.addf %mul3A_677, %mul3A_678 : vector<16xf32>
        %mul3A_680 = arith.mulf %sub3A_676, %sub3A_676 : vector<16xf32>
        %add3A_681 = arith.addf %add3A_679, %mul3A_680 : vector<16xf32>
        %masked_sort3A_682 = arith.constant dense<true> : vector<16xi1>
        %masked_sort3A_683, %masked_sort3A_684, %masked_sort3A_685 = tpu.sort %add3A_681, %add3A_681 masked %masked_sort3A_682 {descending = true} : (vector<16xf32>, vector<16xf32>, vector<16xi1>) -> (vector<16xi1>, vector<16xf32>, vector<16xf32>)
        %min3A_686 = arith.minimumf %scan3A_434, %masked_sort3A_684 : vector<16xf32>
        %masked_sort3A_687 = arith.constant dense<true> : vector<16xi1>
        %masked_sort3A_688, %masked_sort3A_689, %masked_sort3A_690 = tpu.sort %min3A_686, %min3A_686 masked %masked_sort3A_687 : (vector<16xf32>, vector<16xf32>, vector<16xi1>) -> (vector<16xi1>, vector<16xf32>, vector<16xf32>)
        %sub3A_691 = arith.subf %get3A_90, %get3A_442 : vector<16xf32>
        %sub3A_692 = arith.subf %get3A_184, %get3A_448 : vector<16xf32>
        %sub3A_693 = arith.subf %get3A_280, %get3A_454 : vector<16xf32>
        %mul3A_694 = arith.mulf %sub3A_691, %sub3A_691 : vector<16xf32>
        %mul3A_695 = arith.mulf %sub3A_692, %sub3A_692 : vector<16xf32>
        %add3A_696 = arith.addf %mul3A_694, %mul3A_695 : vector<16xf32>
        %mul3A_697 = arith.mulf %sub3A_693, %sub3A_693 : vector<16xf32>
        %add3A_698 = arith.addf %add3A_696, %mul3A_697 : vector<16xf32>
        %masked_sort3A_699 = arith.constant dense<true> : vector<16xi1>
        %masked_sort3A_700, %masked_sort3A_701, %masked_sort3A_702 = tpu.sort %add3A_698, %add3A_698 masked %masked_sort3A_699 {descending = true} : (vector<16xf32>, vector<16xf32>, vector<16xi1>) -> (vector<16xi1>, vector<16xf32>, vector<16xf32>)
        %min3A_703 = arith.minimumf %scan3A_435, %masked_sort3A_701 : vector<16xf32>
        %masked_sort3A_704 = arith.constant dense<true> : vector<16xi1>
        %masked_sort3A_705, %masked_sort3A_706, %masked_sort3A_707 = tpu.sort %min3A_703, %min3A_703 masked %masked_sort3A_704 : (vector<16xf32>, vector<16xf32>, vector<16xi1>) -> (vector<16xi1>, vector<16xf32>, vector<16xf32>)
        %sub3A_708 = arith.subf %get3A_94, %get3A_442 : vector<16xf32>
        %sub3A_709 = arith.subf %get3A_190, %get3A_448 : vector<16xf32>
        %sub3A_710 = arith.subf %get3A_286, %get3A_454 : vector<16xf32>
        %mul3A_711 = arith.mulf %sub3A_708, %sub3A_708 : vector<16xf32>
        %mul3A_712 = arith.mulf %sub3A_709, %sub3A_709 : vector<16xf32>
        %add3A_713 = arith.addf %mul3A_711, %mul3A_712 : vector<16xf32>
        %mul3A_714 = arith.mulf %sub3A_710, %sub3A_710 : vector<16xf32>
        %add3A_715 = arith.addf %add3A_713, %mul3A_714 : vector<16xf32>
        %masked_sort3A_716 = arith.constant dense<true> : vector<16xi1>
        %masked_sort3A_717, %masked_sort3A_718, %masked_sort3A_719 = tpu.sort %add3A_715, %add3A_715 masked %masked_sort3A_716 {descending = true} : (vector<16xf32>, vector<16xf32>, vector<16xi1>) -> (vector<16xi1>, vector<16xf32>, vector<16xf32>)
        %min3A_720 = arith.minimumf %scan3A_436, %masked_sort3A_718 : vector<16xf32>
        %masked_sort3A_721 = arith.constant dense<true> : vector<16xi1>
        %masked_sort3A_722, %masked_sort3A_723, %masked_sort3A_724 = tpu.sort %min3A_720, %min3A_720 masked %masked_sort3A_721 : (vector<16xf32>, vector<16xf32>, vector<16xi1>) -> (vector<16xi1>, vector<16xf32>, vector<16xf32>)
        scf.yield %masked_sort3A_468, %masked_sort3A_485, %masked_sort3A_502, %masked_sort3A_519, %masked_sort3A_536, %masked_sort3A_553, %masked_sort3A_570, %masked_sort3A_587, %masked_sort3A_604, %masked_sort3A_621, %masked_sort3A_638, %masked_sort3A_655, %masked_sort3A_672, %masked_sort3A_689, %masked_sort3A_706, %masked_sort3A_723 : vector<16xf32>, vector<16xf32>, vector<16xf32>, vector<16xf32>, vector<16xf32>, vector<16xf32>, vector<16xf32>, vector<16xf32>, vector<16xf32>, vector<16xf32>, vector<16xf32>, vector<16xf32>, vector<16xf32>, vector<16xf32>, vector<16xf32>, vector<16xf32>
      }
      %scan3A_292 = arith.constant 192 : i32
      %mul3A_293 = arith.constant 16 : i32
      %mul3A_294 = arith.muli %scan3A_27, %mul3A_293 : i32
      %add3A_295 = arith.constant 0 : i32
      %add3A_296 = arith.addi %mul3A_294, %add3A_295 : i32
      %mul3A_297 = arith.constant 16 : i32
      %mul3A_298 = arith.muli %add3A_296, %mul3A_297 : i32
      %swap3A = arith.index_cast %mul3A_298 : i32 to index
      %swap3A_299 = tpu.vector_load %arg7[%swap3A] {strides = array<i32>} : memref<2048xf32, #tpu.memory_space<vmem>>, vector<16xf32>,
      tpu.vector_store %arg7[%swap3A], %scan3A_291#0 {strides = array<i32>} : memref<2048xf32, #tpu.memory_space<vmem>>, vector<16xf32>,
      %mul3A_300 = arith.constant 16 : i32
      %mul3A_301 = arith.muli %scan3A_27, %mul3A_300 : i32
      %add3A_302 = arith.constant 1 : i32
      %add3A_303 = arith.addi %mul3A_301, %add3A_302 : i32
      %mul3A_304 = arith.constant 16 : i32
      %mul3A_305 = arith.muli %add3A_303, %mul3A_304 : i32
      %swap3A_306 = arith.index_cast %mul3A_305 : i32 to index
      %swap3A_307 = tpu.vector_load %arg7[%swap3A_306] {strides = array<i32>} : memref<2048xf32, #tpu.memory_space<vmem>>, vector<16xf32>,
      tpu.vector_store %arg7[%swap3A_306], %scan3A_291#1 {strides = array<i32>} : memref<2048xf32, #tpu.memory_space<vmem>>, vector<16xf32>,
      %mul3A_308 = arith.constant 16 : i32
      %mul3A_309 = arith.muli %scan3A_27, %mul3A_308 : i32
      %add3A_310 = arith.constant 2 : i32
      %add3A_311 = arith.addi %mul3A_309, %add3A_310 : i32
      %mul3A_312 = arith.constant 16 : i32
      %mul3A_313 = arith.muli %add3A_311, %mul3A_312 : i32
      %swap3A_314 = arith.index_cast %mul3A_313 : i32 to index
      %swap3A_315 = tpu.vector_load %arg7[%swap3A_314] {strides = array<i32>} : memref<2048xf32, #tpu.memory_space<vmem>>, vector<16xf32>,
      tpu.vector_store %arg7[%swap3A_314], %scan3A_291#2 {strides = array<i32>} : memref<2048xf32, #tpu.memory_space<vmem>>, vector<16xf32>,
      %mul3A_316 = arith.constant 16 : i32
      %mul3A_317 = arith.muli %scan3A_27, %mul3A_316 : i32
      %add3A_318 = arith.constant 3 : i32
      %add3A_319 = arith.addi %mul3A_317, %add3A_318 : i32
      %mul3A_320 = arith.constant 16 : i32
      %mul3A_321 = arith.muli %add3A_319, %mul3A_320 : i32
      %swap3A_322 = arith.index_cast %mul3A_321 : i32 to index
      %swap3A_323 = tpu.vector_load %arg7[%swap3A_322] {strides = array<i32>} : memref<2048xf32, #tpu.memory_space<vmem>>, vector<16xf32>,
      tpu.vector_store %arg7[%swap3A_322], %scan3A_291#3 {strides = array<i32>} : memref<2048xf32, #tpu.memory_space<vmem>>, vector<16xf32>,
      %mul3A_324 = arith.constant 16 : i32
      %mul3A_325 = arith.muli %scan3A_27, %mul3A_324 : i32
      %add3A_326 = arith.constant 4 : i32
      %add3A_327 = arith.addi %mul3A_325, %add3A_326 : i32
      %mul3A_328 = arith.constant 16 : i32
      %mul3A_329 = arith.muli %add3A_327, %mul3A_328 : i32
      %swap3A_330 = arith.index_cast %mul3A_329 : i32 to index
      %swap3A_331 = tpu.vector_load %arg7[%swap3A_330] {strides = array<i32>} : memref<2048xf32, #tpu.memory_space<vmem>>, vector<16xf32>,
      tpu.vector_store %arg7[%swap3A_330], %scan3A_291#4 {strides = array<i32>} : memref<2048xf32, #tpu.memory_space<vmem>>, vector<16xf32>,
      %mul3A_332 = arith.constant 16 : i32
      %mul3A_333 = arith.muli %scan3A_27, %mul3A_332 : i32
      %add3A_334 = arith.constant 5 : i32
      %add3A_335 = arith.addi %mul3A_333, %add3A_334 : i32
      %mul3A_336 = arith.constant 16 : i32
      %mul3A_337 = arith.muli %add3A_335, %mul3A_336 : i32
      %swap3A_338 = arith.index_cast %mul3A_337 : i32 to index
      %swap3A_339 = tpu.vector_load %arg7[%swap3A_338] {strides = array<i32>} : memref<2048xf32, #tpu.memory_space<vmem>>, vector<16xf32>,
      tpu.vector_store %arg7[%swap3A_338], %scan3A_291#5 {strides = array<i32>} : memref<2048xf32, #tpu.memory_space<vmem>>, vector<16xf32>,
      %mul3A_340 = arith.constant 16 : i32
      %mul3A_341 = arith.muli %scan3A_27, %mul3A_340 : i32
      %add3A_342 = arith.constant 6 : i32
      %add3A_343 = arith.addi %mul3A_341, %add3A_342 : i32
      %mul3A_344 = arith.constant 16 : i32
      %mul3A_345 = arith.muli %add3A_343, %mul3A_344 : i32
      %swap3A_346 = arith.index_cast %mul3A_345 : i32 to index
      %swap3A_347 = tpu.vector_load %arg7[%swap3A_346] {strides = array<i32>} : memref<2048xf32, #tpu.memory_space<vmem>>, vector<16xf32>,
      tpu.vector_store %arg7[%swap3A_346], %scan3A_291#6 {strides = array<i32>} : memref<2048xf32, #tpu.memory_space<vmem>>, vector<16xf32>,
      %mul3A_348 = arith.constant 16 : i32
      %mul3A_349 = arith.muli %scan3A_27, %mul3A_348 : i32
      %add3A_350 = arith.constant 7 : i32
      %add3A_351 = arith.addi %mul3A_349, %add3A_350 : i32
      %mul3A_352 = arith.constant 16 : i32
      %mul3A_353 = arith.muli %add3A_351, %mul3A_352 : i32
      %swap3A_354 = arith.index_cast %mul3A_353 : i32 to index
      %swap3A_355 = tpu.vector_load %arg7[%swap3A_354] {strides = array<i32>} : memref<2048xf32, #tpu.memory_space<vmem>>, vector<16xf32>,
      tpu.vector_store %arg7[%swap3A_354], %scan3A_291#7 {strides = array<i32>} : memref<2048xf32, #tpu.memory_space<vmem>>, vector<16xf32>,
      %mul3A_356 = arith.constant 16 : i32
      %mul3A_357 = arith.muli %scan3A_27, %mul3A_356 : i32
      %add3A_358 = arith.constant 8 : i32
      %add3A_359 = arith.addi %mul3A_357, %add3A_358 : i32
      %mul3A_360 = arith.constant 16 : i32
      %mul3A_361 = arith.muli %add3A_359, %mul3A_360 : i32
      %swap3A_362 = arith.index_cast %mul3A_361 : i32 to index
      %swap3A_363 = tpu.vector_load %arg7[%swap3A_362] {strides = array<i32>} : memref<2048xf32, #tpu.memory_space<vmem>>, vector<16xf32>,
      tpu.vector_store %arg7[%swap3A_362], %scan3A_291#8 {strides = array<i32>} : memref<2048xf32, #tpu.memory_space<vmem>>, vector<16xf32>,
      %mul3A_364 = arith.constant 16 : i32
      %mul3A_365 = arith.muli %scan3A_27, %mul3A_364 : i32
      %add3A_366 = arith.constant 9 : i32
      %add3A_367 = arith.addi %mul3A_365, %add3A_366 : i32
      %mul3A_368 = arith.constant 16 : i32
      %mul3A_369 = arith.muli %add3A_367, %mul3A_368 : i32
      %swap3A_370 = arith.index_cast %mul3A_369 : i32 to index
      %swap3A_371 = tpu.vector_load %arg7[%swap3A_370] {strides = array<i32>} : memref<2048xf32, #tpu.memory_space<vmem>>, vector<16xf32>,
      tpu.vector_store %arg7[%swap3A_370], %scan3A_291#9 {strides = array<i32>} : memref<2048xf32, #tpu.memory_space<vmem>>, vector<16xf32>,
      %mul3A_372 = arith.constant 16 : i32
      %mul3A_373 = arith.muli %scan3A_27, %mul3A_372 : i32
      %add3A_374 = arith.constant 10 : i32
      %add3A_375 = arith.addi %mul3A_373, %add3A_374 : i32
      %mul3A_376 = arith.constant 16 : i32
      %mul3A_377 = arith.muli %add3A_375, %mul3A_376 : i32
      %swap3A_378 = arith.index_cast %mul3A_377 : i32 to index
      %swap3A_379 = tpu.vector_load %arg7[%swap3A_378] {strides = array<i32>} : memref<2048xf32, #tpu.memory_space<vmem>>, vector<16xf32>,
      tpu.vector_store %arg7[%swap3A_378], %scan3A_291#10 {strides = array<i32>} : memref<2048xf32, #tpu.memory_space<vmem>>, vector<16xf32>,
      %mul3A_380 = arith.constant 16 : i32
      %mul3A_381 = arith.muli %scan3A_27, %mul3A_380 : i32
      %add3A_382 = arith.constant 11 : i32
      %add3A_383 = arith.addi %mul3A_381, %add3A_382 : i32
      %mul3A_384 = arith.constant 16 : i32
      %mul3A_385 = arith.muli %add3A_383, %mul3A_384 : i32
      %swap3A_386 = arith.index_cast %mul3A_385 : i32 to index
      %swap3A_387 = tpu.vector_load %arg7[%swap3A_386] {strides = array<i32>} : memref<2048xf32, #tpu.memory_space<vmem>>, vector<16xf32>,
      tpu.vector_store %arg7[%swap3A_386], %scan3A_291#11 {strides = array<i32>} : memref<2048xf32, #tpu.memory_space<vmem>>, vector<16xf32>,
      %mul3A_388 = arith.constant 16 : i32
      %mul3A_389 = arith.muli %scan3A_27, %mul3A_388 : i32
      %add3A_390 = arith.constant 12 : i32
      %add3A_391 = arith.addi %mul3A_389, %add3A_390 : i32
      %mul3A_392 = arith.constant 16 : i32
      %mul3A_393 = arith.muli %add3A_391, %mul3A_392 : i32
      %swap3A_394 = arith.index_cast %mul3A_393 : i32 to index
      %swap3A_395 = tpu.vector_load %arg7[%swap3A_394] {strides = array<i32>} : memref<2048xf32, #tpu.memory_space<vmem>>, vector<16xf32>,
      tpu.vector_store %arg7[%swap3A_394], %scan3A_291#12 {strides = array<i32>} : memref<2048xf32, #tpu.memory_space<vmem>>, vector<16xf32>,
      %mul3A_396 = arith.constant 16 : i32
      %mul3A_397 = arith.muli %scan3A_27, %mul3A_396 : i32
      %add3A_398 = arith.constant 13 : i32
      %add3A_399 = arith.addi %mul3A_397, %add3A_398 : i32
      %mul3A_400 = arith.constant 16 : i32
      %mul3A_401 = arith.muli %add3A_399, %mul3A_400 : i32
      %swap3A_402 = arith.index_cast %mul3A_401 : i32 to index
      %swap3A_403 = tpu.vector_load %arg7[%swap3A_402] {strides = array<i32>} : memref<2048xf32, #tpu.memory_space<vmem>>, vector<16xf32>,
      tpu.vector_store %arg7[%swap3A_402], %scan3A_291#13 {strides = array<i32>} : memref<2048xf32, #tpu.memory_space<vmem>>, vector<16xf32>,
      %mul3A_404 = arith.constant 16 : i32
      %mul3A_405 = arith.muli %scan3A_27, %mul3A_404 : i32
      %add3A_406 = arith.constant 14 : i32
      %add3A_407 = arith.addi %mul3A_405, %add3A_406 : i32
      %mul3A_408 = arith.constant 16 : i32
      %mul3A_409 = arith.muli %add3A_407, %mul3A_408 : i32
      %swap3A_410 = arith.index_cast %mul3A_409 : i32 to index
      %swap3A_411 = tpu.vector_load %arg7[%swap3A_410] {strides = array<i32>} : memref<2048xf32, #tpu.memory_space<vmem>>, vector<16xf32>,
      tpu.vector_store %arg7[%swap3A_410], %scan3A_291#14 {strides = array<i32>} : memref<2048xf32, #tpu.memory_space<vmem>>, vector<16xf32>,
      %mul3A_412 = arith.constant 16 : i32
      %mul3A_413 = arith.muli %scan3A_27, %mul3A_412 : i32
      %add3A_414 = arith.constant 15 : i32
      %add3A_415 = arith.addi %mul3A_413, %add3A_414 : i32
      %mul3A_416 = arith.constant 16 : i32
      %mul3A_417 = arith.muli %add3A_415, %mul3A_416 : i32
      %swap3A_418 = arith.index_cast %mul3A_417 : i32 to index
      %swap3A_419 = tpu.vector_load %arg7[%swap3A_418] {strides = array<i32>} : memref<2048xf32, #tpu.memory_space<vmem>>, vector<16xf32>,
      tpu.vector_store %arg7[%swap3A_418], %scan3A_291#15 {strides = array<i32>} : memref<2048xf32, #tpu.memory_space<vmem>>, vector<16xf32>,
    }
    %scan3A_22 = arith.constant 8 : i32
    %mul3A_23 = arith.constant 128 : i32
    %mul3A_24 = arith.muli %add3A, %mul3A_23 : i32
    %mul3A_25 = arith.constant 16 : i32
    %mul3A_26 = arith.muli %mul3A_24, %mul3A_25 : i32
    "tpu.region"() ({
      %run_scoped3A = tpu.sem_alloc : memref<!tpu.dma_semaphore, #tpu.memory_space<semaphore_mem>>
      %dma_start3A = tpu.memref_slice %arg4[%mul3A_26] : memref<65536xf32, #tpu.memory_space<hbm>> -> memref<2048xf32, #tpu.memory_space<hbm>>
      %dma_start3A_27 = tpu.memref_slice %arg4[%mul3A_26] : memref<65536xf32, #tpu.memory_space<hbm>> -> memref<2048xf32, #tpu.memory_space<hbm>>
      tpu.enqueue_dma source(%arg7 : memref<2048xf32, #tpu.memory_space<vmem>>) target(%dma_start3A_27 : memref<2048xf32, #tpu.memory_space<hbm>>) target_semaphore(%run_scoped3A : memref<!tpu.dma_semaphore, #tpu.memory_space<semaphore_mem>>)
      %dma_wait3A = tpu.memref_slice %arg4[%mul3A_26] : memref<65536xf32, #tpu.memory_space<hbm>> -> memref<2048xf32, #tpu.memory_space<hbm>>
      %dma_wait3A_28 = tpu.memref_slice %arg4[%mul3A_26] : memref<65536xf32, #tpu.memory_space<hbm>> -> memref<2048xf32, #tpu.memory_space<hbm>>
      tpu.wait_dma2 semaphore(%run_scoped3A : memref<!tpu.dma_semaphore, #tpu.memory_space<semaphore_mem>>) src(%arg7 : memref<2048xf32, #tpu.memory_space<vmem>>) dst(%dma_wait3A_28 : memref<2048xf32, #tpu.memory_space<hbm>>)
      tpu.yield
    }) : () -> ()
    return
  }
}

#map = affine_map<(d0, d1) -> (0, 0, 0)>
#map1 = affine_map<(d0, d1) -> (0, 0)>
#map2 = affine_map<(d0, d1) -> (0)>
module attributes {stable_mosaic.version = 14 : i64} {
  func.func @sc_knn(%arg0: i32, %arg1: i32, %arg2: memref<4x3x3072xf32, #tpu.memory_space<hbm>>, %arg3: memref<32x6144xf32, #tpu.memory_space<hbm>>, %arg4: memref<65536xf32, #tpu.memory_space<hbm>>, %arg5: memref<3x3072xf32, #tpu.memory_space<vmem>>, %arg6: memref<6144xf32, #tpu.memory_space<vmem>>, %arg7: memref<2048xf32, #tpu.memory_space<vmem>>) attributes {dimension_semantics = [#tpu.dimension_semantics<core_parallel>, #tpu.dimension_semantics<subcore_parallel>], iteration_bounds = array<i64: 2, 16>, scalar_prefetch = 0 : i64, scratch_operands = 3 : i64, tpu.core_type = #tpu.core_type<sc_vector_subcore>, window_params = [{transform_indices = #map}, {transform_indices = #map1}, {transform_indices = #map2}]} {
    %mul3A = arith.constant 2 : i32
    %mul3A_0 = arith.muli %arg1, %mul3A : i32
    %add3A = arith.addi %mul3A_0, %arg0 : i32
    %jit3A = arith.constant 8 : i32
    %div3A = arith.divsi %add3A, %jit3A : i32
    %sign3A = arith.constant 0 : i32
    %sign3A_1 = arith.cmpi sgt, %add3A, %sign3A : i32
    %sign3A_2 = arith.extui %sign3A_1 : i1 to i32
    %sign3A_3 = arith.constant 0 : i32
    %sign3A_4 = arith.cmpi slt, %add3A, %sign3A_3 : i32
    %sign3A_5 = arith.extui %sign3A_4 : i1 to i32
    %sign3A_6 = arith.subi %sign3A_2, %sign3A_5 : i32
    %sign3A_7 = arith.constant 0 : i32
    %sign3A_8 = arith.cmpi sgt, %jit3A, %sign3A_7 : i32
    %sign3A_9 = arith.extui %sign3A_8 : i1 to i32
    %sign3A_10 = arith.constant 0 : i32
    %sign3A_11 = arith.cmpi slt, %jit3A, %sign3A_10 : i32
    %sign3A_12 = arith.extui %sign3A_11 : i1 to i32
    %sign3A_13 = arith.subi %sign3A_9, %sign3A_12 : i32
    %ne3A = arith.cmpi ne, %sign3A_6, %sign3A_13 : i32
    %rem3A = arith.remsi %add3A, %jit3A : i32
    %ne3A_14 = arith.constant 0 : i32
    %ne3A_15 = arith.cmpi ne, %rem3A, %ne3A_14 : i32
    %and3A = arith.andi %ne3A, %ne3A_15 : i1
    %sub3A = arith.constant 1 : i32
    %sub3A_16 = arith.subi %div3A, %sub3A : i32
    %select_n3A = arith.select %and3A, %sub3A_16, %div3A : i32
    "tpu.region"() ({
      %run_scoped3A = tpu.sem_alloc : memref<!tpu.dma_semaphore, #tpu.memory_space<semaphore_mem>>
      %dma_start3A = arith.constant 0 : i32
      %dma_start3A_27 = arith.constant 0 : i32
      %dma_start3A_28 = tpu.memref_slice %arg2[%select_n3A, %dma_start3A, %dma_start3A_27] : memref<4x3x3072xf32, #tpu.memory_space<hbm>> -> memref<1x3x3072xf32, #tpu.memory_space<hbm>>
      %dma_start3A_29 = tpu.memref_squeeze %dma_start3A_28 : memref<1x3x3072xf32, #tpu.memory_space<hbm>> -> memref<3x3072xf32, #tpu.memory_space<hbm>>
      %dma_start3A_30 = arith.constant 0 : i32
      %dma_start3A_31 = arith.constant 0 : i32
      %dma_start3A_32 = tpu.memref_slice %arg2[%select_n3A, %dma_start3A_30, %dma_start3A_31] : memref<4x3x3072xf32, #tpu.memory_space<hbm>> -> memref<1x3x3072xf32, #tpu.memory_space<hbm>>
      %dma_start3A_33 = tpu.memref_squeeze %dma_start3A_32 : memref<1x3x3072xf32, #tpu.memory_space<hbm>> -> memref<3x3072xf32, #tpu.memory_space<hbm>>
      tpu.enqueue_dma source(%dma_start3A_33 : memref<3x3072xf32, #tpu.memory_space<hbm>>) target(%arg5 : memref<3x3072xf32, #tpu.memory_space<vmem>>) target_semaphore(%run_scoped3A : memref<!tpu.dma_semaphore, #tpu.memory_space<semaphore_mem>>)
      %dma_wait3A = arith.constant 0 : i32
      %dma_wait3A_34 = arith.constant 0 : i32
      %dma_wait3A_35 = tpu.memref_slice %arg2[%select_n3A, %dma_wait3A, %dma_wait3A_34] : memref<4x3x3072xf32, #tpu.memory_space<hbm>> -> memref<1x3x3072xf32, #tpu.memory_space<hbm>>
      %dma_wait3A_36 = tpu.memref_squeeze %dma_wait3A_35 : memref<1x3x3072xf32, #tpu.memory_space<hbm>> -> memref<3x3072xf32, #tpu.memory_space<hbm>>
      %dma_wait3A_37 = arith.constant 0 : i32
      %dma_wait3A_38 = arith.constant 0 : i32
      %dma_wait3A_39 = tpu.memref_slice %arg2[%select_n3A, %dma_wait3A_37, %dma_wait3A_38] : memref<4x3x3072xf32, #tpu.memory_space<hbm>> -> memref<1x3x3072xf32, #tpu.memory_space<hbm>>
      %dma_wait3A_40 = tpu.memref_squeeze %dma_wait3A_39 : memref<1x3x3072xf32, #tpu.memory_space<hbm>> -> memref<3x3072xf32, #tpu.memory_space<hbm>>
      tpu.wait_dma2 semaphore(%run_scoped3A : memref<!tpu.dma_semaphore, #tpu.memory_space<semaphore_mem>>) src(%dma_wait3A_40 : memref<3x3072xf32, #tpu.memory_space<hbm>>) dst(%arg5 : memref<3x3072xf32, #tpu.memory_space<vmem>>)
      tpu.yield
    }) : () -> ()
    "tpu.region"() ({
      %run_scoped3A = tpu.sem_alloc : memref<!tpu.dma_semaphore, #tpu.memory_space<semaphore_mem>>
      %dma_start3A = arith.constant 0 : i32
      %dma_start3A_27 = tpu.memref_slice %arg3[%add3A, %dma_start3A] : memref<32x6144xf32, #tpu.memory_space<hbm>> -> memref<1x6144xf32, #tpu.memory_space<hbm>>
      %dma_start3A_28 = tpu.memref_squeeze %dma_start3A_27 : memref<1x6144xf32, #tpu.memory_space<hbm>> -> memref<6144xf32, #tpu.memory_space<hbm>>
      %dma_start3A_29 = arith.constant 0 : i32
      %dma_start3A_30 = tpu.memref_slice %arg3[%add3A, %dma_start3A_29] : memref<32x6144xf32, #tpu.memory_space<hbm>> -> memref<1x6144xf32, #tpu.memory_space<hbm>>
      %dma_start3A_31 = tpu.memref_squeeze %dma_start3A_30 : memref<1x6144xf32, #tpu.memory_space<hbm>> -> memref<6144xf32, #tpu.memory_space<hbm>>
      tpu.enqueue_dma source(%dma_start3A_31 : memref<6144xf32, #tpu.memory_space<hbm>>) target(%arg6 : memref<6144xf32, #tpu.memory_space<vmem>>) target_semaphore(%run_scoped3A : memref<!tpu.dma_semaphore, #tpu.memory_space<semaphore_mem>>)
      %dma_wait3A = arith.constant 0 : i32
      %dma_wait3A_32 = tpu.memref_slice %arg3[%add3A, %dma_wait3A] : memref<32x6144xf32, #tpu.memory_space<hbm>> -> memref<1x6144xf32, #tpu.memory_space<hbm>>
      %dma_wait3A_33 = tpu.memref_squeeze %dma_wait3A_32 : memref<1x6144xf32, #tpu.memory_space<hbm>> -> memref<6144xf32, #tpu.memory_space<hbm>>
      %dma_wait3A_34 = arith.constant 0 : i32
      %dma_wait3A_35 = tpu.memref_slice %arg3[%add3A, %dma_wait3A_34] : memref<32x6144xf32, #tpu.memory_space<hbm>> -> memref<1x6144xf32, #tpu.memory_space<hbm>>
      %dma_wait3A_36 = tpu.memref_squeeze %dma_wait3A_35 : memref<1x6144xf32, #tpu.memory_space<hbm>> -> memref<6144xf32, #tpu.memory_space<hbm>>
      tpu.wait_dma2 semaphore(%run_scoped3A : memref<!tpu.dma_semaphore, #tpu.memory_space<semaphore_mem>>) src(%dma_wait3A_36 : memref<6144xf32, #tpu.memory_space<hbm>>) dst(%arg6 : memref<6144xf32, #tpu.memory_space<vmem>>)
      tpu.yield
    }) : () -> ()
    %broadcast_in_dim3A = arith.constant 0x7F800000 : f32
    %broadcast_in_dim3A_17 = vector.broadcast %broadcast_in_dim3A : f32 to vector<16xf32>
    %scan3A = arith.constant 0 : i32
    %scan3A_18 = arith.constant 0 : i32
    %scan3A_19 = arith.constant 8 : i32
    %scan3A_20 = arith.addi %scan3A_18, %scan3A_19 : i32
    %scan3A_21 = arith.constant 1 : i32
    scf.for %scan3A_27 = %scan3A_18 to %scan3A_20 step %scan3A_21  : i32 {
      %mul3A_28 = arith.constant 16 : i32
      %mul3A_29 = arith.muli %scan3A_27, %mul3A_28 : i32
      %mul3A_30 = arith.constant 48 : i32
      %mul3A_31 = arith.muli %mul3A_29, %mul3A_30 : i32
      %add3A_32 = arith.constant 0 : i32
      %add3A_33 = arith.addi %mul3A_31, %add3A_32 : i32
      %get3A = arith.index_cast %add3A_33 : i32 to index
      %get3A_34 = tpu.vector_load %arg6[%get3A] {strides = array<i32>} : memref<6144xf32, #tpu.memory_space<vmem>>, vector<16xf32>,
      %add3A_35 = arith.constant 48 : i32
      %add3A_36 = arith.addi %mul3A_31, %add3A_35 : i32
      %get3A_37 = arith.index_cast %add3A_36 : i32 to index
      %get3A_38 = tpu.vector_load %arg6[%get3A_37] {strides = array<i32>} : memref<6144xf32, #tpu.memory_space<vmem>>, vector<16xf32>,
      %add3A_39 = arith.constant 96 : i32
      %add3A_40 = arith.addi %mul3A_31, %add3A_39 : i32
      %get3A_41 = arith.index_cast %add3A_40 : i32 to index
      %get3A_42 = tpu.vector_load %arg6[%get3A_41] {strides = array<i32>} : memref<6144xf32, #tpu.memory_space<vmem>>, vector<16xf32>,
      %add3A_43 = arith.constant 144 : i32
      %add3A_44 = arith.addi %mul3A_31, %add3A_43 : i32
      %get3A_45 = arith.index_cast %add3A_44 : i32 to index
      %get3A_46 = tpu.vector_load %arg6[%get3A_45] {strides = array<i32>} : memref<6144xf32, #tpu.memory_space<vmem>>, vector<16xf32>,
      %add3A_47 = arith.constant 192 : i32
      %add3A_48 = arith.addi %mul3A_31, %add3A_47 : i32
      %get3A_49 = arith.index_cast %add3A_48 : i32 to index
      %get3A_50 = tpu.vector_load %arg6[%get3A_49] {strides = array<i32>} : memref<6144xf32, #tpu.memory_space<vmem>>, vector<16xf32>,
      %add3A_51 = arith.constant 240 : i32
      %add3A_52 = arith.addi %mul3A_31, %add3A_51 : i32
      %get3A_53 = arith.index_cast %add3A_52 : i32 to index
      %get3A_54 = tpu.vector_load %arg6[%get3A_53] {strides = array<i32>} : memref<6144xf32, #tpu.memory_space<vmem>>, vector<16xf32>,
      %add3A_55 = arith.constant 288 : i32
      %add3A_56 = arith.addi %mul3A_31, %add3A_55 : i32
      %get3A_57 = arith.index_cast %add3A_56 : i32 to index
      %get3A_58 = tpu.vector_load %arg6[%get3A_57] {strides = array<i32>} : memref<6144xf32, #tpu.memory_space<vmem>>, vector<16xf32>,
      %add3A_59 = arith.constant 336 : i32
      %add3A_60 = arith.addi %mul3A_31, %add3A_59 : i32
      %get3A_61 = arith.index_cast %add3A_60 : i32 to index
      %get3A_62 = tpu.vector_load %arg6[%get3A_61] {strides = array<i32>} : memref<6144xf32, #tpu.memory_space<vmem>>, vector<16xf32>,
      %add3A_63 = arith.constant 384 : i32
      %add3A_64 = arith.addi %mul3A_31, %add3A_63 : i32
      %get3A_65 = arith.index_cast %add3A_64 : i32 to index
      %get3A_66 = tpu.vector_load %arg6[%get3A_65] {strides = array<i32>} : memref<6144xf32, #tpu.memory_space<vmem>>, vector<16xf32>,
      %add3A_67 = arith.constant 432 : i32
      %add3A_68 = arith.addi %mul3A_31, %add3A_67 : i32
      %get3A_69 = arith.index_cast %add3A_68 : i32 to index
      %get3A_70 = tpu.vector_load %arg6[%get3A_69] {strides = array<i32>} : memref<6144xf32, #tpu.memory_space<vmem>>, vector<16xf32>,
      %add3A_71 = arith.constant 480 : i32
      %add3A_72 = arith.addi %mul3A_31, %add3A_71 : i32
      %get3A_73 = arith.index_cast %add3A_72 : i32 to index
      %get3A_74 = tpu.vector_load %arg6[%get3A_73] {strides = array<i32>} : memref<6144xf32, #tpu.memory_space<vmem>>, vector<16xf32>,
      %add3A_75 = arith.constant 528 : i32
      %add3A_76 = arith.addi %mul3A_31, %add3A_75 : i32
      %get3A_77 = arith.index_cast %add3A_76 : i32 to index
      %get3A_78 = tpu.vector_load %arg6[%get3A_77] {strides = array<i32>} : memref<6144xf32, #tpu.memory_space<vmem>>, vector<16xf32>,
      %add3A_79 = arith.constant 576 : i32
      %add3A_80 = arith.addi %mul3A_31, %add3A_79 : i32
      %get3A_81 = arith.index_cast %add3A_80 : i32 to index
      %get3A_82 = tpu.vector_load %arg6[%get3A_81] {strides = array<i32>} : memref<6144xf32, #tpu.memory_space<vmem>>, vector<16xf32>,
      %add3A_83 = arith.constant 624 : i32
      %add3A_84 = arith.addi %mul3A_31, %add3A_83 : i32
      %get3A_85 = arith.index_cast %add3A_84 : i32 to index
      %get3A_86 = tpu.vector_load %arg6[%get3A_85] {strides = array<i32>} : memref<6144xf32, #tpu.memory_space<vmem>>, vector<16xf32>,
      %add3A_87 = arith.constant 672 : i32
      %add3A_88 = arith.addi %mul3A_31, %add3A_87 : i32
      %get3A_89 = arith.index_cast %add3A_88 : i32 to index
      %get3A_90 = tpu.vector_load %arg6[%get3A_89] {strides = array<i32>} : memref<6144xf32, #tpu.memory_space<vmem>>, vector<16xf32>,
      %add3A_91 = arith.constant 720 : i32
      %add3A_92 = arith.addi %mul3A_31, %add3A_91 : i32
      %get3A_93 = arith.index_cast %add3A_92 : i32 to index
      %get3A_94 = tpu.vector_load %arg6[%get3A_93] {strides = array<i32>} : memref<6144xf32, #tpu.memory_space<vmem>>, vector<16xf32>,
      %add3A_95 = arith.constant 0 : i32
      %add3A_96 = arith.addi %mul3A_31, %add3A_95 : i32
      %add3A_97 = arith.constant 16 : i32
      %add3A_98 = arith.addi %add3A_96, %add3A_97 : i32
      %get3A_99 = arith.index_cast %add3A_98 : i32 to index
      %get3A_100 = tpu.vector_load %arg6[%get3A_99] {strides = array<i32>} : memref<6144xf32, #tpu.memory_space<vmem>>, vector<16xf32>,
      %add3A_101 = arith.constant 48 : i32
      %add3A_102 = arith.addi %mul3A_31, %add3A_101 : i32
      %add3A_103 = arith.constant 16 : i32
      %add3A_104 = arith.addi %add3A_102, %add3A_103 : i32
      %get3A_105 = arith.index_cast %add3A_104 : i32 to index
      %get3A_106 = tpu.vector_load %arg6[%get3A_105] {strides = array<i32>} : memref<6144xf32, #tpu.memory_space<vmem>>, vector<16xf32>,
      %add3A_107 = arith.constant 96 : i32
      %add3A_108 = arith.addi %mul3A_31, %add3A_107 : i32
      %add3A_109 = arith.constant 16 : i32
      %add3A_110 = arith.addi %add3A_108, %add3A_109 : i32
      %get3A_111 = arith.index_cast %add3A_110 : i32 to index
      %get3A_112 = tpu.vector_load %arg6[%get3A_111] {strides = array<i32>} : memref<6144xf32, #tpu.memory_space<vmem>>, vector<16xf32>,
      %add3A_113 = arith.constant 144 : i32
      %add3A_114 = arith.addi %mul3A_31, %add3A_113 : i32
      %add3A_115 = arith.constant 16 : i32
      %add3A_116 = arith.addi %add3A_114, %add3A_115 : i32
      %get3A_117 = arith.index_cast %add3A_116 : i32 to index
      %get3A_118 = tpu.vector_load %arg6[%get3A_117] {strides = array<i32>} : memref<6144xf32, #tpu.memory_space<vmem>>, vector<16xf32>,
      %add3A_119 = arith.constant 192 : i32
      %add3A_120 = arith.addi %mul3A_31, %add3A_119 : i32
      %add3A_121 = arith.constant 16 : i32
      %add3A_122 = arith.addi %add3A_120, %add3A_121 : i32
      %get3A_123 = arith.index_cast %add3A_122 : i32 to index
      %get3A_124 = tpu.vector_load %arg6[%get3A_123] {strides = array<i32>} : memref<6144xf32, #tpu.memory_space<vmem>>, vector<16xf32>,
      %add3A_125 = arith.constant 240 : i32
      %add3A_126 = arith.addi %mul3A_31, %add3A_125 : i32
      %add3A_127 = arith.constant 16 : i32
      %add3A_128 = arith.addi %add3A_126, %add3A_127 : i32
      %get3A_129 = arith.index_cast %add3A_128 : i32 to index
      %get3A_130 = tpu.vector_load %arg6[%get3A_129] {strides = array<i32>} : memref<6144xf32, #tpu.memory_space<vmem>>, vector<16xf32>,
      %add3A_131 = arith.constant 288 : i32
      %add3A_132 = arith.addi %mul3A_31, %add3A_131 : i32
      %add3A_133 = arith.constant 16 : i32
      %add3A_134 = arith.addi %add3A_132, %add3A_133 : i32
      %get3A_135 = arith.index_cast %add3A_134 : i32 to index
      %get3A_136 = tpu.vector_load %arg6[%get3A_135] {strides = array<i32>} : memref<6144xf32, #tpu.memory_space<vmem>>, vector<16xf32>,
      %add3A_137 = arith.constant 336 : i32
      %add3A_138 = arith.addi %mul3A_31, %add3A_137 : i32
      %add3A_139 = arith.constant 16 : i32
      %add3A_140 = arith.addi %add3A_138, %add3A_139 : i32
      %get3A_141 = arith.index_cast %add3A_140 : i32 to index
      %get3A_142 = tpu.vector_load %arg6[%get3A_141] {strides = array<i32>} : memref<6144xf32, #tpu.memory_space<vmem>>, vector<16xf32>,
      %add3A_143 = arith.constant 384 : i32
      %add3A_144 = arith.addi %mul3A_31, %add3A_143 : i32
      %add3A_145 = arith.constant 16 : i32
      %add3A_146 = arith.addi %add3A_144, %add3A_145 : i32
      %get3A_147 = arith.index_cast %add3A_146 : i32 to index
      %get3A_148 = tpu.vector_load %arg6[%get3A_147] {strides = array<i32>} : memref<6144xf32, #tpu.memory_space<vmem>>, vector<16xf32>,
      %add3A_149 = arith.constant 432 : i32
      %add3A_150 = arith.addi %mul3A_31, %add3A_149 : i32
      %add3A_151 = arith.constant 16 : i32
      %add3A_152 = arith.addi %add3A_150, %add3A_151 : i32
      %get3A_153 = arith.index_cast %add3A_152 : i32 to index
      %get3A_154 = tpu.vector_load %arg6[%get3A_153] {strides = array<i32>} : memref<6144xf32, #tpu.memory_space<vmem>>, vector<16xf32>,
      %add3A_155 = arith.constant 480 : i32
      %add3A_156 = arith.addi %mul3A_31, %add3A_155 : i32
      %add3A_157 = arith.constant 16 : i32
      %add3A_158 = arith.addi %add3A_156, %add3A_157 : i32
      %get3A_159 = arith.index_cast %add3A_158 : i32 to index
      %get3A_160 = tpu.vector_load %arg6[%get3A_159] {strides = array<i32>} : memref<6144xf32, #tpu.memory_space<vmem>>, vector<16xf32>,
      %add3A_161 = arith.constant 528 : i32
      %add3A_162 = arith.addi %mul3A_31, %add3A_161 : i32
      %add3A_163 = arith.constant 16 : i32
      %add3A_164 = arith.addi %add3A_162, %add3A_163 : i32
      %get3A_165 = arith.index_cast %add3A_164 : i32 to index
      %get3A_166 = tpu.vector_load %arg6[%get3A_165] {strides = array<i32>} : memref<6144xf32, #tpu.memory_space<vmem>>, vector<16xf32>,
      %add3A_167 = arith.constant 576 : i32
      %add3A_168 = arith.addi %mul3A_31, %add3A_167 : i32
      %add3A_169 = arith.constant 16 : i32
      %add3A_170 = arith.addi %add3A_168, %add3A_169 : i32
      %get3A_171 = arith.index_cast %add3A_170 : i32 to index
      %get3A_172 = tpu.vector_load %arg6[%get3A_171] {strides = array<i32>} : memref<6144xf32, #tpu.memory_space<vmem>>, vector<16xf32>,
      %add3A_173 = arith.constant 624 : i32
      %add3A_174 = arith.addi %mul3A_31, %add3A_173 : i32
      %add3A_175 = arith.constant 16 : i32
      %add3A_176 = arith.addi %add3A_174, %add3A_175 : i32
      %get3A_177 = arith.index_cast %add3A_176 : i32 to index
      %get3A_178 = tpu.vector_load %arg6[%get3A_177] {strides = array<i32>} : memref<6144xf32, #tpu.memory_space<vmem>>, vector<16xf32>,
      %add3A_179 = arith.constant 672 : i32
      %add3A_180 = arith.addi %mul3A_31, %add3A_179 : i32
      %add3A_181 = arith.constant 16 : i32
      %add3A_182 = arith.addi %add3A_180, %add3A_181 : i32
      %get3A_183 = arith.index_cast %add3A_182 : i32 to index
      %get3A_184 = tpu.vector_load %arg6[%get3A_183] {strides = array<i32>} : memref<6144xf32, #tpu.memory_space<vmem>>, vector<16xf32>,
      %add3A_185 = arith.constant 720 : i32
      %add3A_186 = arith.addi %mul3A_31, %add3A_185 : i32
      %add3A_187 = arith.constant 16 : i32
      %add3A_188 = arith.addi %add3A_186, %add3A_187 : i32
      %get3A_189 = arith.index_cast %add3A_188 : i32 to index
      %get3A_190 = tpu.vector_load %arg6[%get3A_189] {strides = array<i32>} : memref<6144xf32, #tpu.memory_space<vmem>>, vector<16xf32>,
      %add3A_191 = arith.constant 0 : i32
      %add3A_192 = arith.addi %mul3A_31, %add3A_191 : i32
      %add3A_193 = arith.constant 32 : i32
      %add3A_194 = arith.addi %add3A_192, %add3A_193 : i32
      %get3A_195 = arith.index_cast %add3A_194 : i32 to index
      %get3A_196 = tpu.vector_load %arg6[%get3A_195] {strides = array<i32>} : memref<6144xf32, #tpu.memory_space<vmem>>, vector<16xf32>,
      %add3A_197 = arith.constant 48 : i32
      %add3A_198 = arith.addi %mul3A_31, %add3A_197 : i32
      %add3A_199 = arith.constant 32 : i32
      %add3A_200 = arith.addi %add3A_198, %add3A_199 : i32
      %get3A_201 = arith.index_cast %add3A_200 : i32 to index
      %get3A_202 = tpu.vector_load %arg6[%get3A_201] {strides = array<i32>} : memref<6144xf32, #tpu.memory_space<vmem>>, vector<16xf32>,
      %add3A_203 = arith.constant 96 : i32
      %add3A_204 = arith.addi %mul3A_31, %add3A_203 : i32
      %add3A_205 = arith.constant 32 : i32
      %add3A_206 = arith.addi %add3A_204, %add3A_205 : i32
      %get3A_207 = arith.index_cast %add3A_206 : i32 to index
      %get3A_208 = tpu.vector_load %arg6[%get3A_207] {strides = array<i32>} : memref<6144xf32, #tpu.memory_space<vmem>>, vector<16xf32>,
      %add3A_209 = arith.constant 144 : i32
      %add3A_210 = arith.addi %mul3A_31, %add3A_209 : i32
      %add3A_211 = arith.constant 32 : i32
      %add3A_212 = arith.addi %add3A_210, %add3A_211 : i32
      %get3A_213 = arith.index_cast %add3A_212 : i32 to index
      %get3A_214 = tpu.vector_load %arg6[%get3A_213] {strides = array<i32>} : memref<6144xf32, #tpu.memory_space<vmem>>, vector<16xf32>,
      %add3A_215 = arith.constant 192 : i32
      %add3A_216 = arith.addi %mul3A_31, %add3A_215 : i32
      %add3A_217 = arith.constant 32 : i32
      %add3A_218 = arith.addi %add3A_216, %add3A_217 : i32
      %get3A_219 = arith.index_cast %add3A_218 : i32 to index
      %get3A_220 = tpu.vector_load %arg6[%get3A_219] {strides = array<i32>} : memref<6144xf32, #tpu.memory_space<vmem>>, vector<16xf32>,
      %add3A_221 = arith.constant 240 : i32
      %add3A_222 = arith.addi %mul3A_31, %add3A_221 : i32
      %add3A_223 = arith.constant 32 : i32
      %add3A_224 = arith.addi %add3A_222, %add3A_223 : i32
      %get3A_225 = arith.index_cast %add3A_224 : i32 to index
      %get3A_226 = tpu.vector_load %arg6[%get3A_225] {strides = array<i32>} : memref<6144xf32, #tpu.memory_space<vmem>>, vector<16xf32>,
      %add3A_227 = arith.constant 288 : i32
      %add3A_228 = arith.addi %mul3A_31, %add3A_227 : i32
      %add3A_229 = arith.constant 32 : i32
      %add3A_230 = arith.addi %add3A_228, %add3A_229 : i32
      %get3A_231 = arith.index_cast %add3A_230 : i32 to index
      %get3A_232 = tpu.vector_load %arg6[%get3A_231] {strides = array<i32>} : memref<6144xf32, #tpu.memory_space<vmem>>, vector<16xf32>,
      %add3A_233 = arith.constant 336 : i32
      %add3A_234 = arith.addi %mul3A_31, %add3A_233 : i32
      %add3A_235 = arith.constant 32 : i32
      %add3A_236 = arith.addi %add3A_234, %add3A_235 : i32
      %get3A_237 = arith.index_cast %add3A_236 : i32 to index
      %get3A_238 = tpu.vector_load %arg6[%get3A_237] {strides = array<i32>} : memref<6144xf32, #tpu.memory_space<vmem>>, vector<16xf32>,
      %add3A_239 = arith.constant 384 : i32
      %add3A_240 = arith.addi %mul3A_31, %add3A_239 : i32
      %add3A_241 = arith.constant 32 : i32
      %add3A_242 = arith.addi %add3A_240, %add3A_241 : i32
      %get3A_243 = arith.index_cast %add3A_242 : i32 to index
      %get3A_244 = tpu.vector_load %arg6[%get3A_243] {strides = array<i32>} : memref<6144xf32, #tpu.memory_space<vmem>>, vector<16xf32>,
      %add3A_245 = arith.constant 432 : i32
      %add3A_246 = arith.addi %mul3A_31, %add3A_245 : i32
      %add3A_247 = arith.constant 32 : i32
      %add3A_248 = arith.addi %add3A_246, %add3A_247 : i32
      %get3A_249 = arith.index_cast %add3A_248 : i32 to index
      %get3A_250 = tpu.vector_load %arg6[%get3A_249] {strides = array<i32>} : memref<6144xf32, #tpu.memory_space<vmem>>, vector<16xf32>,
      %add3A_251 = arith.constant 480 : i32
      %add3A_252 = arith.addi %mul3A_31, %add3A_251 : i32
      %add3A_253 = arith.constant 32 : i32
      %add3A_254 = arith.addi %add3A_252, %add3A_253 : i32
      %get3A_255 = arith.index_cast %add3A_254 : i32 to index
      %get3A_256 = tpu.vector_load %arg6[%get3A_255] {strides = array<i32>} : memref<6144xf32, #tpu.memory_space<vmem>>, vector<16xf32>,
      %add3A_257 = arith.constant 528 : i32
      %add3A_258 = arith.addi %mul3A_31, %add3A_257 : i32
      %add3A_259 = arith.constant 32 : i32
      %add3A_260 = arith.addi %add3A_258, %add3A_259 : i32
      %get3A_261 = arith.index_cast %add3A_260 : i32 to index
      %get3A_262 = tpu.vector_load %arg6[%get3A_261] {strides = array<i32>} : memref<6144xf32, #tpu.memory_space<vmem>>, vector<16xf32>,
      %add3A_263 = arith.constant 576 : i32
      %add3A_264 = arith.addi %mul3A_31, %add3A_263 : i32
      %add3A_265 = arith.constant 32 : i32
      %add3A_266 = arith.addi %add3A_264, %add3A_265 : i32
      %get3A_267 = arith.index_cast %add3A_266 : i32 to index
      %get3A_268 = tpu.vector_load %arg6[%get3A_267] {strides = array<i32>} : memref<6144xf32, #tpu.memory_space<vmem>>, vector<16xf32>,
      %add3A_269 = arith.constant 624 : i32
      %add3A_270 = arith.addi %mul3A_31, %add3A_269 : i32
      %add3A_271 = arith.constant 32 : i32
      %add3A_272 = arith.addi %add3A_270, %add3A_271 : i32
      %get3A_273 = arith.index_cast %add3A_272 : i32 to index
      %get3A_274 = tpu.vector_load %arg6[%get3A_273] {strides = array<i32>} : memref<6144xf32, #tpu.memory_space<vmem>>, vector<16xf32>,
      %add3A_275 = arith.constant 672 : i32
      %add3A_276 = arith.addi %mul3A_31, %add3A_275 : i32
      %add3A_277 = arith.constant 32 : i32
      %add3A_278 = arith.addi %add3A_276, %add3A_277 : i32
      %get3A_279 = arith.index_cast %add3A_278 : i32 to index
      %get3A_280 = tpu.vector_load %arg6[%get3A_279] {strides = array<i32>} : memref<6144xf32, #tpu.memory_space<vmem>>, vector<16xf32>,
      %add3A_281 = arith.constant 720 : i32
      %add3A_282 = arith.addi %mul3A_31, %add3A_281 : i32
      %add3A_283 = arith.constant 32 : i32
      %add3A_284 = arith.addi %add3A_282, %add3A_283 : i32
      %get3A_285 = arith.index_cast %add3A_284 : i32 to index
      %get3A_286 = tpu.vector_load %arg6[%get3A_285] {strides = array<i32>} : memref<6144xf32, #tpu.memory_space<vmem>>, vector<16xf32>,
      %scan3A_287 = arith.constant 0 : i32
      %scan3A_288 = arith.constant 192 : i32
      %scan3A_289 = arith.addi %scan3A_287, %scan3A_288 : i32
      %scan3A_290 = arith.constant 1 : i32
      %scan3A_291:16 = scf.for %scan3A_420 = %scan3A_287 to %scan3A_289 step %scan3A_290 iter_args(%scan3A_421 = %broadcast_in_dim3A_17, %scan3A_422 = %broadcast_in_dim3A_17, %scan3A_423 = %broadcast_in_dim3A_17, %scan3A_424 = %broadcast_in_dim3A_17, %scan3A_425 = %broadcast_in_dim3A_17, %scan3A_426 = %broadcast_in_dim3A_17, %scan3A_427 = %broadcast_in_dim3A_17, %scan3A_428 = %broadcast_in_dim3A_17, %scan3A_429 = %broadcast_in_dim3A_17, %scan3A_430 = %broadcast_in_dim3A_17, %scan3A_431 = %broadcast_in_dim3A_17, %scan3A_432 = %broadcast_in_dim3A_17, %scan3A_433 = %broadcast_in_dim3A_17, %scan3A_434 = %broadcast_in_dim3A_17, %scan3A_435 = %broadcast_in_dim3A_17, %scan3A_436 = %broadcast_in_dim3A_17) -> (vector<16xf32>, vector<16xf32>, vector<16xf32>, vector<16xf32>, vector<16xf32>, vector<16xf32>, vector<16xf32>, vector<16xf32>, vector<16xf32>, vector<16xf32>, vector<16xf32>, vector<16xf32>, vector<16xf32>, vector<16xf32>, vector<16xf32>, vector<16xf32>)  : i32 {
        %mul3A_437 = arith.constant 16 : i32
        %mul3A_438 = arith.muli %scan3A_420, %mul3A_437 : i32
        %get3A_439 = arith.constant 0 : i32
        %get3A_440 = arith.index_cast %get3A_439 : i32 to index
        %get3A_441 = arith.index_cast %mul3A_438 : i32 to index
        %get3A_442 = tpu.vector_load %arg5[%get3A_440, %get3A_441] {strides = array<i32>} : memref<3x3072xf32, #tpu.memory_space<vmem>>, vector<16xf32>,
        %mul3A_443 = arith.constant 16 : i32
        %mul3A_444 = arith.muli %scan3A_420, %mul3A_443 : i32
        %get3A_445 = arith.constant 1 : i32
        %get3A_446 = arith.index_cast %get3A_445 : i32 to index
        %get3A_447 = arith.index_cast %mul3A_444 : i32 to index
        %get3A_448 = tpu.vector_load %arg5[%get3A_446, %get3A_447] {strides = array<i32>} : memref<3x3072xf32, #tpu.memory_space<vmem>>, vector<16xf32>,
        %mul3A_449 = arith.constant 16 : i32
        %mul3A_450 = arith.muli %scan3A_420, %mul3A_449 : i32
        %get3A_451 = arith.constant 2 : i32
        %get3A_452 = arith.index_cast %get3A_451 : i32 to index
        %get3A_453 = arith.index_cast %mul3A_450 : i32 to index
        %get3A_454 = tpu.vector_load %arg5[%get3A_452, %get3A_453] {strides = array<i32>} : memref<3x3072xf32, #tpu.memory_space<vmem>>, vector<16xf32>,
        %sub3A_455 = arith.subf %get3A_34, %get3A_442 : vector<16xf32>
        %sub3A_456 = arith.subf %get3A_100, %get3A_448 : vector<16xf32>
        %sub3A_457 = arith.subf %get3A_196, %get3A_454 : vector<16xf32>
        %mul3A_458 = arith.mulf %sub3A_455, %sub3A_455 : vector<16xf32>
        %mul3A_459 = arith.mulf %sub3A_456, %sub3A_456 : vector<16xf32>
        %add3A_460 = arith.addf %mul3A_458, %mul3A_459 : vector<16xf32>
        %mul3A_461 = arith.mulf %sub3A_457, %sub3A_457 : vector<16xf32>
        %add3A_462 = arith.addf %add3A_460, %mul3A_461 : vector<16xf32>
        %masked_sort3A = arith.constant dense<true> : vector<16xi1>
        %masked_sort3A_463, %masked_sort3A_464, %masked_sort3A_465 = tpu.sort %add3A_462, %add3A_462 masked %masked_sort3A {descending = true} : (vector<16xf32>, vector<16xf32>, vector<16xi1>) -> (vector<16xi1>, vector<16xf32>, vector<16xf32>)
        %min3A = arith.minimumf %scan3A_421, %masked_sort3A_464 : vector<16xf32>
        %masked_sort3A_466 = arith.constant dense<true> : vector<16xi1>
        %masked_sort3A_467, %masked_sort3A_468, %masked_sort3A_469 = tpu.sort %min3A, %min3A masked %masked_sort3A_466 : (vector<16xf32>, vector<16xf32>, vector<16xi1>) -> (vector<16xi1>, vector<16xf32>, vector<16xf32>)
        %sub3A_470 = arith.subf %get3A_38, %get3A_442 : vector<16xf32>
        %sub3A_471 = arith.subf %get3A_106, %get3A_448 : vector<16xf32>
        %sub3A_472 = arith.subf %get3A_202, %get3A_454 : vector<16xf32>
        %mul3A_473 = arith.mulf %sub3A_470, %sub3A_470 : vector<16xf32>
        %mul3A_474 = arith.mulf %sub3A_471, %sub3A_471 : vector<16xf32>
        %add3A_475 = arith.addf %mul3A_473, %mul3A_474 : vector<16xf32>
        %mul3A_476 = arith.mulf %sub3A_472, %sub3A_472 : vector<16xf32>
        %add3A_477 = arith.addf %add3A_475, %mul3A_476 : vector<16xf32>
        %masked_sort3A_478 = arith.constant dense<true> : vector<16xi1>
        %masked_sort3A_479, %masked_sort3A_480, %masked_sort3A_481 = tpu.sort %add3A_477, %add3A_477 masked %masked_sort3A_478 {descending = true} : (vector<16xf32>, vector<16xf32>, vector<16xi1>) -> (vector<16xi1>, vector<16xf32>, vector<16xf32>)
        %min3A_482 = arith.minimumf %scan3A_422, %masked_sort3A_480 : vector<16xf32>
        %masked_sort3A_483 = arith.constant dense<true> : vector<16xi1>
        %masked_sort3A_484, %masked_sort3A_485, %masked_sort3A_486 = tpu.sort %min3A_482, %min3A_482 masked %masked_sort3A_483 : (vector<16xf32>, vector<16xf32>, vector<16xi1>) -> (vector<16xi1>, vector<16xf32>, vector<16xf32>)
        %sub3A_487 = arith.subf %get3A_42, %get3A_442 : vector<16xf32>
        %sub3A_488 = arith.subf %get3A_112, %get3A_448 : vector<16xf32>
        %sub3A_489 = arith.subf %get3A_208, %get3A_454 : vector<16xf32>
        %mul3A_490 = arith.mulf %sub3A_487, %sub3A_487 : vector<16xf32>
        %mul3A_491 = arith.mulf %sub3A_488, %sub3A_488 : vector<16xf32>
        %add3A_492 = arith.addf %mul3A_490, %mul3A_491 : vector<16xf32>
        %mul3A_493 = arith.mulf %sub3A_489, %sub3A_489 : vector<16xf32>
        %add3A_494 = arith.addf %add3A_492, %mul3A_493 : vector<16xf32>
        %masked_sort3A_495 = arith.constant dense<true> : vector<16xi1>
        %masked_sort3A_496, %masked_sort3A_497, %masked_sort3A_498 = tpu.sort %add3A_494, %add3A_494 masked %masked_sort3A_495 {descending = true} : (vector<16xf32>, vector<16xf32>, vector<16xi1>) -> (vector<16xi1>, vector<16xf32>, vector<16xf32>)
        %min3A_499 = arith.minimumf %scan3A_423, %masked_sort3A_497 : vector<16xf32>
        %masked_sort3A_500 = arith.constant dense<true> : vector<16xi1>
        %masked_sort3A_501, %masked_sort3A_502, %masked_sort3A_503 = tpu.sort %min3A_499, %min3A_499 masked %masked_sort3A_500 : (vector<16xf32>, vector<16xf32>, vector<16xi1>) -> (vector<16xi1>, vector<16xf32>, vector<16xf32>)
        %sub3A_504 = arith.subf %get3A_46, %get3A_442 : vector<16xf32>
        %sub3A_505 = arith.subf %get3A_118, %get3A_448 : vector<16xf32>
        %sub3A_506 = arith.subf %get3A_214, %get3A_454 : vector<16xf32>
        %mul3A_507 = arith.mulf %sub3A_504, %sub3A_504 : vector<16xf32>
        %mul3A_508 = arith.mulf %sub3A_505, %sub3A_505 : vector<16xf32>
        %add3A_509 = arith.addf %mul3A_507, %mul3A_508 : vector<16xf32>
        %mul3A_510 = arith.mulf %sub3A_506, %sub3A_506 : vector<16xf32>
        %add3A_511 = arith.addf %add3A_509, %mul3A_510 : vector<16xf32>
        %masked_sort3A_512 = arith.constant dense<true> : vector<16xi1>
        %masked_sort3A_513, %masked_sort3A_514, %masked_sort3A_515 = tpu.sort %add3A_511, %add3A_511 masked %masked_sort3A_512 {descending = true} : (vector<16xf32>, vector<16xf32>, vector<16xi1>) -> (vector<16xi1>, vector<16xf32>, vector<16xf32>)
        %min3A_516 = arith.minimumf %scan3A_424, %masked_sort3A_514 : vector<16xf32>
        %masked_sort3A_517 = arith.constant dense<true> : vector<16xi1>
        %masked_sort3A_518, %masked_sort3A_519, %masked_sort3A_520 = tpu.sort %min3A_516, %min3A_516 masked %masked_sort3A_517 : (vector<16xf32>, vector<16xf32>, vector<16xi1>) -> (vector<16xi1>, vector<16xf32>, vector<16xf32>)
        %sub3A_521 = arith.subf %get3A_50, %get3A_442 : vector<16xf32>
        %sub3A_522 = arith.subf %get3A_124, %get3A_448 : vector<16xf32>
        %sub3A_523 = arith.subf %get3A_220, %get3A_454 : vector<16xf32>
        %mul3A_524 = arith.mulf %sub3A_521, %sub3A_521 : vector<16xf32>
        %mul3A_525 = arith.mulf %sub3A_522, %sub3A_522 : vector<16xf32>
        %add3A_526 = arith.addf %mul3A_524, %mul3A_525 : vector<16xf32>
        %mul3A_527 = arith.mulf %sub3A_523, %sub3A_523 : vector<16xf32>
        %add3A_528 = arith.addf %add3A_526, %mul3A_527 : vector<16xf32>
        %masked_sort3A_529 = arith.constant dense<true> : vector<16xi1>
        %masked_sort3A_530, %masked_sort3A_531, %masked_sort3A_532 = tpu.sort %add3A_528, %add3A_528 masked %masked_sort3A_529 {descending = true} : (vector<16xf32>, vector<16xf32>, vector<16xi1>) -> (vector<16xi1>, vector<16xf32>, vector<16xf32>)
        %min3A_533 = arith.minimumf %scan3A_425, %masked_sort3A_531 : vector<16xf32>
        %masked_sort3A_534 = arith.constant dense<true> : vector<16xi1>
        %masked_sort3A_535, %masked_sort3A_536, %masked_sort3A_537 = tpu.sort %min3A_533, %min3A_533 masked %masked_sort3A_534 : (vector<16xf32>, vector<16xf32>, vector<16xi1>) -> (vector<16xi1>, vector<16xf32>, vector<16xf32>)
        %sub3A_538 = arith.subf %get3A_54, %get3A_442 : vector<16xf32>
        %sub3A_539 = arith.subf %get3A_130, %get3A_448 : vector<16xf32>
        %sub3A_540 = arith.subf %get3A_226, %get3A_454 : vector<16xf32>
        %mul3A_541 = arith.mulf %sub3A_538, %sub3A_538 : vector<16xf32>
        %mul3A_542 = arith.mulf %sub3A_539, %sub3A_539 : vector<16xf32>
        %add3A_543 = arith.addf %mul3A_541, %mul3A_542 : vector<16xf32>
        %mul3A_544 = arith.mulf %sub3A_540, %sub3A_540 : vector<16xf32>
        %add3A_545 = arith.addf %add3A_543, %mul3A_544 : vector<16xf32>
        %masked_sort3A_546 = arith.constant dense<true> : vector<16xi1>
        %masked_sort3A_547, %masked_sort3A_548, %masked_sort3A_549 = tpu.sort %add3A_545, %add3A_545 masked %masked_sort3A_546 {descending = true} : (vector<16xf32>, vector<16xf32>, vector<16xi1>) -> (vector<16xi1>, vector<16xf32>, vector<16xf32>)
        %min3A_550 = arith.minimumf %scan3A_426, %masked_sort3A_548 : vector<16xf32>
        %masked_sort3A_551 = arith.constant dense<true> : vector<16xi1>
        %masked_sort3A_552, %masked_sort3A_553, %masked_sort3A_554 = tpu.sort %min3A_550, %min3A_550 masked %masked_sort3A_551 : (vector<16xf32>, vector<16xf32>, vector<16xi1>) -> (vector<16xi1>, vector<16xf32>, vector<16xf32>)
        %sub3A_555 = arith.subf %get3A_58, %get3A_442 : vector<16xf32>
        %sub3A_556 = arith.subf %get3A_136, %get3A_448 : vector<16xf32>
        %sub3A_557 = arith.subf %get3A_232, %get3A_454 : vector<16xf32>
        %mul3A_558 = arith.mulf %sub3A_555, %sub3A_555 : vector<16xf32>
        %mul3A_559 = arith.mulf %sub3A_556, %sub3A_556 : vector<16xf32>
        %add3A_560 = arith.addf %mul3A_558, %mul3A_559 : vector<16xf32>
        %mul3A_561 = arith.mulf %sub3A_557, %sub3A_557 : vector<16xf32>
        %add3A_562 = arith.addf %add3A_560, %mul3A_561 : vector<16xf32>
        %masked_sort3A_563 = arith.constant dense<true> : vector<16xi1>
        %masked_sort3A_564, %masked_sort3A_565, %masked_sort3A_566 = tpu.sort %add3A_562, %add3A_562 masked %masked_sort3A_563 {descending = true} : (vector<16xf32>, vector<16xf32>, vector<16xi1>) -> (vector<16xi1>, vector<16xf32>, vector<16xf32>)
        %min3A_567 = arith.minimumf %scan3A_427, %masked_sort3A_565 : vector<16xf32>
        %masked_sort3A_568 = arith.constant dense<true> : vector<16xi1>
        %masked_sort3A_569, %masked_sort3A_570, %masked_sort3A_571 = tpu.sort %min3A_567, %min3A_567 masked %masked_sort3A_568 : (vector<16xf32>, vector<16xf32>, vector<16xi1>) -> (vector<16xi1>, vector<16xf32>, vector<16xf32>)
        %sub3A_572 = arith.subf %get3A_62, %get3A_442 : vector<16xf32>
        %sub3A_573 = arith.subf %get3A_142, %get3A_448 : vector<16xf32>
        %sub3A_574 = arith.subf %get3A_238, %get3A_454 : vector<16xf32>
        %mul3A_575 = arith.mulf %sub3A_572, %sub3A_572 : vector<16xf32>
        %mul3A_576 = arith.mulf %sub3A_573, %sub3A_573 : vector<16xf32>
        %add3A_577 = arith.addf %mul3A_575, %mul3A_576 : vector<16xf32>
        %mul3A_578 = arith.mulf %sub3A_574, %sub3A_574 : vector<16xf32>
        %add3A_579 = arith.addf %add3A_577, %mul3A_578 : vector<16xf32>
        %masked_sort3A_580 = arith.constant dense<true> : vector<16xi1>
        %masked_sort3A_581, %masked_sort3A_582, %masked_sort3A_583 = tpu.sort %add3A_579, %add3A_579 masked %masked_sort3A_580 {descending = true} : (vector<16xf32>, vector<16xf32>, vector<16xi1>) -> (vector<16xi1>, vector<16xf32>, vector<16xf32>)
        %min3A_584 = arith.minimumf %scan3A_428, %masked_sort3A_582 : vector<16xf32>
        %masked_sort3A_585 = arith.constant dense<true> : vector<16xi1>
        %masked_sort3A_586, %masked_sort3A_587, %masked_sort3A_588 = tpu.sort %min3A_584, %min3A_584 masked %masked_sort3A_585 : (vector<16xf32>, vector<16xf32>, vector<16xi1>) -> (vector<16xi1>, vector<16xf32>, vector<16xf32>)
        %sub3A_589 = arith.subf %get3A_66, %get3A_442 : vector<16xf32>
        %sub3A_590 = arith.subf %get3A_148, %get3A_448 : vector<16xf32>
        %sub3A_591 = arith.subf %get3A_244, %get3A_454 : vector<16xf32>
        %mul3A_592 = arith.mulf %sub3A_589, %sub3A_589 : vector<16xf32>
        %mul3A_593 = arith.mulf %sub3A_590, %sub3A_590 : vector<16xf32>
        %add3A_594 = arith.addf %mul3A_592, %mul3A_593 : vector<16xf32>
        %mul3A_595 = arith.mulf %sub3A_591, %sub3A_591 : vector<16xf32>
        %add3A_596 = arith.addf %add3A_594, %mul3A_595 : vector<16xf32>
        %masked_sort3A_597 = arith.constant dense<true> : vector<16xi1>
        %masked_sort3A_598, %masked_sort3A_599, %masked_sort3A_600 = tpu.sort %add3A_596, %add3A_596 masked %masked_sort3A_597 {descending = true} : (vector<16xf32>, vector<16xf32>, vector<16xi1>) -> (vector<16xi1>, vector<16xf32>, vector<16xf32>)
        %min3A_601 = arith.minimumf %scan3A_429, %masked_sort3A_599 : vector<16xf32>
        %masked_sort3A_602 = arith.constant dense<true> : vector<16xi1>
        %masked_sort3A_603, %masked_sort3A_604, %masked_sort3A_605 = tpu.sort %min3A_601, %min3A_601 masked %masked_sort3A_602 : (vector<16xf32>, vector<16xf32>, vector<16xi1>) -> (vector<16xi1>, vector<16xf32>, vector<16xf32>)
        %sub3A_606 = arith.subf %get3A_70, %get3A_442 : vector<16xf32>
        %sub3A_607 = arith.subf %get3A_154, %get3A_448 : vector<16xf32>
        %sub3A_608 = arith.subf %get3A_250, %get3A_454 : vector<16xf32>
        %mul3A_609 = arith.mulf %sub3A_606, %sub3A_606 : vector<16xf32>
        %mul3A_610 = arith.mulf %sub3A_607, %sub3A_607 : vector<16xf32>
        %add3A_611 = arith.addf %mul3A_609, %mul3A_610 : vector<16xf32>
        %mul3A_612 = arith.mulf %sub3A_608, %sub3A_608 : vector<16xf32>
        %add3A_613 = arith.addf %add3A_611, %mul3A_612 : vector<16xf32>
        %masked_sort3A_614 = arith.constant dense<true> : vector<16xi1>
        %masked_sort3A_615, %masked_sort3A_616, %masked_sort3A_617 = tpu.sort %add3A_613, %add3A_613 masked %masked_sort3A_614 {descending = true} : (vector<16xf32>, vector<16xf32>, vector<16xi1>) -> (vector<16xi1>, vector<16xf32>, vector<16xf32>)
        %min3A_618 = arith.minimumf %scan3A_430, %masked_sort3A_616 : vector<16xf32>
        %masked_sort3A_619 = arith.constant dense<true> : vector<16xi1>
        %masked_sort3A_620, %masked_sort3A_621, %masked_sort3A_622 = tpu.sort %min3A_618, %min3A_618 masked %masked_sort3A_619 : (vector<16xf32>, vector<16xf32>, vector<16xi1>) -> (vector<16xi1>, vector<16xf32>, vector<16xf32>)
        %sub3A_623 = arith.subf %get3A_74, %get3A_442 : vector<16xf32>
        %sub3A_624 = arith.subf %get3A_160, %get3A_448 : vector<16xf32>
        %sub3A_625 = arith.subf %get3A_256, %get3A_454 : vector<16xf32>
        %mul3A_626 = arith.mulf %sub3A_623, %sub3A_623 : vector<16xf32>
        %mul3A_627 = arith.mulf %sub3A_624, %sub3A_624 : vector<16xf32>
        %add3A_628 = arith.addf %mul3A_626, %mul3A_627 : vector<16xf32>
        %mul3A_629 = arith.mulf %sub3A_625, %sub3A_625 : vector<16xf32>
        %add3A_630 = arith.addf %add3A_628, %mul3A_629 : vector<16xf32>
        %masked_sort3A_631 = arith.constant dense<true> : vector<16xi1>
        %masked_sort3A_632, %masked_sort3A_633, %masked_sort3A_634 = tpu.sort %add3A_630, %add3A_630 masked %masked_sort3A_631 {descending = true} : (vector<16xf32>, vector<16xf32>, vector<16xi1>) -> (vector<16xi1>, vector<16xf32>, vector<16xf32>)
        %min3A_635 = arith.minimumf %scan3A_431, %masked_sort3A_633 : vector<16xf32>
        %masked_sort3A_636 = arith.constant dense<true> : vector<16xi1>
        %masked_sort3A_637, %masked_sort3A_638, %masked_sort3A_639 = tpu.sort %min3A_635, %min3A_635 masked %masked_sort3A_636 : (vector<16xf32>, vector<16xf32>, vector<16xi1>) -> (vector<16xi1>, vector<16xf32>, vector<16xf32>)
        %sub3A_640 = arith.subf %get3A_78, %get3A_442 : vector<16xf32>
        %sub3A_641 = arith.subf %get3A_166, %get3A_448 : vector<16xf32>
        %sub3A_642 = arith.subf %get3A_262, %get3A_454 : vector<16xf32>
        %mul3A_643 = arith.mulf %sub3A_640, %sub3A_640 : vector<16xf32>
        %mul3A_644 = arith.mulf %sub3A_641, %sub3A_641 : vector<16xf32>
        %add3A_645 = arith.addf %mul3A_643, %mul3A_644 : vector<16xf32>
        %mul3A_646 = arith.mulf %sub3A_642, %sub3A_642 : vector<16xf32>
        %add3A_647 = arith.addf %add3A_645, %mul3A_646 : vector<16xf32>
        %masked_sort3A_648 = arith.constant dense<true> : vector<16xi1>
        %masked_sort3A_649, %masked_sort3A_650, %masked_sort3A_651 = tpu.sort %add3A_647, %add3A_647 masked %masked_sort3A_648 {descending = true} : (vector<16xf32>, vector<16xf32>, vector<16xi1>) -> (vector<16xi1>, vector<16xf32>, vector<16xf32>)
        %min3A_652 = arith.minimumf %scan3A_432, %masked_sort3A_650 : vector<16xf32>
        %masked_sort3A_653 = arith.constant dense<true> : vector<16xi1>
        %masked_sort3A_654, %masked_sort3A_655, %masked_sort3A_656 = tpu.sort %min3A_652, %min3A_652 masked %masked_sort3A_653 : (vector<16xf32>, vector<16xf32>, vector<16xi1>) -> (vector<16xi1>, vector<16xf32>, vector<16xf32>)
        %sub3A_657 = arith.subf %get3A_82, %get3A_442 : vector<16xf32>
        %sub3A_658 = arith.subf %get3A_172, %get3A_448 : vector<16xf32>
        %sub3A_659 = arith.subf %get3A_268, %get3A_454 : vector<16xf32>
        %mul3A_660 = arith.mulf %sub3A_657, %sub3A_657 : vector<16xf32>
        %mul3A_661 = arith.mulf %sub3A_658, %sub3A_658 : vector<16xf32>
        %add3A_662 = arith.addf %mul3A_660, %mul3A_661 : vector<16xf32>
        %mul3A_663 = arith.mulf %sub3A_659, %sub3A_659 : vector<16xf32>
        %add3A_664 = arith.addf %add3A_662, %mul3A_663 : vector<16xf32>
        %masked_sort3A_665 = arith.constant dense<true> : vector<16xi1>
        %masked_sort3A_666, %masked_sort3A_667, %masked_sort3A_668 = tpu.sort %add3A_664, %add3A_664 masked %masked_sort3A_665 {descending = true} : (vector<16xf32>, vector<16xf32>, vector<16xi1>) -> (vector<16xi1>, vector<16xf32>, vector<16xf32>)
        %min3A_669 = arith.minimumf %scan3A_433, %masked_sort3A_667 : vector<16xf32>
        %masked_sort3A_670 = arith.constant dense<true> : vector<16xi1>
        %masked_sort3A_671, %masked_sort3A_672, %masked_sort3A_673 = tpu.sort %min3A_669, %min3A_669 masked %masked_sort3A_670 : (vector<16xf32>, vector<16xf32>, vector<16xi1>) -> (vector<16xi1>, vector<16xf32>, vector<16xf32>)
        %sub3A_674 = arith.subf %get3A_86, %get3A_442 : vector<16xf32>
        %sub3A_675 = arith.subf %get3A_178, %get3A_448 : vector<16xf32>
        %sub3A_676 = arith.subf %get3A_274, %get3A_454 : vector<16xf32>
        %mul3A_677 = arith.mulf %sub3A_674, %sub3A_674 : vector<16xf32>
        %mul3A_678 = arith.mulf %sub3A_675, %sub3A_675 : vector<16xf32>
        %add3A_679 = arith.addf %mul3A_677, %mul3A_678 : vector<16xf32>
        %mul3A_680 = arith.mulf %sub3A_676, %sub3A_676 : vector<16xf32>
        %add3A_681 = arith.addf %add3A_679, %mul3A_680 : vector<16xf32>
        %masked_sort3A_682 = arith.constant dense<true> : vector<16xi1>
        %masked_sort3A_683, %masked_sort3A_684, %masked_sort3A_685 = tpu.sort %add3A_681, %add3A_681 masked %masked_sort3A_682 {descending = true} : (vector<16xf32>, vector<16xf32>, vector<16xi1>) -> (vector<16xi1>, vector<16xf32>, vector<16xf32>)
        %min3A_686 = arith.minimumf %scan3A_434, %masked_sort3A_684 : vector<16xf32>
        %masked_sort3A_687 = arith.constant dense<true> : vector<16xi1>
        %masked_sort3A_688, %masked_sort3A_689, %masked_sort3A_690 = tpu.sort %min3A_686, %min3A_686 masked %masked_sort3A_687 : (vector<16xf32>, vector<16xf32>, vector<16xi1>) -> (vector<16xi1>, vector<16xf32>, vector<16xf32>)
        %sub3A_691 = arith.subf %get3A_90, %get3A_442 : vector<16xf32>
        %sub3A_692 = arith.subf %get3A_184, %get3A_448 : vector<16xf32>
        %sub3A_693 = arith.subf %get3A_280, %get3A_454 : vector<16xf32>
        %mul3A_694 = arith.mulf %sub3A_691, %sub3A_691 : vector<16xf32>
        %mul3A_695 = arith.mulf %sub3A_692, %sub3A_692 : vector<16xf32>
        %add3A_696 = arith.addf %mul3A_694, %mul3A_695 : vector<16xf32>
        %mul3A_697 = arith.mulf %sub3A_693, %sub3A_693 : vector<16xf32>
        %add3A_698 = arith.addf %add3A_696, %mul3A_697 : vector<16xf32>
        %masked_sort3A_699 = arith.constant dense<true> : vector<16xi1>
        %masked_sort3A_700, %masked_sort3A_701, %masked_sort3A_702 = tpu.sort %add3A_698, %add3A_698 masked %masked_sort3A_699 {descending = true} : (vector<16xf32>, vector<16xf32>, vector<16xi1>) -> (vector<16xi1>, vector<16xf32>, vector<16xf32>)
        %min3A_703 = arith.minimumf %scan3A_435, %masked_sort3A_701 : vector<16xf32>
        %masked_sort3A_704 = arith.constant dense<true> : vector<16xi1>
        %masked_sort3A_705, %masked_sort3A_706, %masked_sort3A_707 = tpu.sort %min3A_703, %min3A_703 masked %masked_sort3A_704 : (vector<16xf32>, vector<16xf32>, vector<16xi1>) -> (vector<16xi1>, vector<16xf32>, vector<16xf32>)
        %sub3A_708 = arith.subf %get3A_94, %get3A_442 : vector<16xf32>
        %sub3A_709 = arith.subf %get3A_190, %get3A_448 : vector<16xf32>
        %sub3A_710 = arith.subf %get3A_286, %get3A_454 : vector<16xf32>
        %mul3A_711 = arith.mulf %sub3A_708, %sub3A_708 : vector<16xf32>
        %mul3A_712 = arith.mulf %sub3A_709, %sub3A_709 : vector<16xf32>
        %add3A_713 = arith.addf %mul3A_711, %mul3A_712 : vector<16xf32>
        %mul3A_714 = arith.mulf %sub3A_710, %sub3A_710 : vector<16xf32>
        %add3A_715 = arith.addf %add3A_713, %mul3A_714 : vector<16xf32>
        %masked_sort3A_716 = arith.constant dense<true> : vector<16xi1>
        %masked_sort3A_717, %masked_sort3A_718, %masked_sort3A_719 = tpu.sort %add3A_715, %add3A_715 masked %masked_sort3A_716 {descending = true} : (vector<16xf32>, vector<16xf32>, vector<16xi1>) -> (vector<16xi1>, vector<16xf32>, vector<16xf32>)
        %min3A_720 = arith.minimumf %scan3A_436, %masked_sort3A_718 : vector<16xf32>
        %masked_sort3A_721 = arith.constant dense<true> : vector<16xi1>
        %masked_sort3A_722, %masked_sort3A_723, %masked_sort3A_724 = tpu.sort %min3A_720, %min3A_720 masked %masked_sort3A_721 : (vector<16xf32>, vector<16xf32>, vector<16xi1>) -> (vector<16xi1>, vector<16xf32>, vector<16xf32>)
        scf.yield %masked_sort3A_468, %masked_sort3A_485, %masked_sort3A_502, %masked_sort3A_519, %masked_sort3A_536, %masked_sort3A_553, %masked_sort3A_570, %masked_sort3A_587, %masked_sort3A_604, %masked_sort3A_621, %masked_sort3A_638, %masked_sort3A_655, %masked_sort3A_672, %masked_sort3A_689, %masked_sort3A_706, %masked_sort3A_723 : vector<16xf32>, vector<16xf32>, vector<16xf32>, vector<16xf32>, vector<16xf32>, vector<16xf32>, vector<16xf32>, vector<16xf32>, vector<16xf32>, vector<16xf32>, vector<16xf32>, vector<16xf32>, vector<16xf32>, vector<16xf32>, vector<16xf32>, vector<16xf32>
      }
      %scan3A_292 = arith.constant 192 : i32
      %mul3A_293 = arith.constant 16 : i32
      %mul3A_294 = arith.muli %scan3A_27, %mul3A_293 : i32
      %add3A_295 = arith.constant 0 : i32
      %add3A_296 = arith.addi %mul3A_294, %add3A_295 : i32
      %mul3A_297 = arith.constant 16 : i32
      %mul3A_298 = arith.muli %add3A_296, %mul3A_297 : i32
      %swap3A = arith.index_cast %mul3A_298 : i32 to index
      %swap3A_299 = tpu.vector_load %arg7[%swap3A] {strides = array<i32>} : memref<2048xf32, #tpu.memory_space<vmem>>, vector<16xf32>,
      tpu.vector_store %arg7[%swap3A], %scan3A_291#0 {strides = array<i32>} : memref<2048xf32, #tpu.memory_space<vmem>>, vector<16xf32>,
      %mul3A_300 = arith.constant 16 : i32
      %mul3A_301 = arith.muli %scan3A_27, %mul3A_300 : i32
      %add3A_302 = arith.constant 1 : i32
      %add3A_303 = arith.addi %mul3A_301, %add3A_302 : i32
      %mul3A_304 = arith.constant 16 : i32
      %mul3A_305 = arith.muli %add3A_303, %mul3A_304 : i32
      %swap3A_306 = arith.index_cast %mul3A_305 : i32 to index
      %swap3A_307 = tpu.vector_load %arg7[%swap3A_306] {strides = array<i32>} : memref<2048xf32, #tpu.memory_space<vmem>>, vector<16xf32>,
      tpu.vector_store %arg7[%swap3A_306], %scan3A_291#1 {strides = array<i32>} : memref<2048xf32, #tpu.memory_space<vmem>>, vector<16xf32>,
      %mul3A_308 = arith.constant 16 : i32
      %mul3A_309 = arith.muli %scan3A_27, %mul3A_308 : i32
      %add3A_310 = arith.constant 2 : i32
      %add3A_311 = arith.addi %mul3A_309, %add3A_310 : i32
      %mul3A_312 = arith.constant 16 : i32
      %mul3A_313 = arith.muli %add3A_311, %mul3A_312 : i32
      %swap3A_314 = arith.index_cast %mul3A_313 : i32 to index
      %swap3A_315 = tpu.vector_load %arg7[%swap3A_314] {strides = array<i32>} : memref<2048xf32, #tpu.memory_space<vmem>>, vector<16xf32>,
      tpu.vector_store %arg7[%swap3A_314], %scan3A_291#2 {strides = array<i32>} : memref<2048xf32, #tpu.memory_space<vmem>>, vector<16xf32>,
      %mul3A_316 = arith.constant 16 : i32
      %mul3A_317 = arith.muli %scan3A_27, %mul3A_316 : i32
      %add3A_318 = arith.constant 3 : i32
      %add3A_319 = arith.addi %mul3A_317, %add3A_318 : i32
      %mul3A_320 = arith.constant 16 : i32
      %mul3A_321 = arith.muli %add3A_319, %mul3A_320 : i32
      %swap3A_322 = arith.index_cast %mul3A_321 : i32 to index
      %swap3A_323 = tpu.vector_load %arg7[%swap3A_322] {strides = array<i32>} : memref<2048xf32, #tpu.memory_space<vmem>>, vector<16xf32>,
      tpu.vector_store %arg7[%swap3A_322], %scan3A_291#3 {strides = array<i32>} : memref<2048xf32, #tpu.memory_space<vmem>>, vector<16xf32>,
      %mul3A_324 = arith.constant 16 : i32
      %mul3A_325 = arith.muli %scan3A_27, %mul3A_324 : i32
      %add3A_326 = arith.constant 4 : i32
      %add3A_327 = arith.addi %mul3A_325, %add3A_326 : i32
      %mul3A_328 = arith.constant 16 : i32
      %mul3A_329 = arith.muli %add3A_327, %mul3A_328 : i32
      %swap3A_330 = arith.index_cast %mul3A_329 : i32 to index
      %swap3A_331 = tpu.vector_load %arg7[%swap3A_330] {strides = array<i32>} : memref<2048xf32, #tpu.memory_space<vmem>>, vector<16xf32>,
      tpu.vector_store %arg7[%swap3A_330], %scan3A_291#4 {strides = array<i32>} : memref<2048xf32, #tpu.memory_space<vmem>>, vector<16xf32>,
      %mul3A_332 = arith.constant 16 : i32
      %mul3A_333 = arith.muli %scan3A_27, %mul3A_332 : i32
      %add3A_334 = arith.constant 5 : i32
      %add3A_335 = arith.addi %mul3A_333, %add3A_334 : i32
      %mul3A_336 = arith.constant 16 : i32
      %mul3A_337 = arith.muli %add3A_335, %mul3A_336 : i32
      %swap3A_338 = arith.index_cast %mul3A_337 : i32 to index
      %swap3A_339 = tpu.vector_load %arg7[%swap3A_338] {strides = array<i32>} : memref<2048xf32, #tpu.memory_space<vmem>>, vector<16xf32>,
      tpu.vector_store %arg7[%swap3A_338], %scan3A_291#5 {strides = array<i32>} : memref<2048xf32, #tpu.memory_space<vmem>>, vector<16xf32>,
      %mul3A_340 = arith.constant 16 : i32
      %mul3A_341 = arith.muli %scan3A_27, %mul3A_340 : i32
      %add3A_342 = arith.constant 6 : i32
      %add3A_343 = arith.addi %mul3A_341, %add3A_342 : i32
      %mul3A_344 = arith.constant 16 : i32
      %mul3A_345 = arith.muli %add3A_343, %mul3A_344 : i32
      %swap3A_346 = arith.index_cast %mul3A_345 : i32 to index
      %swap3A_347 = tpu.vector_load %arg7[%swap3A_346] {strides = array<i32>} : memref<2048xf32, #tpu.memory_space<vmem>>, vector<16xf32>,
      tpu.vector_store %arg7[%swap3A_346], %scan3A_291#6 {strides = array<i32>} : memref<2048xf32, #tpu.memory_space<vmem>>, vector<16xf32>,
      %mul3A_348 = arith.constant 16 : i32
      %mul3A_349 = arith.muli %scan3A_27, %mul3A_348 : i32
      %add3A_350 = arith.constant 7 : i32
      %add3A_351 = arith.addi %mul3A_349, %add3A_350 : i32
      %mul3A_352 = arith.constant 16 : i32
      %mul3A_353 = arith.muli %add3A_351, %mul3A_352 : i32
      %swap3A_354 = arith.index_cast %mul3A_353 : i32 to index
      %swap3A_355 = tpu.vector_load %arg7[%swap3A_354] {strides = array<i32>} : memref<2048xf32, #tpu.memory_space<vmem>>, vector<16xf32>,
      tpu.vector_store %arg7[%swap3A_354], %scan3A_291#7 {strides = array<i32>} : memref<2048xf32, #tpu.memory_space<vmem>>, vector<16xf32>,
      %mul3A_356 = arith.constant 16 : i32
      %mul3A_357 = arith.muli %scan3A_27, %mul3A_356 : i32
      %add3A_358 = arith.constant 8 : i32
      %add3A_359 = arith.addi %mul3A_357, %add3A_358 : i32
      %mul3A_360 = arith.constant 16 : i32
      %mul3A_361 = arith.muli %add3A_359, %mul3A_360 : i32
      %swap3A_362 = arith.index_cast %mul3A_361 : i32 to index
      %swap3A_363 = tpu.vector_load %arg7[%swap3A_362] {strides = array<i32>} : memref<2048xf32, #tpu.memory_space<vmem>>, vector<16xf32>,
      tpu.vector_store %arg7[%swap3A_362], %scan3A_291#8 {strides = array<i32>} : memref<2048xf32, #tpu.memory_space<vmem>>, vector<16xf32>,
      %mul3A_364 = arith.constant 16 : i32
      %mul3A_365 = arith.muli %scan3A_27, %mul3A_364 : i32
      %add3A_366 = arith.constant 9 : i32
      %add3A_367 = arith.addi %mul3A_365, %add3A_366 : i32
      %mul3A_368 = arith.constant 16 : i32
      %mul3A_369 = arith.muli %add3A_367, %mul3A_368 : i32
      %swap3A_370 = arith.index_cast %mul3A_369 : i32 to index
      %swap3A_371 = tpu.vector_load %arg7[%swap3A_370] {strides = array<i32>} : memref<2048xf32, #tpu.memory_space<vmem>>, vector<16xf32>,
      tpu.vector_store %arg7[%swap3A_370], %scan3A_291#9 {strides = array<i32>} : memref<2048xf32, #tpu.memory_space<vmem>>, vector<16xf32>,
      %mul3A_372 = arith.constant 16 : i32
      %mul3A_373 = arith.muli %scan3A_27, %mul3A_372 : i32
      %add3A_374 = arith.constant 10 : i32
      %add3A_375 = arith.addi %mul3A_373, %add3A_374 : i32
      %mul3A_376 = arith.constant 16 : i32
      %mul3A_377 = arith.muli %add3A_375, %mul3A_376 : i32
      %swap3A_378 = arith.index_cast %mul3A_377 : i32 to index
      %swap3A_379 = tpu.vector_load %arg7[%swap3A_378] {strides = array<i32>} : memref<2048xf32, #tpu.memory_space<vmem>>, vector<16xf32>,
      tpu.vector_store %arg7[%swap3A_378], %scan3A_291#10 {strides = array<i32>} : memref<2048xf32, #tpu.memory_space<vmem>>, vector<16xf32>,
      %mul3A_380 = arith.constant 16 : i32
      %mul3A_381 = arith.muli %scan3A_27, %mul3A_380 : i32
      %add3A_382 = arith.constant 11 : i32
      %add3A_383 = arith.addi %mul3A_381, %add3A_382 : i32
      %mul3A_384 = arith.constant 16 : i32
      %mul3A_385 = arith.muli %add3A_383, %mul3A_384 : i32
      %swap3A_386 = arith.index_cast %mul3A_385 : i32 to index
      %swap3A_387 = tpu.vector_load %arg7[%swap3A_386] {strides = array<i32>} : memref<2048xf32, #tpu.memory_space<vmem>>, vector<16xf32>,
      tpu.vector_store %arg7[%swap3A_386], %scan3A_291#11 {strides = array<i32>} : memref<2048xf32, #tpu.memory_space<vmem>>, vector<16xf32>,
      %mul3A_388 = arith.constant 16 : i32
      %mul3A_389 = arith.muli %scan3A_27, %mul3A_388 : i32
      %add3A_390 = arith.constant 12 : i32
      %add3A_391 = arith.addi %mul3A_389, %add3A_390 : i32
      %mul3A_392 = arith.constant 16 : i32
      %mul3A_393 = arith.muli %add3A_391, %mul3A_392 : i32
      %swap3A_394 = arith.index_cast %mul3A_393 : i32 to index
      %swap3A_395 = tpu.vector_load %arg7[%swap3A_394] {strides = array<i32>} : memref<2048xf32, #tpu.memory_space<vmem>>, vector<16xf32>,
      tpu.vector_store %arg7[%swap3A_394], %scan3A_291#12 {strides = array<i32>} : memref<2048xf32, #tpu.memory_space<vmem>>, vector<16xf32>,
      %mul3A_396 = arith.constant 16 : i32
      %mul3A_397 = arith.muli %scan3A_27, %mul3A_396 : i32
      %add3A_398 = arith.constant 13 : i32
      %add3A_399 = arith.addi %mul3A_397, %add3A_398 : i32
      %mul3A_400 = arith.constant 16 : i32
      %mul3A_401 = arith.muli %add3A_399, %mul3A_400 : i32
      %swap3A_402 = arith.index_cast %mul3A_401 : i32 to index
      %swap3A_403 = tpu.vector_load %arg7[%swap3A_402] {strides = array<i32>} : memref<2048xf32, #tpu.memory_space<vmem>>, vector<16xf32>,
      tpu.vector_store %arg7[%swap3A_402], %scan3A_291#13 {strides = array<i32>} : memref<2048xf32, #tpu.memory_space<vmem>>, vector<16xf32>,
      %mul3A_404 = arith.constant 16 : i32
      %mul3A_405 = arith.muli %scan3A_27, %mul3A_404 : i32
      %add3A_406 = arith.constant 14 : i32
      %add3A_407 = arith.addi %mul3A_405, %add3A_406 : i32
      %mul3A_408 = arith.constant 16 : i32
      %mul3A_409 = arith.muli %add3A_407, %mul3A_408 : i32
      %swap3A_410 = arith.index_cast %mul3A_409 : i32 to index
      %swap3A_411 = tpu.vector_load %arg7[%swap3A_410] {strides = array<i32>} : memref<2048xf32, #tpu.memory_space<vmem>>, vector<16xf32>,
      tpu.vector_store %arg7[%swap3A_410], %scan3A_291#14 {strides = array<i32>} : memref<2048xf32, #tpu.memory_space<vmem>>, vector<16xf32>,
      %mul3A_412 = arith.constant 16 : i32
      %mul3A_413 = arith.muli %scan3A_27, %mul3A_412 : i32
      %add3A_414 = arith.constant 15 : i32
      %add3A_415 = arith.addi %mul3A_413, %add3A_414 : i32
      %mul3A_416 = arith.constant 16 : i32
      %mul3A_417 = arith.muli %add3A_415, %mul3A_416 : i32
      %swap3A_418 = arith.index_cast %mul3A_417 : i32 to index
      %swap3A_419 = tpu.vector_load %arg7[%swap3A_418] {strides = array<i32>} : memref<2048xf32, #tpu.memory_space<vmem>>, vector<16xf32>,
      tpu.vector_store %arg7[%swap3A_418], %scan3A_291#15 {strides = array<i32>} : memref<2048xf32, #tpu.memory_space<vmem>>, vector<16xf32>,
    }
    %scan3A_22 = arith.constant 8 : i32
    %mul3A_23 = arith.constant 128 : i32
    %mul3A_24 = arith.muli %add3A, %mul3A_23 : i32
    %mul3A_25 = arith.constant 16 : i32
    %mul3A_26 = arith.muli %mul3A_24, %mul3A_25 : i32
    "tpu.region"() ({
      %run_scoped3A = tpu.sem_alloc : memref<!tpu.dma_semaphore, #tpu.memory_space<semaphore_mem>>
      %dma_start3A = tpu.memref_slice %arg4[%mul3A_26] : memref<65536xf32, #tpu.memory_space<hbm>> -> memref<2048xf32, #tpu.memory_space<hbm>>
      %dma_start3A_27 = tpu.memref_slice %arg4[%mul3A_26] : memref<65536xf32, #tpu.memory_space<hbm>> -> memref<2048xf32, #tpu.memory_space<hbm>>
      tpu.enqueue_dma source(%arg7 : memref<2048xf32, #tpu.memory_space<vmem>>) target(%dma_start3A_27 : memref<2048xf32, #tpu.memory_space<hbm>>) target_semaphore(%run_scoped3A : memref<!tpu.dma_semaphore, #tpu.memory_space<semaphore_mem>>)
      %dma_wait3A = tpu.memref_slice %arg4[%mul3A_26] : memref<65536xf32, #tpu.memory_space<hbm>> -> memref<2048xf32, #tpu.memory_space<hbm>>
      %dma_wait3A_28 = tpu.memref_slice %arg4[%mul3A_26] : memref<65536xf32, #tpu.memory_space<hbm>> -> memref<2048xf32, #tpu.memory_space<hbm>>
      tpu.wait_dma2 semaphore(%run_scoped3A : memref<!tpu.dma_semaphore, #tpu.memory_space<semaphore_mem>>) src(%arg7 : memref<2048xf32, #tpu.memory_space<vmem>>) dst(%dma_wait3A_28 : memref<2048xf32, #tpu.memory_space<hbm>>)
      tpu.yield
    }) : () -> ()
    return
  }
}

module attributes {stable_mosaic.version = 14 : i64} {
  func.func @_proj_kernel(%arg0: memref<64x64xf32, #tpu.memory_space<vmem>>, %arg1: memref<64x64xf32, #tpu.memory_space<vmem>>, %arg2: memref<64x64xf32, #tpu.memory_space<vmem>>, %arg3: memref<64x8192xf32, #tpu.memory_space<vmem>>, %arg4: memref<64x8192xf32, #tpu.memory_space<vmem>>, %arg5: memref<64x8192xf32, #tpu.memory_space<vmem>>, %arg6: memref<64x8192xf32, #tpu.memory_space<vmem>>) attributes {dimension_semantics = [], scalar_prefetch = 0 : i64, scratch_operands = 0 : i64, tpu.core_type = #tpu.core_type<tc>} {
    %get3A = arith.constant 0 : index
    %get3A_0 = arith.constant 0 : index
    %get3A_1 = vector.load %arg3[%get3A, %get3A_0] : memref<64x8192xf32, #tpu.memory_space<vmem>>, vector<64x8192xf32>
    %get3A_2 = arith.constant 0 : index
    %get3A_3 = arith.constant 0 : index
    %get3A_4 = vector.load %arg0[%get3A_2, %get3A_3] : memref<64x64xf32, #tpu.memory_space<vmem>>, vector<64x64xf32>
    %dot_general3A = arith.constant dense<0.000000e+00> : vector<64x8192xf32>
    %dot_general3A_5 = tpu.matmul %get3A_4, %get3A_1, %dot_general3A {dimension_numbers = #tpu.dot_dimension_numbers<[1], [0], [0], [1], [0, 0, 1, 1], [], []>, transpose_lhs_hint = false} : vector<64x64xf32>, vector<64x8192xf32>, vector<64x8192xf32> -> vector<64x8192xf32>
    %swap3A = arith.constant 0 : index
    %swap3A_6 = arith.constant 0 : index
    %swap3A_7 = vector.load %arg4[%swap3A, %swap3A_6] : memref<64x8192xf32, #tpu.memory_space<vmem>>, vector<64x8192xf32>
    tpu.vector_store %arg4[%swap3A, %swap3A_6], %dot_general3A_5 {strides = array<i32>} : memref<64x8192xf32, #tpu.memory_space<vmem>>, vector<64x8192xf32>,
    %get3A_8 = arith.constant 0 : index
    %get3A_9 = arith.constant 0 : index
    %get3A_10 = vector.load %arg1[%get3A_8, %get3A_9] : memref<64x64xf32, #tpu.memory_space<vmem>>, vector<64x64xf32>
    %dot_general3A_11 = arith.constant dense<0.000000e+00> : vector<64x8192xf32>
    %dot_general3A_12 = tpu.matmul %get3A_10, %get3A_1, %dot_general3A_11 {dimension_numbers = #tpu.dot_dimension_numbers<[1], [0], [0], [1], [0, 0, 1, 1], [], []>, transpose_lhs_hint = false} : vector<64x64xf32>, vector<64x8192xf32>, vector<64x8192xf32> -> vector<64x8192xf32>
    %swap3A_13 = arith.constant 0 : index
    %swap3A_14 = arith.constant 0 : index
    %swap3A_15 = vector.load %arg5[%swap3A_13, %swap3A_14] : memref<64x8192xf32, #tpu.memory_space<vmem>>, vector<64x8192xf32>
    tpu.vector_store %arg5[%swap3A_13, %swap3A_14], %dot_general3A_12 {strides = array<i32>} : memref<64x8192xf32, #tpu.memory_space<vmem>>, vector<64x8192xf32>,
    %get3A_16 = arith.constant 0 : index
    %get3A_17 = arith.constant 0 : index
    %get3A_18 = vector.load %arg2[%get3A_16, %get3A_17] : memref<64x64xf32, #tpu.memory_space<vmem>>, vector<64x64xf32>
    %dot_general3A_19 = arith.constant dense<0.000000e+00> : vector<64x8192xf32>
    %dot_general3A_20 = tpu.matmul %get3A_18, %get3A_1, %dot_general3A_19 {dimension_numbers = #tpu.dot_dimension_numbers<[1], [0], [0], [1], [0, 0, 1, 1], [], []>, transpose_lhs_hint = false} : vector<64x64xf32>, vector<64x8192xf32>, vector<64x8192xf32> -> vector<64x8192xf32>
    %swap3A_21 = arith.constant 0 : index
    %swap3A_22 = arith.constant 0 : index
    %swap3A_23 = vector.load %arg6[%swap3A_21, %swap3A_22] : memref<64x8192xf32, #tpu.memory_space<vmem>>, vector<64x8192xf32>
    tpu.vector_store %arg6[%swap3A_21, %swap3A_22], %dot_general3A_20 {strides = array<i32>} : memref<64x8192xf32, #tpu.memory_space<vmem>>, vector<64x8192xf32>,
    return
  }
}

module attributes {stable_mosaic.version = 14 : i64} {
  func.func @_attn_kernel(%arg0: i32, %arg1: i32, %arg2: memref<1x256x4xf32, #tpu.memory_space<vmem>>, %arg3: memref<1x3x3072xf32, #tpu.memory_space<vmem>>, %arg4: memref<1x1x256xf32, #tpu.memory_space<vmem>>, %arg5: memref<1x256x64xf32, #tpu.memory_space<vmem>>, %arg6: memref<1x256x64xf32, #tpu.memory_space<vmem>>, %arg7: memref<1x256x64xf32, #tpu.memory_space<vmem>>, %arg8: memref<1x64x3072xf32, #tpu.memory_space<vmem>>, %arg9: memref<1x64x3072xf32, #tpu.memory_space<vmem>>, %arg10: memref<1x256x64xf32, #tpu.memory_space<vmem>>) attributes {dimension_semantics = [#tpu.dimension_semantics<arbitrary>, #tpu.dimension_semantics<arbitrary>], iteration_bounds = array<i64: 4, 4>, scalar_prefetch = 0 : i64, scratch_operands = 0 : i64, tpu.core_type = #tpu.core_type<tc>, window_params = [{transform_indices = @transform_0, window_bounds = array<i64: 1, 256, 4>}, {transform_indices = @transform_1, window_bounds = array<i64: 1, 3, 3072>}, {transform_indices = @transform_2, window_bounds = array<i64: 1, 1, 256>}, {transform_indices = @transform_3, window_bounds = array<i64: 1, 256, 64>}, {transform_indices = @transform_4, window_bounds = array<i64: 1, 256, 64>}, {transform_indices = @transform_5, window_bounds = array<i64: 1, 256, 64>}, {transform_indices = @transform_6, window_bounds = array<i64: 1, 64, 3072>}, {transform_indices = @transform_7, window_bounds = array<i64: 1, 64, 3072>}, {transform_indices = @transform_8, window_bounds = array<i64: 1, 256, 64>}]} {
    %get3A = arith.constant 0 : index
    %get3A_0 = arith.constant 0 : index
    %get3A_1 = arith.constant 0 : index
    %get3A_2 = vector.load %arg2[%get3A, %get3A_0, %get3A_1] : memref<1x256x4xf32, #tpu.memory_space<vmem>>, vector<1x256x4xf32>
    %get3A_3 = vector.shape_cast %get3A_2 : vector<1x256x4xf32> to vector<256x4xf32>
    %get3A_4 = arith.constant 0 : index
    %get3A_5 = arith.constant 0 : index
    %get3A_6 = arith.constant 0 : index
    %get3A_7 = vector.load %arg3[%get3A_4, %get3A_5, %get3A_6] : memref<1x3x3072xf32, #tpu.memory_space<vmem>>, vector<1x3x3072xf32>
    %get3A_8 = vector.shape_cast %get3A_7 : vector<1x3x3072xf32> to vector<3x3072xf32>
    %broadcast_in_dim3A = arith.constant 0.000000e+00 : f32
    %broadcast_in_dim3A_9 = vector.broadcast %broadcast_in_dim3A : f32 to vector<256x3072xf32>
    %slice3A = vector.extract_strided_slice %get3A_3 {offsets = [0, 0], sizes = [256, 1], strides = [1, 1]} : vector<256x4xf32> to vector<256x1xf32>
    %squeeze3A = vector.shape_cast %slice3A : vector<256x1xf32> to vector<256xf32>
    %broadcast_in_dim3A_10 = vector.shape_cast %squeeze3A : vector<256xf32> to vector<256x1xf32>
    %slice3A_11 = vector.extract_strided_slice %get3A_8 {offsets = [0, 0], sizes = [1, 3072], strides = [1, 1]} : vector<3x3072xf32> to vector<1x3072xf32>
    %squeeze3A_12 = vector.shape_cast %slice3A_11 : vector<1x3072xf32> to vector<3072xf32>
    %broadcast_in_dim3A_13 = vector.shape_cast %squeeze3A_12 : vector<3072xf32> to vector<1x3072xf32>
    %sub3A = vector.broadcast %broadcast_in_dim3A_10 : vector<256x1xf32> to vector<256x3072xf32>
    %sub3A_14 = vector.broadcast %broadcast_in_dim3A_13 : vector<1x3072xf32> to vector<256x3072xf32>
    %sub3A_15 = arith.subf %sub3A, %sub3A_14 : vector<256x3072xf32>
    %mul3A = arith.mulf %sub3A_15, %sub3A_15 : vector<256x3072xf32>
    %add3A = arith.addf %broadcast_in_dim3A_9, %mul3A : vector<256x3072xf32>
    %slice3A_16 = vector.extract_strided_slice %get3A_3 {offsets = [0, 1], sizes = [256, 1], strides = [1, 1]} : vector<256x4xf32> to vector<256x1xf32>
    %squeeze3A_17 = vector.shape_cast %slice3A_16 : vector<256x1xf32> to vector<256xf32>
    %broadcast_in_dim3A_18 = vector.shape_cast %squeeze3A_17 : vector<256xf32> to vector<256x1xf32>
    %slice3A_19 = vector.extract_strided_slice %get3A_8 {offsets = [1, 0], sizes = [1, 3072], strides = [1, 1]} : vector<3x3072xf32> to vector<1x3072xf32>
    %squeeze3A_20 = vector.shape_cast %slice3A_19 : vector<1x3072xf32> to vector<3072xf32>
    %broadcast_in_dim3A_21 = vector.shape_cast %squeeze3A_20 : vector<3072xf32> to vector<1x3072xf32>
    %sub3A_22 = vector.broadcast %broadcast_in_dim3A_18 : vector<256x1xf32> to vector<256x3072xf32>
    %sub3A_23 = vector.broadcast %broadcast_in_dim3A_21 : vector<1x3072xf32> to vector<256x3072xf32>
    %sub3A_24 = arith.subf %sub3A_22, %sub3A_23 : vector<256x3072xf32>
    %mul3A_25 = arith.mulf %sub3A_24, %sub3A_24 : vector<256x3072xf32>
    %add3A_26 = arith.addf %add3A, %mul3A_25 : vector<256x3072xf32>
    %slice3A_27 = vector.extract_strided_slice %get3A_3 {offsets = [0, 2], sizes = [256, 1], strides = [1, 1]} : vector<256x4xf32> to vector<256x1xf32>
    %squeeze3A_28 = vector.shape_cast %slice3A_27 : vector<256x1xf32> to vector<256xf32>
    %broadcast_in_dim3A_29 = vector.shape_cast %squeeze3A_28 : vector<256xf32> to vector<256x1xf32>
    %slice3A_30 = vector.extract_strided_slice %get3A_8 {offsets = [2, 0], sizes = [1, 3072], strides = [1, 1]} : vector<3x3072xf32> to vector<1x3072xf32>
    %squeeze3A_31 = vector.shape_cast %slice3A_30 : vector<1x3072xf32> to vector<3072xf32>
    %broadcast_in_dim3A_32 = vector.shape_cast %squeeze3A_31 : vector<3072xf32> to vector<1x3072xf32>
    %sub3A_33 = vector.broadcast %broadcast_in_dim3A_29 : vector<256x1xf32> to vector<256x3072xf32>
    %sub3A_34 = vector.broadcast %broadcast_in_dim3A_32 : vector<1x3072xf32> to vector<256x3072xf32>
    %sub3A_35 = arith.subf %sub3A_33, %sub3A_34 : vector<256x3072xf32>
    %mul3A_36 = arith.mulf %sub3A_35, %sub3A_35 : vector<256x3072xf32>
    %add3A_37 = arith.addf %add3A_26, %mul3A_36 : vector<256x3072xf32>
    %get3A_38 = arith.constant 0 : index
    %get3A_39 = arith.constant 0 : index
    %get3A_40 = arith.constant 0 : index
    %get3A_41 = vector.load %arg4[%get3A_38, %get3A_39, %get3A_40] : memref<1x1x256xf32, #tpu.memory_space<vmem>>, vector<1x1x256xf32>
    %get3A_42 = vector.shape_cast %get3A_41 : vector<1x1x256xf32> to vector<256xf32>
    %broadcast_in_dim3A_43 = vector.shape_cast %get3A_42 : vector<256xf32> to vector<256x1xf32>
    %lt3A = vector.broadcast %broadcast_in_dim3A_43 : vector<256x1xf32> to vector<256x3072xf32>
    %lt3A_44 = arith.cmpf olt, %add3A_37, %lt3A : vector<256x3072xf32>
    %eq3A = vector.broadcast %broadcast_in_dim3A_43 : vector<256x1xf32> to vector<256x3072xf32>
    %eq3A_45 = arith.cmpf oeq, %add3A_37, %eq3A : vector<256x3072xf32>
    %convert_element_type3A = arith.extui %lt3A_44 : vector<256x3072xi1> to vector<256x3072xi32>
    %convert_element_type3A_46 = arith.sitofp %convert_element_type3A : vector<256x3072xi32> to vector<256x3072xf32>
    %reduce_sum3A = arith.constant dense<0.000000e+00> : vector<256xf32>
    %reduce_sum3A_47 = vector.multi_reduction <add>, %convert_element_type3A_46, %reduce_sum3A [1] : vector<256x3072xf32> to vector<256xf32>
    %broadcast_in_dim3A_48 = vector.shape_cast %reduce_sum3A_47 : vector<256xf32> to vector<256x1xf32>
    %convert_element_type3A_49 = arith.extui %eq3A_45 : vector<256x3072xi1> to vector<256x3072xi32>
    %convert_element_type3A_50 = arith.sitofp %convert_element_type3A_49 : vector<256x3072xi32> to vector<256x3072xf32>
    %reduce_sum3A_51 = arith.constant dense<0.000000e+00> : vector<256xf32>
    %reduce_sum3A_52 = vector.multi_reduction <add>, %convert_element_type3A_50, %reduce_sum3A_51 [1] : vector<256x3072xf32> to vector<256xf32>
    %broadcast_in_dim3A_53 = vector.shape_cast %reduce_sum3A_52 : vector<256xf32> to vector<256x1xf32>
    %gt3A = arith.constant 0.000000e+00 : f32
    %gt3A_54 = vector.broadcast %gt3A : f32 to vector<256x1xf32>
    %gt3A_55 = arith.cmpf ogt, %broadcast_in_dim3A_53, %gt3A_54 : vector<256x1xf32>
    %sub3A_56 = arith.constant 1.600000e+01 : f32
    %sub3A_57 = vector.broadcast %sub3A_56 : f32 to vector<256x1xf32>
    %sub3A_58 = arith.subf %sub3A_57, %broadcast_in_dim3A_48 : vector<256x1xf32>
    %max3A = arith.constant 0.000000e+00 : f32
    %max3A_59 = vector.broadcast %max3A : f32 to vector<256x1xf32>
    %max3A_60 = arith.maximumf %sub3A_58, %max3A_59 : vector<256x1xf32>
    %max3A_61 = arith.constant 1.000000e+00 : f32
    %max3A_62 = vector.broadcast %max3A_61 : f32 to vector<256x1xf32>
    %max3A_63 = arith.maximumf %broadcast_in_dim3A_53, %max3A_62 : vector<256x1xf32>
    %div3A = arith.divf %max3A_60, %max3A_63 : vector<256x1xf32>
    %jit3A = arith.constant 0.000000e+00 : f32
    %broadcast_in_dim3A_64 = vector.broadcast %jit3A : f32 to vector<256x1xf32>
    %select_n3A = arith.select %gt3A_55, %div3A, %broadcast_in_dim3A_64 : vector<256x1xi1>, vector<256x1xf32>
    %convert_element_type3A_65 = arith.extui %lt3A_44 : vector<256x3072xi1> to vector<256x3072xi32>
    %convert_element_type3A_66 = arith.sitofp %convert_element_type3A_65 : vector<256x3072xi32> to vector<256x3072xf32>
    %convert_element_type3A_67 = arith.extui %eq3A_45 : vector<256x3072xi1> to vector<256x3072xi32>
    %convert_element_type3A_68 = arith.sitofp %convert_element_type3A_67 : vector<256x3072xi32> to vector<256x3072xf32>
    %mul3A_69 = vector.broadcast %select_n3A : vector<256x1xf32> to vector<256x3072xf32>
    %mul3A_70 = arith.mulf %convert_element_type3A_68, %mul3A_69 : vector<256x3072xf32>
    %add3A_71 = arith.addf %convert_element_type3A_66, %mul3A_70 : vector<256x3072xf32>
    %get3A_72 = arith.constant 0 : index
    %get3A_73 = arith.constant 0 : index
    %get3A_74 = arith.constant 0 : index
    %get3A_75 = vector.load %arg6[%get3A_72, %get3A_73, %get3A_74] : memref<1x256x64xf32, #tpu.memory_space<vmem>>, vector<1x256x64xf32>
    %get3A_76 = vector.shape_cast %get3A_75 : vector<1x256x64xf32> to vector<256x64xf32>
    %get3A_77 = arith.constant 0 : index
    %get3A_78 = arith.constant 0 : index
    %get3A_79 = arith.constant 0 : index
    %get3A_80 = vector.load %arg5[%get3A_77, %get3A_78, %get3A_79] : memref<1x256x64xf32, #tpu.memory_space<vmem>>, vector<1x256x64xf32>
    %get3A_81 = vector.shape_cast %get3A_80 : vector<1x256x64xf32> to vector<256x64xf32>
    %get3A_82 = arith.constant 0 : index
    %get3A_83 = arith.constant 0 : index
    %get3A_84 = arith.constant 0 : index
    %get3A_85 = vector.load %arg7[%get3A_82, %get3A_83, %get3A_84] : memref<1x256x64xf32, #tpu.memory_space<vmem>>, vector<1x256x64xf32>
    %get3A_86 = vector.shape_cast %get3A_85 : vector<1x256x64xf32> to vector<256x64xf32>
    %slice3A_87 = vector.extract_strided_slice %get3A_81 {offsets = [0, 0], sizes = [256, 16], strides = [1, 1]} : vector<256x64xf32> to vector<256x16xf32>
    %get3A_88 = arith.constant 0 : index
    %get3A_89 = arith.constant 0 : index
    %get3A_90 = arith.constant 0 : index
    %get3A_91 = vector.load %arg8[%get3A_88, %get3A_89, %get3A_90] : memref<1x64x3072xf32, #tpu.memory_space<vmem>>, vector<1x16x3072xf32>
    %get3A_92 = vector.shape_cast %get3A_91 : vector<1x16x3072xf32> to vector<16x3072xf32>
    %get3A_93 = arith.constant 0 : index
    %get3A_94 = arith.constant 0 : index
    %get3A_95 = arith.constant 0 : index
    %get3A_96 = vector.load %arg9[%get3A_93, %get3A_94, %get3A_95] : memref<1x64x3072xf32, #tpu.memory_space<vmem>>, vector<1x16x3072xf32>
    %get3A_97 = vector.shape_cast %get3A_96 : vector<1x16x3072xf32> to vector<16x3072xf32>
    %dot_general3A = arith.constant dense<0.000000e+00> : vector<256x3072xf32>
    %dot_general3A_98 = tpu.matmul %slice3A_87, %get3A_92, %dot_general3A {dimension_numbers = #tpu.dot_dimension_numbers<[1], [0], [0], [1], [0, 0, 1, 1], [], []>, transpose_lhs_hint = false} : vector<256x16xf32>, vector<16x3072xf32>, vector<256x3072xf32> -> vector<256x3072xf32>
    %mul3A_99 = arith.constant -2.500000e-01 : f32
    %mul3A_100 = vector.broadcast %mul3A_99 : f32 to vector<256x3072xf32>
    %mul3A_101 = arith.mulf %mul3A_100, %dot_general3A_98 : vector<256x3072xf32>
    %reduce_max3A = arith.constant dense<0xFF800000> : vector<256xf32>
    %reduce_max3A_102 = vector.multi_reduction <maximumf>, %mul3A_101, %reduce_max3A [1] : vector<256x3072xf32> to vector<256xf32>
    %broadcast_in_dim3A_103 = vector.shape_cast %reduce_max3A_102 : vector<256xf32> to vector<256x1xf32>
    %sub3A_104 = vector.broadcast %broadcast_in_dim3A_103 : vector<256x1xf32> to vector<256x3072xf32>
    %sub3A_105 = arith.subf %mul3A_101, %sub3A_104 : vector<256x3072xf32>
    %exp3A = math.exp %sub3A_105 : vector<256x3072xf32>
    %mul3A_106 = arith.mulf %add3A_71, %exp3A : vector<256x3072xf32>
    %reduce_sum3A_107 = arith.constant dense<0.000000e+00> : vector<256xf32>
    %reduce_sum3A_108 = vector.multi_reduction <add>, %mul3A_106, %reduce_sum3A_107 [1] : vector<256x3072xf32> to vector<256xf32>
    %broadcast_in_dim3A_109 = vector.shape_cast %reduce_sum3A_108 : vector<256xf32> to vector<256x1xf32>
    %dot_general3A_110 = arith.constant dense<0.000000e+00> : vector<256x16xf32>
    %dot_general3A_111 = tpu.matmul %mul3A_106, %get3A_97, %dot_general3A_110 {dimension_numbers = #tpu.dot_dimension_numbers<[1], [1], [0], [0], [0, 0, 1, 0], [], []>, transpose_lhs_hint = false} : vector<256x3072xf32>, vector<16x3072xf32>, vector<256x16xf32> -> vector<256x16xf32>
    %slice3A_112 = vector.extract_strided_slice %get3A_76 {offsets = [0, 0], sizes = [256, 16], strides = [1, 1]} : vector<256x64xf32> to vector<256x16xf32>
    %slice3A_113 = vector.extract_strided_slice %get3A_86 {offsets = [0, 0], sizes = [256, 16], strides = [1, 1]} : vector<256x64xf32> to vector<256x16xf32>
    %add3A_114 = arith.addf %slice3A_112, %slice3A_113 : vector<256x16xf32>
    %div3A_115 = vector.broadcast %broadcast_in_dim3A_109 : vector<256x1xf32> to vector<256x16xf32>
    %div3A_116 = arith.divf %dot_general3A_111, %div3A_115 : vector<256x16xf32>
    %sub3A_117 = arith.subf %add3A_114, %div3A_116 : vector<256x16xf32>
    %swap3A = arith.constant 0 : index
    %swap3A_118 = arith.constant 0 : index
    %swap3A_119 = arith.constant 0 : index
    %swap3A_120 = vector.load %arg10[%swap3A, %swap3A_118, %swap3A_119] : memref<1x256x64xf32, #tpu.memory_space<vmem>>, vector<1x256x16xf32>
    %swap3A_121 = vector.shape_cast %swap3A_120 : vector<1x256x16xf32> to vector<256x16xf32>
    %swap3A_122 = vector.shape_cast %sub3A_117 : vector<256x16xf32> to vector<1x256x16xf32>
    tpu.vector_store %arg10[%swap3A, %swap3A_118, %swap3A_119], %swap3A_122 {strides = array<i32>} : memref<1x256x64xf32, #tpu.memory_space<vmem>>, vector<1x256x16xf32>,
    %slice3A_123 = vector.extract_strided_slice %get3A_81 {offsets = [0, 16], sizes = [256, 16], strides = [1, 1]} : vector<256x64xf32> to vector<256x16xf32>
    %get3A_124 = arith.constant 0 : index
    %get3A_125 = arith.constant 16 : index
    %get3A_126 = arith.constant 0 : index
    %get3A_127 = vector.load %arg8[%get3A_124, %get3A_125, %get3A_126] : memref<1x64x3072xf32, #tpu.memory_space<vmem>>, vector<1x16x3072xf32>
    %get3A_128 = vector.shape_cast %get3A_127 : vector<1x16x3072xf32> to vector<16x3072xf32>
    %get3A_129 = arith.constant 0 : index
    %get3A_130 = arith.constant 16 : index
    %get3A_131 = arith.constant 0 : index
    %get3A_132 = vector.load %arg9[%get3A_129, %get3A_130, %get3A_131] : memref<1x64x3072xf32, #tpu.memory_space<vmem>>, vector<1x16x3072xf32>
    %get3A_133 = vector.shape_cast %get3A_132 : vector<1x16x3072xf32> to vector<16x3072xf32>
    %dot_general3A_134 = arith.constant dense<0.000000e+00> : vector<256x3072xf32>
    %dot_general3A_135 = tpu.matmul %slice3A_123, %get3A_128, %dot_general3A_134 {dimension_numbers = #tpu.dot_dimension_numbers<[1], [0], [0], [1], [0, 0, 1, 1], [], []>, transpose_lhs_hint = false} : vector<256x16xf32>, vector<16x3072xf32>, vector<256x3072xf32> -> vector<256x3072xf32>
    %mul3A_136 = arith.constant -2.500000e-01 : f32
    %mul3A_137 = vector.broadcast %mul3A_136 : f32 to vector<256x3072xf32>
    %mul3A_138 = arith.mulf %mul3A_137, %dot_general3A_135 : vector<256x3072xf32>
    %reduce_max3A_139 = arith.constant dense<0xFF800000> : vector<256xf32>
    %reduce_max3A_140 = vector.multi_reduction <maximumf>, %mul3A_138, %reduce_max3A_139 [1] : vector<256x3072xf32> to vector<256xf32>
    %broadcast_in_dim3A_141 = vector.shape_cast %reduce_max3A_140 : vector<256xf32> to vector<256x1xf32>
    %sub3A_142 = vector.broadcast %broadcast_in_dim3A_141 : vector<256x1xf32> to vector<256x3072xf32>
    %sub3A_143 = arith.subf %mul3A_138, %sub3A_142 : vector<256x3072xf32>
    %exp3A_144 = math.exp %sub3A_143 : vector<256x3072xf32>
    %mul3A_145 = arith.mulf %add3A_71, %exp3A_144 : vector<256x3072xf32>
    %reduce_sum3A_146 = arith.constant dense<0.000000e+00> : vector<256xf32>
    %reduce_sum3A_147 = vector.multi_reduction <add>, %mul3A_145, %reduce_sum3A_146 [1] : vector<256x3072xf32> to vector<256xf32>
    %broadcast_in_dim3A_148 = vector.shape_cast %reduce_sum3A_147 : vector<256xf32> to vector<256x1xf32>
    %dot_general3A_149 = arith.constant dense<0.000000e+00> : vector<256x16xf32>
    %dot_general3A_150 = tpu.matmul %mul3A_145, %get3A_133, %dot_general3A_149 {dimension_numbers = #tpu.dot_dimension_numbers<[1], [1], [0], [0], [0, 0, 1, 0], [], []>, transpose_lhs_hint = false} : vector<256x3072xf32>, vector<16x3072xf32>, vector<256x16xf32> -> vector<256x16xf32>
    %slice3A_151 = vector.extract_strided_slice %get3A_76 {offsets = [0, 16], sizes = [256, 16], strides = [1, 1]} : vector<256x64xf32> to vector<256x16xf32>
    %slice3A_152 = vector.extract_strided_slice %get3A_86 {offsets = [0, 16], sizes = [256, 16], strides = [1, 1]} : vector<256x64xf32> to vector<256x16xf32>
    %add3A_153 = arith.addf %slice3A_151, %slice3A_152 : vector<256x16xf32>
    %div3A_154 = vector.broadcast %broadcast_in_dim3A_148 : vector<256x1xf32> to vector<256x16xf32>
    %div3A_155 = arith.divf %dot_general3A_150, %div3A_154 : vector<256x16xf32>
    %sub3A_156 = arith.subf %add3A_153, %div3A_155 : vector<256x16xf32>
    %swap3A_157 = arith.constant 0 : index
    %swap3A_158 = arith.constant 0 : index
    %swap3A_159 = arith.constant 16 : index
    %swap3A_160 = vector.load %arg10[%swap3A_157, %swap3A_158, %swap3A_159] : memref<1x256x64xf32, #tpu.memory_space<vmem>>, vector<1x256x16xf32>
    %swap3A_161 = vector.shape_cast %swap3A_160 : vector<1x256x16xf32> to vector<256x16xf32>
    %swap3A_162 = vector.shape_cast %sub3A_156 : vector<256x16xf32> to vector<1x256x16xf32>
    tpu.vector_store %arg10[%swap3A_157, %swap3A_158, %swap3A_159], %swap3A_162 {strides = array<i32>} : memref<1x256x64xf32, #tpu.memory_space<vmem>>, vector<1x256x16xf32>,
    %slice3A_163 = vector.extract_strided_slice %get3A_81 {offsets = [0, 32], sizes = [256, 16], strides = [1, 1]} : vector<256x64xf32> to vector<256x16xf32>
    %get3A_164 = arith.constant 0 : index
    %get3A_165 = arith.constant 32 : index
    %get3A_166 = arith.constant 0 : index
    %get3A_167 = vector.load %arg8[%get3A_164, %get3A_165, %get3A_166] : memref<1x64x3072xf32, #tpu.memory_space<vmem>>, vector<1x16x3072xf32>
    %get3A_168 = vector.shape_cast %get3A_167 : vector<1x16x3072xf32> to vector<16x3072xf32>
    %get3A_169 = arith.constant 0 : index
    %get3A_170 = arith.constant 32 : index
    %get3A_171 = arith.constant 0 : index
    %get3A_172 = vector.load %arg9[%get3A_169, %get3A_170, %get3A_171] : memref<1x64x3072xf32, #tpu.memory_space<vmem>>, vector<1x16x3072xf32>
    %get3A_173 = vector.shape_cast %get3A_172 : vector<1x16x3072xf32> to vector<16x3072xf32>
    %dot_general3A_174 = arith.constant dense<0.000000e+00> : vector<256x3072xf32>
    %dot_general3A_175 = tpu.matmul %slice3A_163, %get3A_168, %dot_general3A_174 {dimension_numbers = #tpu.dot_dimension_numbers<[1], [0], [0], [1], [0, 0, 1, 1], [], []>, transpose_lhs_hint = false} : vector<256x16xf32>, vector<16x3072xf32>, vector<256x3072xf32> -> vector<256x3072xf32>
    %mul3A_176 = arith.constant -2.500000e-01 : f32
    %mul3A_177 = vector.broadcast %mul3A_176 : f32 to vector<256x3072xf32>
    %mul3A_178 = arith.mulf %mul3A_177, %dot_general3A_175 : vector<256x3072xf32>
    %reduce_max3A_179 = arith.constant dense<0xFF800000> : vector<256xf32>
    %reduce_max3A_180 = vector.multi_reduction <maximumf>, %mul3A_178, %reduce_max3A_179 [1] : vector<256x3072xf32> to vector<256xf32>
    %broadcast_in_dim3A_181 = vector.shape_cast %reduce_max3A_180 : vector<256xf32> to vector<256x1xf32>
    %sub3A_182 = vector.broadcast %broadcast_in_dim3A_181 : vector<256x1xf32> to vector<256x3072xf32>
    %sub3A_183 = arith.subf %mul3A_178, %sub3A_182 : vector<256x3072xf32>
    %exp3A_184 = math.exp %sub3A_183 : vector<256x3072xf32>
    %mul3A_185 = arith.mulf %add3A_71, %exp3A_184 : vector<256x3072xf32>
    %reduce_sum3A_186 = arith.constant dense<0.000000e+00> : vector<256xf32>
    %reduce_sum3A_187 = vector.multi_reduction <add>, %mul3A_185, %reduce_sum3A_186 [1] : vector<256x3072xf32> to vector<256xf32>
    %broadcast_in_dim3A_188 = vector.shape_cast %reduce_sum3A_187 : vector<256xf32> to vector<256x1xf32>
    %dot_general3A_189 = arith.constant dense<0.000000e+00> : vector<256x16xf32>
    %dot_general3A_190 = tpu.matmul %mul3A_185, %get3A_173, %dot_general3A_189 {dimension_numbers = #tpu.dot_dimension_numbers<[1], [1], [0], [0], [0, 0, 1, 0], [], []>, transpose_lhs_hint = false} : vector<256x3072xf32>, vector<16x3072xf32>, vector<256x16xf32> -> vector<256x16xf32>
    %slice3A_191 = vector.extract_strided_slice %get3A_76 {offsets = [0, 32], sizes = [256, 16], strides = [1, 1]} : vector<256x64xf32> to vector<256x16xf32>
    %slice3A_192 = vector.extract_strided_slice %get3A_86 {offsets = [0, 32], sizes = [256, 16], strides = [1, 1]} : vector<256x64xf32> to vector<256x16xf32>
    %add3A_193 = arith.addf %slice3A_191, %slice3A_192 : vector<256x16xf32>
    %div3A_194 = vector.broadcast %broadcast_in_dim3A_188 : vector<256x1xf32> to vector<256x16xf32>
    %div3A_195 = arith.divf %dot_general3A_190, %div3A_194 : vector<256x16xf32>
    %sub3A_196 = arith.subf %add3A_193, %div3A_195 : vector<256x16xf32>
    %swap3A_197 = arith.constant 0 : index
    %swap3A_198 = arith.constant 0 : index
    %swap3A_199 = arith.constant 32 : index
    %swap3A_200 = vector.load %arg10[%swap3A_197, %swap3A_198, %swap3A_199] : memref<1x256x64xf32, #tpu.memory_space<vmem>>, vector<1x256x16xf32>
    %swap3A_201 = vector.shape_cast %swap3A_200 : vector<1x256x16xf32> to vector<256x16xf32>
    %swap3A_202 = vector.shape_cast %sub3A_196 : vector<256x16xf32> to vector<1x256x16xf32>
    tpu.vector_store %arg10[%swap3A_197, %swap3A_198, %swap3A_199], %swap3A_202 {strides = array<i32>} : memref<1x256x64xf32, #tpu.memory_space<vmem>>, vector<1x256x16xf32>,
    %slice3A_203 = vector.extract_strided_slice %get3A_81 {offsets = [0, 48], sizes = [256, 16], strides = [1, 1]} : vector<256x64xf32> to vector<256x16xf32>
    %get3A_204 = arith.constant 0 : index
    %get3A_205 = arith.constant 48 : index
    %get3A_206 = arith.constant 0 : index
    %get3A_207 = vector.load %arg8[%get3A_204, %get3A_205, %get3A_206] : memref<1x64x3072xf32, #tpu.memory_space<vmem>>, vector<1x16x3072xf32>
    %get3A_208 = vector.shape_cast %get3A_207 : vector<1x16x3072xf32> to vector<16x3072xf32>
    %get3A_209 = arith.constant 0 : index
    %get3A_210 = arith.constant 48 : index
    %get3A_211 = arith.constant 0 : index
    %get3A_212 = vector.load %arg9[%get3A_209, %get3A_210, %get3A_211] : memref<1x64x3072xf32, #tpu.memory_space<vmem>>, vector<1x16x3072xf32>
    %get3A_213 = vector.shape_cast %get3A_212 : vector<1x16x3072xf32> to vector<16x3072xf32>
    %dot_general3A_214 = arith.constant dense<0.000000e+00> : vector<256x3072xf32>
    %dot_general3A_215 = tpu.matmul %slice3A_203, %get3A_208, %dot_general3A_214 {dimension_numbers = #tpu.dot_dimension_numbers<[1], [0], [0], [1], [0, 0, 1, 1], [], []>, transpose_lhs_hint = false} : vector<256x16xf32>, vector<16x3072xf32>, vector<256x3072xf32> -> vector<256x3072xf32>
    %mul3A_216 = arith.constant -2.500000e-01 : f32
    %mul3A_217 = vector.broadcast %mul3A_216 : f32 to vector<256x3072xf32>
    %mul3A_218 = arith.mulf %mul3A_217, %dot_general3A_215 : vector<256x3072xf32>
    %reduce_max3A_219 = arith.constant dense<0xFF800000> : vector<256xf32>
    %reduce_max3A_220 = vector.multi_reduction <maximumf>, %mul3A_218, %reduce_max3A_219 [1] : vector<256x3072xf32> to vector<256xf32>
    %broadcast_in_dim3A_221 = vector.shape_cast %reduce_max3A_220 : vector<256xf32> to vector<256x1xf32>
    %sub3A_222 = vector.broadcast %broadcast_in_dim3A_221 : vector<256x1xf32> to vector<256x3072xf32>
    %sub3A_223 = arith.subf %mul3A_218, %sub3A_222 : vector<256x3072xf32>
    %exp3A_224 = math.exp %sub3A_223 : vector<256x3072xf32>
    %mul3A_225 = arith.mulf %add3A_71, %exp3A_224 : vector<256x3072xf32>
    %reduce_sum3A_226 = arith.constant dense<0.000000e+00> : vector<256xf32>
    %reduce_sum3A_227 = vector.multi_reduction <add>, %mul3A_225, %reduce_sum3A_226 [1] : vector<256x3072xf32> to vector<256xf32>
    %broadcast_in_dim3A_228 = vector.shape_cast %reduce_sum3A_227 : vector<256xf32> to vector<256x1xf32>
    %dot_general3A_229 = arith.constant dense<0.000000e+00> : vector<256x16xf32>
    %dot_general3A_230 = tpu.matmul %mul3A_225, %get3A_213, %dot_general3A_229 {dimension_numbers = #tpu.dot_dimension_numbers<[1], [1], [0], [0], [0, 0, 1, 0], [], []>, transpose_lhs_hint = false} : vector<256x3072xf32>, vector<16x3072xf32>, vector<256x16xf32> -> vector<256x16xf32>
    %slice3A_231 = vector.extract_strided_slice %get3A_76 {offsets = [0, 48], sizes = [256, 16], strides = [1, 1]} : vector<256x64xf32> to vector<256x16xf32>
    %slice3A_232 = vector.extract_strided_slice %get3A_86 {offsets = [0, 48], sizes = [256, 16], strides = [1, 1]} : vector<256x64xf32> to vector<256x16xf32>
    %add3A_233 = arith.addf %slice3A_231, %slice3A_232 : vector<256x16xf32>
    %div3A_234 = vector.broadcast %broadcast_in_dim3A_228 : vector<256x1xf32> to vector<256x16xf32>
    %div3A_235 = arith.divf %dot_general3A_230, %div3A_234 : vector<256x16xf32>
    %sub3A_236 = arith.subf %add3A_233, %div3A_235 : vector<256x16xf32>
    %swap3A_237 = arith.constant 0 : index
    %swap3A_238 = arith.constant 0 : index
    %swap3A_239 = arith.constant 48 : index
    %swap3A_240 = vector.load %arg10[%swap3A_237, %swap3A_238, %swap3A_239] : memref<1x256x64xf32, #tpu.memory_space<vmem>>, vector<1x256x16xf32>
    %swap3A_241 = vector.shape_cast %swap3A_240 : vector<1x256x16xf32> to vector<256x16xf32>
    %swap3A_242 = vector.shape_cast %sub3A_236 : vector<256x16xf32> to vector<1x256x16xf32>
    tpu.vector_store %arg10[%swap3A_237, %swap3A_238, %swap3A_239], %swap3A_242 {strides = array<i32>} : memref<1x256x64xf32, #tpu.memory_space<vmem>>, vector<1x256x16xf32>,
    return
  }
  func.func @transform_0(%arg0: i32, %arg1: i32) -> (i32, i32, i32) {
    %c0_i32 = arith.constant 0 : i32
    %c0_i32_0 = arith.constant 0 : i32
    return %arg0, %arg1, %c0_i32 : i32, i32, i32
  }
  func.func @transform_1(%arg0: i32, %arg1: i32) -> (i32, i32, i32) {
    %c0_i32 = arith.constant 0 : i32
    %c0_i32_0 = arith.constant 0 : i32
    %c0_i32_1 = arith.constant 0 : i32
    return %arg0, %c0_i32, %c0_i32_0 : i32, i32, i32
  }
  func.func @transform_2(%arg0: i32, %arg1: i32) -> (i32, i32, i32) {
    %c0_i32 = arith.constant 0 : i32
    %c0_i32_0 = arith.constant 0 : i32
    return %arg0, %c0_i32, %arg1 : i32, i32, i32
  }
  func.func @transform_3(%arg0: i32, %arg1: i32) -> (i32, i32, i32) {
    %c0_i32 = arith.constant 0 : i32
    %c0_i32_0 = arith.constant 0 : i32
    return %arg0, %arg1, %c0_i32 : i32, i32, i32
  }
  func.func @transform_4(%arg0: i32, %arg1: i32) -> (i32, i32, i32) {
    %c0_i32 = arith.constant 0 : i32
    %c0_i32_0 = arith.constant 0 : i32
    return %arg0, %arg1, %c0_i32 : i32, i32, i32
  }
  func.func @transform_5(%arg0: i32, %arg1: i32) -> (i32, i32, i32) {
    %c0_i32 = arith.constant 0 : i32
    %c0_i32_0 = arith.constant 0 : i32
    return %arg0, %arg1, %c0_i32 : i32, i32, i32
  }
  func.func @transform_6(%arg0: i32, %arg1: i32) -> (i32, i32, i32) {
    %c0_i32 = arith.constant 0 : i32
    %c0_i32_0 = arith.constant 0 : i32
    %c0_i32_1 = arith.constant 0 : i32
    return %arg0, %c0_i32, %c0_i32_0 : i32, i32, i32
  }
  func.func @transform_7(%arg0: i32, %arg1: i32) -> (i32, i32, i32) {
    %c0_i32 = arith.constant 0 : i32
    %c0_i32_0 = arith.constant 0 : i32
    %c0_i32_1 = arith.constant 0 : i32
    return %arg0, %c0_i32, %c0_i32_0 : i32, i32, i32
  }
  func.func @transform_8(%arg0: i32, %arg1: i32) -> (i32, i32, i32) {
    %c0_i32 = arith.constant 0 : i32
    %c0_i32_0 = arith.constant 0 : i32
    return %arg0, %arg1, %c0_i32 : i32, i32, i32
  }
}

module attributes {stable_mosaic.version = 14 : i64} {
  func.func @_bn_mlp_kernel(%arg0: i32, %arg1: memref<1x64x2048xf32, #tpu.memory_space<vmem>>, %arg2: memref<1x64xf32, #tpu.memory_space<vmem>>, %arg3: memref<1x64xf32, #tpu.memory_space<vmem>>, %arg4: memref<256x64xf32, #tpu.memory_space<vmem>>, %arg5: memref<64x256xf32, #tpu.memory_space<vmem>>, %arg6: memref<1x64x2048xf32, #tpu.memory_space<vmem>>) attributes {dimension_semantics = [#tpu.dimension_semantics<arbitrary>], iteration_bounds = array<i64: 4>, scalar_prefetch = 0 : i64, scratch_operands = 0 : i64, tpu.core_type = #tpu.core_type<tc>, window_params = [{transform_indices = @transform_0, window_bounds = array<i64: 1, 64, 2048>}, {pipeline_mode = #tpu.pipeline_mode<synchronous>, transform_indices = @transform_1, window_bounds = array<i64: 1, 64>}, {pipeline_mode = #tpu.pipeline_mode<synchronous>, transform_indices = @transform_2, window_bounds = array<i64: 1, 64>}, {pipeline_mode = #tpu.pipeline_mode<synchronous>, transform_indices = @transform_3, window_bounds = array<i64: 256, 64>}, {pipeline_mode = #tpu.pipeline_mode<synchronous>, transform_indices = @transform_4, window_bounds = array<i64: 64, 256>}, {transform_indices = @transform_5, window_bounds = array<i64: 1, 64, 2048>}]} {
    %get3A = arith.constant 0 : index
    %get3A_0 = arith.constant 0 : index
    %get3A_1 = arith.constant 0 : index
    %get3A_2 = vector.load %arg1[%get3A, %get3A_0, %get3A_1] : memref<1x64x2048xf32, #tpu.memory_space<vmem>>, vector<1x64x2048xf32>
    %get3A_3 = vector.shape_cast %get3A_2 : vector<1x64x2048xf32> to vector<64x2048xf32>
    %reduce_sum3A = arith.constant dense<0.000000e+00> : vector<64xf32>
    %reduce_sum3A_4 = vector.multi_reduction <add>, %get3A_3, %reduce_sum3A [1] : vector<64x2048xf32> to vector<64xf32>
    %broadcast_in_dim3A = vector.shape_cast %reduce_sum3A_4 : vector<64xf32> to vector<64x1xf32>
    %div3A = arith.constant 2.048000e+03 : f32
    %div3A_5 = vector.broadcast %div3A : f32 to vector<64x1xf32>
    %div3A_6 = arith.divf %broadcast_in_dim3A, %div3A_5 : vector<64x1xf32>
    %sub3A = vector.broadcast %div3A_6 : vector<64x1xf32> to vector<64x2048xf32>
    %sub3A_7 = arith.subf %get3A_3, %sub3A : vector<64x2048xf32>
    %sub3A_8 = vector.broadcast %div3A_6 : vector<64x1xf32> to vector<64x2048xf32>
    %sub3A_9 = arith.subf %get3A_3, %sub3A_8 : vector<64x2048xf32>
    %mul3A = arith.mulf %sub3A_7, %sub3A_9 : vector<64x2048xf32>
    %reduce_sum3A_10 = arith.constant dense<0.000000e+00> : vector<64xf32>
    %reduce_sum3A_11 = vector.multi_reduction <add>, %mul3A, %reduce_sum3A_10 [1] : vector<64x2048xf32> to vector<64xf32>
    %broadcast_in_dim3A_12 = vector.shape_cast %reduce_sum3A_11 : vector<64xf32> to vector<64x1xf32>
    %div3A_13 = arith.constant 2.048000e+03 : f32
    %div3A_14 = vector.broadcast %div3A_13 : f32 to vector<64x1xf32>
    %div3A_15 = arith.divf %broadcast_in_dim3A_12, %div3A_14 : vector<64x1xf32>
    %get3A_16 = arith.constant 0 : index
    %get3A_17 = arith.constant 0 : index
    %get3A_18 = vector.load %arg2[%get3A_16, %get3A_17] : memref<1x64xf32, #tpu.memory_space<vmem>>, vector<1x64xf32>
    %get3A_19 = vector.shape_cast %get3A_18 : vector<1x64xf32> to vector<64xf32>
    %broadcast_in_dim3A_20 = vector.shape_cast %get3A_19 : vector<64xf32> to vector<64x1xf32>
    %get3A_21 = arith.constant 0 : index
    %get3A_22 = arith.constant 0 : index
    %get3A_23 = vector.load %arg3[%get3A_21, %get3A_22] : memref<1x64xf32, #tpu.memory_space<vmem>>, vector<1x64xf32>
    %get3A_24 = vector.shape_cast %get3A_23 : vector<1x64xf32> to vector<64xf32>
    %broadcast_in_dim3A_25 = vector.shape_cast %get3A_24 : vector<64xf32> to vector<64x1xf32>
    %sub3A_26 = vector.broadcast %div3A_6 : vector<64x1xf32> to vector<64x2048xf32>
    %sub3A_27 = arith.subf %get3A_3, %sub3A_26 : vector<64x2048xf32>
    %add3A = arith.constant 9.99999974E-6 : f32
    %add3A_28 = vector.broadcast %add3A : f32 to vector<64x1xf32>
    %add3A_29 = arith.addf %div3A_15, %add3A_28 : vector<64x1xf32>
    %sqrt3A = math.sqrt %add3A_29 : vector<64x1xf32>
    %div3A_30 = vector.broadcast %sqrt3A : vector<64x1xf32> to vector<64x2048xf32>
    %div3A_31 = arith.divf %sub3A_27, %div3A_30 : vector<64x2048xf32>
    %mul3A_32 = vector.broadcast %broadcast_in_dim3A_20 : vector<64x1xf32> to vector<64x2048xf32>
    %mul3A_33 = arith.mulf %div3A_31, %mul3A_32 : vector<64x2048xf32>
    %add3A_34 = vector.broadcast %broadcast_in_dim3A_25 : vector<64x1xf32> to vector<64x2048xf32>
    %add3A_35 = arith.addf %mul3A_33, %add3A_34 : vector<64x2048xf32>
    %get3A_36 = arith.constant 0 : index
    %get3A_37 = arith.constant 0 : index
    %get3A_38 = vector.load %arg4[%get3A_36, %get3A_37] : memref<256x64xf32, #tpu.memory_space<vmem>>, vector<256x64xf32>
    %dot_general3A = arith.constant dense<0.000000e+00> : vector<256x2048xf32>
    %dot_general3A_39 = tpu.matmul %get3A_38, %add3A_35, %dot_general3A {dimension_numbers = #tpu.dot_dimension_numbers<[1], [0], [0], [1], [0, 0, 1, 1], [], []>, transpose_lhs_hint = false} : vector<256x64xf32>, vector<64x2048xf32>, vector<256x2048xf32> -> vector<256x2048xf32>
    %gt3A = arith.constant 0.000000e+00 : f32
    %gt3A_40 = vector.broadcast %gt3A : f32 to vector<256x2048xf32>
    %gt3A_41 = arith.cmpf ogt, %dot_general3A_39, %gt3A_40 : vector<256x2048xf32>
    %mul3A_42 = arith.constant 2.000000e-01 : f32
    %mul3A_43 = vector.broadcast %mul3A_42 : f32 to vector<256x2048xf32>
    %mul3A_44 = arith.mulf %mul3A_43, %dot_general3A_39 : vector<256x2048xf32>
    %select_n3A = arith.select %gt3A_41, %dot_general3A_39, %mul3A_44 : vector<256x2048xi1>, vector<256x2048xf32>
    %get3A_45 = arith.constant 0 : index
    %get3A_46 = arith.constant 0 : index
    %get3A_47 = vector.load %arg5[%get3A_45, %get3A_46] : memref<64x256xf32, #tpu.memory_space<vmem>>, vector<64x256xf32>
    %dot_general3A_48 = arith.constant dense<0.000000e+00> : vector<64x2048xf32>
    %dot_general3A_49 = tpu.matmul %get3A_47, %select_n3A, %dot_general3A_48 {dimension_numbers = #tpu.dot_dimension_numbers<[1], [0], [0], [1], [0, 0, 1, 1], [], []>, transpose_lhs_hint = false} : vector<64x256xf32>, vector<256x2048xf32>, vector<64x2048xf32> -> vector<64x2048xf32>
    %swap3A = arith.constant 0 : index
    %swap3A_50 = arith.constant 0 : index
    %swap3A_51 = arith.constant 0 : index
    %swap3A_52 = vector.load %arg6[%swap3A, %swap3A_50, %swap3A_51] : memref<1x64x2048xf32, #tpu.memory_space<vmem>>, vector<1x64x2048xf32>
    %swap3A_53 = vector.shape_cast %swap3A_52 : vector<1x64x2048xf32> to vector<64x2048xf32>
    %swap3A_54 = vector.shape_cast %dot_general3A_49 : vector<64x2048xf32> to vector<1x64x2048xf32>
    tpu.vector_store %arg6[%swap3A, %swap3A_50, %swap3A_51], %swap3A_54 {strides = array<i32>} : memref<1x64x2048xf32, #tpu.memory_space<vmem>>, vector<1x64x2048xf32>,
    return
  }
  func.func @transform_0(%arg0: i32) -> (i32, i32, i32) {
    %c0_i32 = arith.constant 0 : i32
    %c0_i32_0 = arith.constant 0 : i32
    %c0_i32_1 = arith.constant 0 : i32
    return %arg0, %c0_i32, %c0_i32_0 : i32, i32, i32
  }
  func.func @transform_1(%arg0: i32) -> (i32, i32) {
    %c0_i32 = arith.constant 0 : i32
    %c0_i32_0 = arith.constant 0 : i32
    %c0_i32_1 = arith.constant 0 : i32
    return %c0_i32, %c0_i32_0 : i32, i32
  }
  func.func @transform_2(%arg0: i32) -> (i32, i32) {
    %c0_i32 = arith.constant 0 : i32
    %c0_i32_0 = arith.constant 0 : i32
    %c0_i32_1 = arith.constant 0 : i32
    return %c0_i32, %c0_i32_0 : i32, i32
  }
  func.func @transform_3(%arg0: i32) -> (i32, i32) {
    %c0_i32 = arith.constant 0 : i32
    %c0_i32_0 = arith.constant 0 : i32
    %c0_i32_1 = arith.constant 0 : i32
    return %c0_i32, %c0_i32_0 : i32, i32
  }
  func.func @transform_4(%arg0: i32) -> (i32, i32) {
    %c0_i32 = arith.constant 0 : i32
    %c0_i32_0 = arith.constant 0 : i32
    %c0_i32_1 = arith.constant 0 : i32
    return %c0_i32, %c0_i32_0 : i32, i32
  }
  func.func @transform_5(%arg0: i32) -> (i32, i32, i32) {
    %c0_i32 = arith.constant 0 : i32
    %c0_i32_0 = arith.constant 0 : i32
    %c0_i32_1 = arith.constant 0 : i32
    return %arg0, %c0_i32, %c0_i32_0 : i32, i32, i32
  }
}

</mosaic_0001>

<sc_bundles>
// kernel: kernel.11.cloned.1.call-start
scs
__scs_entry_jumppad:
0x0: {  	(pc) =	sbr.rel $0x88, $3  }
0x1: {  	(tag) =	ssettag $0x0;
	lr =	simm.s32 $0x1  }
0x2: {  	[smem:$0x3F99] =	sst lr;
	_ =	strace $0xD0000000  }
0x3: {  	_ = 	snop  }
0x4: {  	_ = 	snop  }
0x5: {  	_ = 	snop  }
0x6: {  	_ = 	snop  }
0x7: {  	_ = 	snop  }
__scs_overlays_trampoline_lowered:
0x8: {  	[smem:$0x3FA8] =	sst s0  }
0x9: {  	[smem:$0x3FA9] =	sst s1  }
0xa: {  	[smem:$0x3FAA] =	sst s2  }
0xb: {  	[smem:$0x3FAB] =	sst s3  }
0xc: {  	[smem:$0x3FAC] =	sst s4  }
0xd: {  	[smem:$0x3FAD] =	sst s5  }
0xe: {  	[smem:$0x3FAE] =	sst s6  }
0xf: {  	[smem:$0x3FAF] =	sst s7  }
0x10: {  	[smem:$0x3FB0] =	sst s8  }
0x11: {  	[smem:$0x3FB1] =	sst s9;
	s0 =	simm.s32 @!p0 $0x0  }
0x12: {  	s1 =	sld [smem:$0x3F97];
	s0 =	simm.s32 @p0 $0x1  }
0x13: {  	[smem:$0x3FB2] =	sst s0;
	s0 =	simm.s32 @!p1 $0x0  }
0x14: {  	s2 =	sld [smem:$0x3F96];
	s0 =	simm.s32 @p1 $0x1  }
0x15: {  	[smem:$0x3FB3] =	sst s0;
	s0 =	simm.s32 @!p2 $0x0  }
0x16: {  	s3 =	sld [smem:$0x3FDB];
	s0 =	simm.s32 @p2 $0x1  }
0x17: {  	s4 =	simm.s32 $0x1BF5;
	[smem:$0x3FB5] =	sst s0  }
0x18: {  	s0 =	sld [smem:$0x3F98];
	_ =	swait.ge [sflag:s4], $0x0  }
0x19: {  	s7 =	sld [smem:$0x3F99]  }
0x1a: {  	s8 =	sadd.s32 $0xFFFFE003, lr  }
0x1b: {  	s9 =	sadd.s32 $0xFFFFFEF7, lr;
	s5 =	simm.s32 $0xFFFFFFFF;
	p2 =	slt.u32 s8, $0xFFFFF086  }
0x1c: {  	p1 =	slt.u32 s9, $0xF7A;
	s5 =	simm.s32 @!p2 $0x0  }
0x1d: {  	s5 =	simm.s32 @p1 $0x1;
	p0 =	seq.s32 s7, s2  }
0x1e: {  	s7 =	smul.u32 @!p0 $0xF7A, s2;
	p2 =	seq.s32 @!p0 s5, $0x0  }
0x1f: {  	s9 =	smul.u32 $0xF7A, s1;
	s8 =	simm.s32 @!p0 $0x1BF5;
	p2 =	por !p2, p0  }
0x20: {  	[sflag:s8] =	ssyncset.s32 @!p0 $0xFFFFF086;
	s6 =	sadd.s32 @!p0 s3, s7;
	s7 =	simm.s32 @!p0 $0x108  }
0x21: {  	s3 =	sadd.s32 s3, s9;
	s6 =	sadd.s32 @!p0 $0x88, s6;
	s7 =	simm.s32 @p2 $0x1082  }
0x22: {  	[simem:s7], [sflag:s8] =	dma.local @!p0 [hbm:s6], $0xF7A  }
0x23: {  	s9 =	sor.u32 $0xD0000000, s2;
	s6 =	simm.s32 $0x108;
	_ =	swait.ge @!p0 [sflag:s8], $0x0  }
0x24: {  	s3 =	sadd.s32 $0x88, s3;
	s6 =	simm.s32 @!p1 $0x1082;
	[sflag:s4] =	ssyncset.s32 $0xFFFFF086  }
0x25: {  	[simem:s6], [sflag:s4] =	dma.local [hbm:s3], $0xF7A  }
0x26: {  	[smem:$0x3F99] =	sst s1;
	(tag) =	ssettag s2;
	_ =	strace s9  }
0x27: {  	s1 =	sld [smem:$0x3FA9]  }
0x28: {  	s2 =	sld [smem:$0x3FAA]  }
0x29: {  	s4 =	sld [smem:$0x3FAC]  }
0x2a: {  	p0 =	seq.s32 s5, $0x0;
	s5 =	sld [smem:$0x3FAD]  }
0x2b: {  	s6 =	sld [smem:$0x3FAE]  }
0x2c: {  	s7 =	sld [smem:$0x3FAF]  }
0x2d: {  	s3 =	simm.s32 $0x108;
	s8 =	sld [smem:$0x3FB0]  }
0x2e: {  	s3 =	simm.s32 @!p0 $0x1082;
	s9 =	sld [smem:$0x3FB1]  }
0x2f: {  	lr =	sadd.s32 s0, s3;
	s0 =	sld [smem:$0x3FA8]  }
0x30: {  	s3 =	sld [smem:$0x3FAB]  }
0x31: {  	[smem:$0x3FB4] =	sst s10  }
0x32: {  	s10 =	sld [smem:$0x3FB2];
	_ =	sdelay $0x3  }
0x33: {  	p0 =	seq.s32 s10, $0x1;
	s10 =	sld [smem:$0x3FB4];
	_ =	sdelay $0x3  }
0x34: {  	[smem:$0x3FB4] =	sst s10  }
0x35: {  	s10 =	sld [smem:$0x3FB3];
	_ =	sdelay $0x3  }
0x36: {  	p1 =	seq.s32 s10, $0x1;
	s10 =	sld [smem:$0x3FB4];
	_ =	sdelay $0x3  }
0x37: {  	[smem:$0x3FB4] =	sst s10  }
0x38: {  	s10 =	sld [smem:$0x3FB5]  }
0x39: {  	_ = 	snop;
	(pc) =	sbr.ind lr, $3  }
0x3a: {  	_ = 	snop  }
0x3b: {  	_ = 	snop  }
0x3c: {  	p2 =	seq.s32 s10, $0x1;
	s10 =	sld [smem:$0x3FB4]  }
0x3d: {  	_ =	shalt  }
0x3e: {  	_ =	shalt  }
0x3f: {  	_ =	shalt  }
0x40: {  	_ =	shalt  }
0x41: {  	_ =	shalt  }
0x42: {  	_ =	shalt  }
0x43: {  	_ =	shalt  }
0x44: {  	_ =	shalt  }
0x45: {  	_ =	shalt  }
0x46: {  	_ =	shalt  }
0x47: {  	_ =	shalt  }
0x48: {  	_ =	shalt  }
0x49: {  	_ =	shalt  }
0x4a: {  	_ =	shalt  }
0x4b: {  	_ =	shalt  }
0x4c: {  	_ =	shalt  }
0x4d: {  	_ =	shalt  }
0x4e: {  	_ =	shalt  }
0x4f: {  	_ =	shalt  }
0x50: {  	_ =	shalt  }
0x51: {  	_ =	shalt  }
0x52: {  	_ =	shalt  }
0x53: {  	_ =	shalt  }
0x54: {  	_ =	shalt  }
0x55: {  	_ =	shalt  }
0x56: {  	_ =	shalt  }
0x57: {  	_ =	shalt  }
0x58: {  	_ =	shalt  }
0x59: {  	_ =	shalt  }
0x5a: {  	_ =	shalt  }
0x5b: {  	_ =	shalt  }
0x5c: {  	_ =	shalt  }
0x5d: {  	_ =	shalt  }
0x5e: {  	_ =	shalt  }
0x5f: {  	_ =	shalt  }
0x60: {  	_ =	shalt  }
0x61: {  	_ =	shalt  }
0x62: {  	_ =	shalt  }
0x63: {  	_ =	shalt  }
0x64: {  	_ =	shalt  }
0x65: {  	_ =	shalt  }
0x66: {  	_ =	shalt  }
0x67: {  	_ =	shalt  }
0x68: {  	_ =	shalt  }
0x69: {  	_ =	shalt  }
0x6a: {  	_ =	shalt  }
0x6b: {  	_ =	shalt  }
0x6c: {  	_ =	shalt  }
0x6d: {  	_ =	shalt  }
0x6e: {  	_ =	shalt  }
0x6f: {  	_ =	shalt  }
0x70: {  	_ =	shalt  }
0x71: {  	_ =	shalt  }
0x72: {  	_ =	shalt  }
0x73: {  	_ =	shalt  }
0x74: {  	_ =	shalt  }
0x75: {  	_ =	shalt  }
0x76: {  	_ =	shalt  }
0x77: {  	_ =	shalt  }
0x78: {  	_ =	shalt  }
0x79: {  	_ =	shalt  }
0x7a: {  	_ =	shalt  }
0x7b: {  	_ =	shalt  }
0x7c: {  	_ =	shalt  }
0x7d: {  	_ =	shalt  }
0x7e: {  	_ =	shalt  }
0x7f: {  	_ =	shalt  }
0x80: {  	_ =	shalt  }
0x81: {  	_ =	shalt  }
0x82: {  	_ =	shalt  }
0x83: {  	_ =	shalt  }
0x84: {  	_ =	shalt  }
0x85: {  	_ =	shalt  }
0x86: {  	_ =	shalt  }
0x87: {  	_ =	shalt  }
.Lfunc_end0:
.L_simem_size_0:
called_computation.1_lowered:
.L_overlay_start_0:
0x88: {  	s2 =	sld [smem:$0x3FD9]  }
0x89: {  	s3 =	sld [smem:$0x3FFE];
	_ =	sdelay $0x1  }
0x8a: {  	s1 =	srdreg.scid  }
0x8b: {  	s0 =	sand.u32 $0x1, s1  }
0x8c: {  	s16 =	sshll.u32 s0, $0xA;
	s2 =	sadd.s32 s3, s2  }
0x8d: {  	s2 =	sadd.s32 s2, s16  }
0x8e: {  	[smem:$0x3FC0] =	sst s2  }
0x8f: {  	_ = 	snop  }
0x90: {  	(tm) =	ssettm $0x1  }
0x91: {  	s17 =	sld [smem:$0x3FFB];
	_ =	sdelay $0x3  }
0x92: {  	_ =	strace s17  }
0x93: {  	s2 =	sld [smem:$0x3FFC];
	_ =	sdelay $0x3  }
0x94: {  	_ =	strace s2  }
0x95: {  	s2 =	sld [smem:$0x3FFD];
	_ =	sdelay $0x3  }
0x96: {  	_ =	strace s2  }
0x97: {  	_ =	strace $0x8FFFFFFF  }
0x98: {  	s18 =	sld [smem:$0x3FDB];
	_ =	sdelay $0x1  }
0x99: {  	s19 =	simm.s32 $_scs_section_size  }
0x9a: {  	s4 =	simm.s32 $_size__tile_overlayer_lowered;
	s5 =	simm.s32 $_tile_overlayer_lowered  }
0x9b: {  	s22 =	simm.s32 $0x1BFF;
	s21 =	sshll.u32 s5, $0x1;
	s2 =	sadd.s32 s19, s18  }
0x9c: {  	s6 =	simm.s32 $0x0;
	s20 =	sshll.u32 s4, $0x1;
	s4 =	sadd.s32 s21, s2  }
0x9d: {  	[timem:s6], [sflag:s22] =	dma.local [hbm:s4], s20  }
0x9e: {  	_ =	swait.ge [sflag:s22], s20  }
0x9f: {  	s3 =	ssub.s32 $0x0, s20;
	[sflag:s22] =	ssyncset.done $0x0  }
0xa0: {  	[sflag:s22] =	ssyncadd.s32 s3;
	_ =	sdelay $0x1  }
0xa1: {  	s23 =	simm.s32 $0x1B8B  }
0xa2: {  	_ =	swait.ge [sflag:s23], $0x1  }
0xa3: {  	[sflag:s23] =	ssyncset.done $0x0  }
0xa4: {  	s25 =	simm.s32 $0x1B8E;
	s24 =	sld [smem:$0x3FFE];
	[sflag:s23] =	ssyncadd.s32 $0xFFFFFFFF  }
0xa5: {  	s26 =	simm.s32 $execute0_lowered;
	[smem:$0x3FD2] =	sst s25  }
0xa6: {  	s4 =	sshll.u32 s26, $0x1;
	_ =	strace $0x80000046;
	[dreg:$0x1] =	wrdreg $0xFFFFFFFF  }
0xa7: {  	s28 =	simm.s32 $_size_execute0_lowered;
	s2 =	sadd.s32 s2, s4;
	[dreg:$0x0] =	wrdreg $0x0  }
0xa8: {  	s4 =	sshll.u32 s28, $0x1;
	[dreg:$0x2] =	wrdreg s2  }
0xa9: {  	[dreg:$0x3] =	wrdreg s4  }
0xaa: {  	[dreg:$0x4] =	wrdreg $0xC0  }
0xab: {  	_ =	task [dreg:s6], $0x5FFFF  }
0xac: {  	[dreg:$0x1] =	wrdreg $0xFFFFFFFF  }
0xad: {  	[dreg:$0x0] =	wrdreg $0x60  }
0xae: {  	[dreg:$0x2] =	wrdreg s24  }
0xaf: {  	[dreg:$0x3] =	wrdreg $0xA  }
0xb0: {  	_ =	task.clear_ibuf [dreg:s6], $0x4FFFF;
	_ =	strace $0x90000046  }
0xb1: {  	s29 =	simm.s32 $0xA;
	_ =	strace $0x80000048  }
0xb2: {  	_ =	swait.ge [sflag:s29], $0x1  }
0xb3: {  	[sflag:s29] =	ssyncadd.s32 $0xFFFFFFFF  }
0xb4: {  	_ =	strace $0x90000048  }
0xb5: {  	_ =	sfence  }
0xb6: {  	s30 =	sld [smem:$0x0];
	_ =	sdelay $0x2  }
0xb7: {  	s31 =	sshll.u32 s1, $0xD;
	s1 =	sshrl.u32 s1, $0x2  }
0xb8: {  	s3 =	sand.u32 $0x4000, s31;
	s1 =	sadd.s32 s1, s30  }
0xb9: {  	s0 =	sor.u32 s3, s0;
	s1 =	sshll.u32 s1, $0x11  }
0xba: {  	s0 =	sor.u32 s1, s0  }
0xbb: {  	s0 =	sadd.s32 $0x8F2B, s0  }
0xbc: {  	[sflag:s0] =	ssyncadd.remote.s32 $0x1  }
0xbd: {  	_ =	sfence.sel $0xFFFF  }
0xbe: {  	[dreg:$0x0] =	wrdreg $0xFFFFFFFF;
	(pc) =	sbr.abs _section_cstart, $3  }
0xbf: {  	[dreg:$0x1] =	wrdreg $0xFFFFFFFF  }
0xc0: {  	_ =	task.clear_ibuf [dreg:s6], $0x2FFFF;
	_ =	strace $0x9FFFFFFF  }
0xc1: {  	(tm) =	ssettm $0x7FFFFFFF  }
tec
execute0_lowered:
.L_overlay_start_1:
0x0: {  	(tag) =	ssettag $0x1  }
0x1: {  	s0 =	stileid.u32  }
0x2: {  	s1 =	srdreg.scid;
	s3 =	rddreg [dreg:$0x0];
	s9 =	simm.s32 $0x400  }
0x3: {  	s10 =	simm.s32 $0x3000;
	s11 =	simm.s32 $0x4800;
	s12 =	simm.s32 $0x0  }
0x4: {  	s4 =	sand.u32 $0x1, s1;
	s2 =	sshll.u32 s0, $0x1;
	s5 =	sshrl.u32 s0, $0x2  }
0x5: {  	s1 =	rddreg [dreg:$0x1];
	s6 =	sor.u32 s4, s2;
	s7 =	smul.u32 $0xC000, s5  }
0x6: {  	s2 =	simm.s32 $0x0;
	s5 =	smul.u32 $0x600, s5;
	s8 =	sshll.u32 s6, $0x7  }
0x7: {  	s4 =	ssub.s32 $0x2, s4;
	[smem:$0x7FF] =	sst s2;
	s8 =	sand.u32 $0x380, s8  }
0x8: {  	s6 =	sshll.u32 s6, $0x8;
	s31 =	sshrl.u32 s4, $0x1;
	s7 =	sor.u32 s7, s8  }
0x9: {  	_ =	strace $0x80000047;
	s5 =	sadd.s32 s5, s3;
	s7 =	sshrl.u32 s7, $0x3  }
0xa: {  	s6 =	sadd.s32 s6, s3;
	s8 =	ssub.s32 s4, s31;
	s7 =	sadd.s32 s7, s3  }
0xb: {  	s3 =	sadd.s32 $0x3800, s5;
	s5 =	sadd.s32 $0xB000, s6;
	s6 =	smax.u32 s8, $0x1  }
0xc: {  	s8 =	simm.s32 $0x80;
	s4 =	sadd.s32 $0x5000, s7;
	s7 =	simm.s32 $0x1  }
.LBB2_1:
0xd: {  	[tilespmem:s2], [sflag:$0x1] =	stream.linear.gather [hbm4b:s3+s2], $0x3000, $0x38;
	[tilespmem:$0x5000] =	vst v63  }
0xe: {  	_ =	swait.ge [sflag:s7], $0x3000  }
0xf: {  	[sflag:s7] =	ssyncset.done $0x0  }
0x10: {  	[sflag:s7] =	ssyncadd.s32 $0xFFFFD000  }
0x11: {  	[tilespmem:s10], [sflag:$0x1] =	stream.strided.gather [hbm4b:s4+s8], $0x1800, s9, s8, $0x38;
	[tilespmem:$0x5000] =	vst v63  }
0x12: {  	_ =	swait.ge [sflag:s7], $0x1800  }
0x13: {  	[sflag:s7] =	ssyncset.done $0x0  }
0x14: {  	s13 =	simm.s32 $0x0;
	[sflag:s7] =	ssyncadd.s32 $0xFFFFE800  }
.LBB2_2:
0x15: {  	s14 =	smul.u32 $0xC00, s13;
	_ =	sdelay $0x1  }
0x16: {  	s15 =	sshra.s32 s14, $0x2  }
0x17: {  	v9 =	vld [tilespmem:s15+$0x3000]  }
0x18: {  	v10 =	vld [tilespmem:s15+$0x3030]  }
0x19: {  	v12 =	vld [tilespmem:s15+$0x3060]  }
0x1a: {  	v26 =	vld [tilespmem:s15+$0x3090]  }
0x1b: {  	v21 =	vld [tilespmem:s15+$0x3010]  }
0x1c: {  	v1 =	vld [tilespmem:s15+$0x3020]  }
0x1d: {  	v2 =	vld [tilespmem:s15+$0x3050]  }
0x1e: {  	v3 =	vld [tilespmem:s15+$0x3080]  }
0x1f: {  	v4 =	vld [tilespmem:s15+$0x30B0]  }
0x20: {  	v5 =	vld [tilespmem:s15+$0x30E0]  }
0x21: {  	v6 =	vld [tilespmem:s15+$0x3110]  }
0x22: {  	v7 =	vld [tilespmem:s15+$0x3140]  }
0x23: {  	v8 =	vld [tilespmem:s15+$0x3170];
	[tilespmem:$0x1FD00] =	vst v1  }
0x24: {  	v11 =	vld [tilespmem:s15+$0x31A0];
	[tilespmem:$0x1FD10] =	vst v2  }
0x25: {  	s14 =	simm.s32 $0x0;
	v15 =	vld [tilespmem:s15+$0x31D0];
	[tilespmem:$0x1FD20] =	vst v3  }
0x26: {  	s16 =	sand.u32 $0x70, s14;
	s17 =	sand.u32 $0x3E00, s14;
	v16 =	vld [tilespmem:s15+$0x3200];
	[tilespmem:$0x1FD30] =	vst v4  }
0x27: {  	v17 =	vld [tilespmem:s15+$0x3230];
	s16 =	sor.u32 s16, s17;
	[tilespmem:$0x1FD40] =	vst v5  }
0x28: {  	v0 =	vld [tilespmem:s16+$0x100];
	[tilespmem:$0x1FD50] =	vst v6  }
0x29: {  	v18 =	vld [tilespmem:s15+$0x3260];
	[tilespmem:$0x1FD60] =	vst v7  }
0x2a: {  	v19 =	vld [tilespmem:s15+$0x3290];
	[tilespmem:$0x1FD70] =	vst v8  }
0x2b: {  	v20 =	vld [tilespmem:s15+$0x32C0];
	[tilespmem:$0x1FD80] =	vst v11  }
0x2c: {  	v22 =	vld [tilespmem:s15+$0x32F0];
	[tilespmem:$0x1FD90] =	vst v15  }
0x2d: {  	v23 =	vld [tilespmem:s15+$0x3040];
	[tilespmem:$0x1FDA0] =	vst v16;
	v1 =	vsub.f32 v1, v0;
	v2 =	vsub.f32 v2, v0  }
0x2e: {  	v25 =	vld [tilespmem:s15+$0x3070];
	[tilespmem:$0x1FDB0] =	vst v17;
	v3 =	vsub.f32 v3, v0;
	v4 =	vsub.f32 v4, v0  }
0x2f: {  	v13 =	vld [tilespmem:s16+$0x0];
	[tilespmem:$0x1FDC0] =	vst v18;
	v5 =	vsub.f32 v5, v0;
	v6 =	vsub.f32 v6, v0  }
0x30: {  	v30 =	vld [tilespmem:s16+$0x80];
	[tilespmem:$0x1FDD0] =	vst v19;
	v7 =	vsub.f32 v7, v0;
	v8 =	vsub.f32 v8, v0  }
0x31: {  	v27 =	vld [tilespmem:s15+$0x30A0];
	[tilespmem:$0x1FDE0] =	vst v20;
	v14 =	vsub.f32 v11, v0;
	v15 =	vsub.f32 v15, v0  }
0x32: {  	v29 =	vld [tilespmem:s15+$0x30C0];
	[tilespmem:$0x1FDF0] =	vst v22;
	v16 =	vsub.f32 v16, v0;
	v17 =	vsub.f32 v17, v0  }
0x33: {  	v32 =	vld [tilespmem:s15+$0x30F0];
	[tilespmem:$0x1FE10] =	vst v21;
	v18 =	vsub.f32 v18, v0;
	v19 =	vsub.f32 v19, v0  }
0x34: {  	v44 =	vld [tilespmem:s15+$0x3270];
	[tilespmem:$0x1FE30] =	vst v23;
	v20 =	vsub.f32 v20, v0;
	v36 =	vsub.f32 v22, v0  }
0x35: {  	v45 =	vld [tilespmem:s15+$0x32A0];
	[tilespmem:$0x1FE50] =	vst v25;
	v11 =	vsub.f32 v9, v13;
	v21 =	vsub.f32 v21, v30  }
0x36: {  	v55 =	vld [tilespmem:s15+$0x32D0];
	[tilespmem:$0x1FE60] =	vst v26;
	v22 =	vsub.f32 v10, v13;
	v23 =	vsub.f32 v23, v30  }
0x37: {  	v58 =	vld [tilespmem:s15+$0x3280];
	[tilespmem:$0x1FE70] =	vst v27;
	v24 =	vsub.f32 v12, v13;
	v25 =	vsub.f32 v25, v30  }
0x38: {  	v59 =	vld [tilespmem:s15+$0x32B0];
	[tilespmem:$0x1FE80] =	vst v29;
	v26 =	vsub.f32 v26, v13;
	v27 =	vsub.f32 v27, v30  }
0x39: {  	v53 =	vimm.f32 $+Inf;
	v60 =	vld [tilespmem:s15+$0x32E0];
	[tilespmem:$0x1FEA0] =	vst v32;
	v29 =	vsub.f32 v29, v13;
	v32 =	vsub.f32 v32, v13  }
0x3a: {  	v52 =	vimm.f32 $+Inf;
	v61 =	vsub.f32 v44, v13;
	v62 =	vsub.f32 v45, v13  }
0x3b: {  	v49 =	vsub.f32 v55, v13;
	v1 =	vmul.f32 v1, v1;
	v2 =	vmul.f32 v2, v2  }
0x3c: {  	[tilespmem:$0x1FE20] =	vst v10;
	v63 =	vsub.f32 v58, v30;
	v28 =	vmul.f32 v3, v3;
	v10 =	vmul.f32 v4, v4  }
0x3d: {  	v33 =	vld [tilespmem:s15+$0x3100];
	v50 =	vsub.f32 v59, v30;
	v57 =	vmul.f32 v5, v5;
	v3 =	vmul.f32 v11, v11  }
0x3e: {  	v38 =	vld [tilespmem:s15+$0x3150];
	[tilespmem:$0x1FE00] =	vst v9;
	v51 =	vsub.f32 v60, v30;
	v4 =	vmul.f32 v21, v21;
	v5 =	vmul.f32 v22, v22  }
0x3f: {  	[tilespmem:$0x1FFC0] =	vst v55;
	v55 =	vimm.f32 $+Inf;
	v22 =	vmul.f32 v23, v23;
	v11 =	vmul.f32 v8, v8  }
0x40: {  	[tilespmem:$0x1FFF0] =	vst v60;
	v60 =	vimm.f32 $+Inf;
	v23 =	vmul.f32 v25, v25;
	v8 =	vmul.f32 v15, v15  }
0x41: {  	[tilespmem:$0x1FFD0] =	vst v58;
	v9 =	vld [tilespmem:s15+$0x30D0];
	v58 =	vimm.f32 $+Inf;
	v15 =	vmul.f32 v26, v26;
	v0 =	vmul.f32 v20, v20  }
0x42: {  	v34 =	vld [tilespmem:s15+$0x3120];
	v21 =	vsub.f32 v33, v30;
	v56 =	vmul.f32 v36, v36;
	v54 =	vmul.f32 v29, v29  }
0x43: {  	v39 =	vld [tilespmem:s15+$0x3180];
	[tilespmem:$0x1FEB0] =	vst v33;
	v20 =	vsub.f32 v38, v13;
	v33 =	vmul.f32 v50, v50;
	v50 =	vimm.f32 $+Inf  }
0x44: {  	v40 =	vld [tilespmem:s15+$0x31B0];
	v3 =	vadd.f32 v4, v3;
	v4 =	vmul.f32 v16, v16;
	v16 =	vmul.f32 v27, v27  }
0x45: {  	[tilespmem:$0x1FE40] =	vst v12;
	v25 =	vld [tilespmem:s15+$0x31C0];
	v22 =	vadd.f32 v22, v5;
	v5 =	vmul.f32 v17, v17;
	v17 =	vmul.f32 v21, v21  }
0x46: {  	v29 =	vld [tilespmem:s15+$0x3250];
	[tilespmem:$0x1FE90] =	vst v9;
	v31 =	vsub.f32 v9, v30;
	v9 =	vmul.f32 v6, v6;
	v6 =	vmul.f32 v7, v7  }
0x47: {  	v42 =	vld [tilespmem:s15+$0x3210];
	[tilespmem:$0x1FEC0] =	vst v34;
	v7 =	vmul.f32 v14, v14;
	v14 =	vmul.f32 v24, v24;
	v48 =	vadd.f32 v1, v3  }
0x48: {  	v41 =	vld [tilespmem:s15+$0x31E0];
	[tilespmem:$0x1FEE0] =	vst v38;
	v3 =	vmul.f32 v18, v18;
	v35 =	vadd.f32 v2, v22;
	v1 =	vmul.f32 v19, v19  }
0x49: {  	[tilespmem:$0x1FF00] =	vst v39;
	v24 =	vld [tilespmem:s15+$0x3130];
	v37 =	vadd.f32 v16, v15;
	v15 =	vmul.f32 v32, v32;
	v14 =	vadd.f32 v23, v14  }
0x4a: {  	v43 =	vld [tilespmem:s15+$0x3240];
	v32 =	vmul.f32 v63, v63;
	v63 =	vimm.f32 $+Inf;
	[tilespmem:$0x1FF30] =	vst v25;
	v25 =	vsub.f32 v25, v30  }
0x4b: {  	v23 =	vld [tilespmem:s15+$0x3160];
	v31 =	vmul.f32 v31, v31;
	[tilespmem:$0x1FF90] =	vst v29;
	v29 =	vsub.f32 v29, v30;
	v36 =	vadd.f32 v28, v14  }
0x4c: {  	[tilespmem:$0x1FF20] =	vst v40;
	v22 =	vld [tilespmem:s15+$0x3190];
	v14 =	vsub.f32 v34, v13;
	v26 =	vmul.f32 v25, v25;
	v25 =	vsub.f32 v42, v13  }
0x4d: {  	[tilespmem:$0x1FF40] =	vst v41;
	v29 =	vmul.f32 v29, v29;
	v38 =	vadd.f32 v31, v54;
	v31 =	vmul.f32 v49, v49  }
0x4e: {  	[tilespmem:$0x1FF60] =	vst v42;
	v27 =	vld [tilespmem:s15+$0x31F0];
	v34 =	vmul.f32 v51, v51;
	v54 =	vimm.f32 $+Inf;
	v18 =	vsub.f32 v24, v30  }
0x4f: {  	[tilespmem:$0x1FF80] =	vst v43;
	v28 =	vld [tilespmem:s15+$0x3220];
	v51 =	vimm.f32 $+Inf;
	v49 =	vimm.f32 $+Inf;
	v16 =	vmul.f32 v14, v14  }
0x50: {  	[tilespmem:$0x1FFA0] =	vst v44;
	v25 =	vmul.f32 v25, v25;
	v19 =	vmul.f32 v18, v18;
	v14 =	vsub.f32 v23, v30  }
0x51: {  	[tilespmem:$0x1FEF0] =	vst v23;
	v18 =	vmul.f32 v20, v20;
	v20 =	vsub.f32 v39, v13;
	v23 =	vsub.f32 v22, v30  }
0x52: {  	[tilespmem:$0x1FED0] =	vst v24;
	v39 =	vimm.f32 $+Inf;
	v21 =	vmul.f32 v14, v14;
	v14 =	vsub.f32 v40, v13  }
0x53: {  	[tilespmem:$0x1FF10] =	vst v22;
	v22 =	vmul.f32 v20, v20;
	v24 =	vmul.f32 v23, v23;
	v20 =	vsub.f32 v41, v13  }
0x54: {  	[tilespmem:$0x1FF70] =	vst v28;
	v28 =	vsub.f32 v28, v30;
	v23 =	vmul.f32 v14, v14;
	v14 =	vsub.f32 v27, v30  }
0x55: {  	[tilespmem:$0x1FFB0] =	vst v45;
	v41 =	vimm.f32 $+Inf;
	v40 =	vimm.f32 $+Inf;
	v20 =	vmul.f32 v20, v20  }
0x56: {  	[tilespmem:$0x1FF50] =	vst v27;
	v28 =	vmul.f32 v28, v28;
	v27 =	vmul.f32 v14, v14;
	v14 =	vsub.f32 v43, v13  }
0x57: {  	[tilespmem:$0x1FFE0] =	vst v59;
	v30 =	vmul.f32 v62, v62;
	v62 =	vimm.f32 $+Inf;
	v43 =	vimm.f32 $+Inf  }
0x58: {  	(xrf1) =	vsort.dscd.msk.f32 $0xffff, v48, v48;
	s15 =	simm.s32 $0x10;
	v13 =	vmul.f32 v14, v14;
	v14 =	vmul.f32 v61, v61;
	v61 =	vimm.f32 $+Inf  }
.LBB2_3:
0x59: {  	_ =	sdelay $0x2  }
0x5a: {  	v15 =	vadd.f32 v17, v15;
	(xrf1) =	vsort.dscd.msk.f32 $0xffff, v35, v35;
	v12 =	vadd.f32 v10, v37  }
0x5b: {  	v16 =	vadd.f32 v19, v16;
	(xrf1) =	vsort.dscd.msk.f32 $0xffff, v36, v36;
	v10 =	vadd.f32 v57, v38  }
0x5c: {  	v9 =	vadd.f32 v9, v15;
	v15 =	vadd.f32 v21, v18;
	(xrf1) =	vsort.dscd.msk.f32 $0xffff, v12, v12  }
0x5d: {  	v6 =	vadd.f32 v6, v16;
	v12 =	vadd.f32 v24, v22;
	(xrf1) =	vsort.dscd.msk.f32 $0xffff, v10, v10  }
0x5e: {  	v10 =	vadd.f32 v11, v15;
	v11 =	vadd.f32 v26, v23;
	(xrf1) =	vsort.dscd.msk.f32 $0xffff, v9, v9  }
0x5f: {  	v7 =	vadd.f32 v7, v12;
	v9 =	vadd.f32 v27, v20;
	(xrf1) =	vsort.dscd.msk.f32 $0xffff, v6, v6  }
0x60: {  	v6 =	vadd.f32 v8, v11;
	v8 =	vadd.f32 v28, v25;
	(xrf1) =	vsort.dscd.msk.f32 $0xffff, v10, v10  }
0x61: {  	v4 =	vadd.f32 v4, v9;
	v9 =	vadd.f32 v29, v13;
	(xrf1) =	vsort.dscd.msk.f32 $0xffff, v7, v7  }
0x62: {  	v5 =	vadd.f32 v5, v8;
	v7 =	vadd.f32 v32, v14;
	(xrf1) =	vsort.dscd.msk.f32 $0xffff, v6, v6  }
0x63: {  	v3 =	vadd.f32 v3, v9;
	v6 =	vadd.f32 v33, v30;
	(xrf1) =	vsort.dscd.msk.f32 $0xffff, v4, v4  }
0x64: {  	v2 =	vadd.f32 v1, v7;
	v4 =	vadd.f32 v34, v31;
	(xrf1) =	vsort.dscd.msk.f32 $0xffff, v5, v5  }
0x65: {  	v1 =	vadd.f32 v0, v6;
	(xrf1) =	vsort.dscd.msk.f32 $0xffff, v3, v3  }
0x66: {  	v0 =	vadd.f32 v56, v4;
	(xrf1) =	vsort.dscd.msk.f32 $0xffff, v2, v2  }
0x67: {  	s14 =	sadd.s32 $0x40, s14;
	v5, _, _ =	vpop (xrf1);
	(xrf1) =	vsort.dscd.msk.f32 $0xffff, v1, v1  }
0x68: {  	s16 =	sand.u32 $0x70, s15;
	s17 =	sand.u32 $0x3E00, s14;
	v7 =	vmin.f32 v55, v5;
	v6, _, _ =	vpop (xrf1);
	(xrf1) =	vsort.dscd.msk.f32 $0xffff, v0, v0  }
0x69: {  	s16 =	sor.u32 s16, s17;
	v8 =	vmin.f32 v54, v6;
	v5, _, _ =	vpop (xrf1);
	(xrf1) =	vsort.ascd.msk.f32 $0xffff, v7, v7  }
0x6a: {  	v10 =	vld [tilespmem:s16+$0x100];
	v9 =	vmin.f32 v53, v5;
	(xrf1) =	vsort.ascd.msk.f32 $0xffff, v8, v8  }
0x6b: {  	v6, _, _ =	vpop (xrf1);
	(xrf1) =	vsort.ascd.msk.f32 $0xffff, v9, v9;
	v9 =	vld [tilespmem:$0x1FD70];
	_ =	sdelay $0x4  }
0x6c: {  	v11 =	vsub.f32 v9, v10;
	v9 =	vld [tilespmem:$0x1FD80];
	_ =	sdelay $0x4  }
0x6d: {  	v15 =	vsub.f32 v9, v10;
	v9 =	vld [tilespmem:$0x1FD90];
	_ =	sdelay $0x4  }
0x6e: {  	v16 =	vsub.f32 v9, v10;
	v9 =	vld [tilespmem:$0x1FDA0];
	_ =	sdelay $0x4  }
0x6f: {  	v17 =	vsub.f32 v9, v10;
	v9 =	vld [tilespmem:$0x1FDB0];
	_ =	sdelay $0x4  }
0x70: {  	v18 =	vsub.f32 v9, v10;
	v9 =	vld [tilespmem:$0x1FDC0];
	_ =	sdelay $0x3  }
0x71: {  	v12 =	vmin.f32 v52, v6;
	v5, _, _ =	vpop (xrf1)  }
0x72: {  	v13 =	vmin.f32 v51, v5;
	(xrf1) =	vsort.ascd.msk.f32 $0xffff, v12, v12;
	v6, _, _ =	vpop (xrf1);
	v19 =	vsub.f32 v9, v10;
	v9 =	vld [tilespmem:$0x1FDD0]  }
0x73: {  	v12 =	vmin.f32 v50, v6;
	(xrf1) =	vsort.ascd.msk.f32 $0xffff, v13, v13;
	v5, _, _ =	vpop (xrf1)  }
0x74: {  	v13 =	vmin.f32 v49, v5;
	(xrf1) =	vsort.ascd.msk.f32 $0xffff, v12, v12;
	v6, _, _ =	vpop (xrf1)  }
0x75: {  	v12 =	vmin.f32 v63, v6;
	(xrf1) =	vsort.ascd.msk.f32 $0xffff, v13, v13;
	v5, _, _ =	vpop (xrf1)  }
0x76: {  	v20 =	vmin.f32 v62, v5;
	(xrf1) =	vsort.ascd.msk.f32 $0xffff, v12, v12  }
0x77: {  	v6, _, _ =	vpop (xrf1);
	(xrf1) =	vsort.ascd.msk.f32 $0xffff, v20, v20;
	v20 =	vsub.f32 v9, v10;
	v9 =	vld [tilespmem:$0x1FDE0];
	_ =	sdelay $0x4  }
0x78: {  	v21 =	vsub.f32 v9, v10;
	v9 =	vld [tilespmem:$0x1FDF0]  }
0x79: {  	v14 =	vld [tilespmem:s16+$0x80]  }
0x7a: {  	v3 =	vld [tilespmem:$0x1FD00]  }
0x7b: {  	v2 =	vld [tilespmem:$0x1FD10];
	v12 =	vmin.f32 v61, v6;
	v5, _, _ =	vpop (xrf1)  }
0x7c: {  	v13 =	vld [tilespmem:s16+$0x0];
	v22 =	vmin.f32 v60, v5;
	(xrf1) =	vsort.ascd.msk.f32 $0xffff, v12, v12  }
0x7d: {  	v6, _, _ =	vpop (xrf1);
	(xrf1) =	vsort.ascd.msk.f32 $0xffff, v22, v22;
	v22 =	vsub.f32 v9, v10;
	v9 =	vld [tilespmem:$0x1FE00]  }
0x7e: {  	v4 =	vld [tilespmem:$0x1FD20]  }
0x7f: {  	v1 =	vld [tilespmem:$0x1FD30]  }
0x80: {  	v0 =	vld [tilespmem:$0x1FD40];
	v2 =	vsub.f32 v2, v10  }
0x81: {  	v7 =	vld [tilespmem:$0x1FD50]  }
0x82: {  	v2 =	vmul.f32 v2, v2;
	v23 =	vsub.f32 v9, v13;
	v9 =	vld [tilespmem:$0x1FE10]  }
0x83: {  	v8 =	vld [tilespmem:$0x1FD60]  }
0x84: {  	[tilespmem:$0x1FCA0] =	vst v2;
	v2 =	vld [tilespmem:$0x1FEB0]  }
0x85: {  	v3 =	vsub.f32 v3, v10  }
0x86: {  	v4 =	vsub.f32 v4, v10;
	v1 =	vsub.f32 v1, v10  }
0x87: {  	v0 =	vsub.f32 v0, v10;
	v24 =	vsub.f32 v9, v14;
	v9 =	vld [tilespmem:$0x1FE20]  }
0x88: {  	v7 =	vsub.f32 v7, v10;
	v8 =	vsub.f32 v8, v10;
	v12 =	vmin.f32 v43, v6;
	v5, _, _ =	vpop (xrf1)  }
0x89: {  	(xrf1) =	vsort.ascd.msk.f32 $0xffff, v12, v12;
	v6, _, _ =	vpop (xrf1);
	v36 =	vsub.f32 v2, v14;
	v10 =	vmin.f32 v41, v5  }
0x8a: {  	v2 =	vmul.f32 v0, v0;
	v0 =	vld [tilespmem:$0x1FED0];
	v12 =	vmin.f32 v58, v6;
	v5, _, _ =	vpop (xrf1);
	(xrf1) =	vsort.ascd.msk.f32 $0xffff, v10, v10  }
0x8b: {  	v5 =	vmin.f32 v40, v5;
	v6, _, _ =	vpop (xrf1);
	(xrf1) =	vsort.ascd.msk.f32 $0xffff, v12, v12  }
0x8c: {  	v25 =	vsub.f32 v9, v13;
	v9, _, _ =	vpop (xrf1);
	(xrf1) =	vsort.ascd.msk.f32 $0xffff, v5, v5;
	v5 =	vld [tilespmem:$0x1FE30];
	_ =	sdelay $0x2  }
0x8d: {  	v6 =	vmin.f32 v39, v6;
	v39 =	vsub.f32 v0, v14;
	v0 =	vld [tilespmem:$0x1FEE0];
	_ =	sdelay $0x1  }
0x8e: {  	v26 =	vsub.f32 v5, v14;
	v5 =	vld [tilespmem:$0x1FE40];
	_ =	sdelay $0x2  }
0x8f: {  	v40 =	vsub.f32 v0, v13;
	v0 =	vld [tilespmem:$0x1FEF0];
	_ =	sdelay $0x1  }
0x90: {  	v10 =	vmul.f32 v15, v15;
	v15 =	vld [tilespmem:$0x1FF30];
	v27 =	vsub.f32 v5, v13;
	v5, _, _ =	vpop (xrf1)  }
0x91: {  	[tilespmem:$0x1FCE0] =	vst v5;
	v5 =	vld [tilespmem:$0x1FE50];
	_ =	sdelay $0x1  }
0x92: {  	v41 =	vsub.f32 v0, v14;
	v0 =	vld [tilespmem:$0x1FF00];
	_ =	sdelay $0x1  }
0x93: {  	v46 =	vsub.f32 v15, v14;
	v15 =	vld [tilespmem:$0x1FF40]  }
0x94: {  	v28 =	vsub.f32 v5, v14;
	v5 =	vld [tilespmem:$0x1FE60];
	_ =	sdelay $0x1  }
0x95: {  	v1 =	vmul.f32 v1, v1;
	v42 =	vsub.f32 v0, v13;
	v0 =	vld [tilespmem:$0x1FF10];
	_ =	sdelay $0x1  }
0x96: {  	[tilespmem:$0x1FCD0] =	vst v1;
	v1 =	vld [tilespmem:$0x1FEC0]  }
0x97: {  	v47 =	vmul.f32 v25, v25;
	v25 =	vsub.f32 v15, v13;
	v15 =	vld [tilespmem:$0x1FF50];
	v29 =	vsub.f32 v5, v13;
	v5, _, _ =	vpop (xrf1)  }
0x98: {  	[tilespmem:$0x1FCF0] =	vst v5;
	v5 =	vld [tilespmem:$0x1FE70]  }
0x99: {  	v59 =	vsub.f32 v0, v14;
	v0 =	vld [tilespmem:$0x1FF20];
	_ =	sdelay $0x1  }
0x9a: {  	v44 =	vmul.f32 v23, v23;
	v23 =	vld [tilespmem:$0x1FFD0]  }
0x9b: {  	v49 =	vmul.f32 v27, v27;
	v27 =	vsub.f32 v15, v14;
	v15 =	vld [tilespmem:$0x1FF60]  }
0x9c: {  	v30 =	vsub.f32 v5, v14;
	v5 =	vld [tilespmem:$0x1FE80]  }
0x9d: {  	v37 =	vsub.f32 v1, v13;
	v1 =	vmul.f32 v20, v20;
	v20 =	vsub.f32 v0, v13  }
0x9e: {  	v45 =	vmul.f32 v24, v24  }
0x9f: {  	v24 =	vmul.f32 v59, v59;
	v59 =	vsub.f32 v23, v14;
	v23 =	vmul.f32 v20, v20;
	v20 =	vld [tilespmem:$0x1FFB0];
	_ =	sdelay $0x1  }
0xa0: {  	v50 =	vmul.f32 v28, v28;
	v28 =	vsub.f32 v15, v13;
	v15 =	vld [tilespmem:$0x1FF70];
	v31 =	vsub.f32 v5, v13;
	v5, _, _ =	vpop (xrf1)  }
0xa1: {  	v38 =	vmul.f32 v4, v4;
	v4 =	vmul.f32 v17, v17;
	[tilespmem:$0x1FCB0] =	vst v5;
	v5 =	vld [tilespmem:$0x1FE90]  }
0xa2: {  	(xrf1) =	vsort.ascd.msk.f32 $0xffff, v6, v6;
	v6 =	vmul.f32 v8, v8;
	v8 =	vmul.f32 v16, v16;
	v16 =	vld [tilespmem:$0x1FF80]  }
0xa3: {  	v17 =	vmul.f32 v36, v36;
	v36 =	vsub.f32 v20, v13;
	v20 =	vmul.f32 v25, v25;
	v25 =	vld [tilespmem:$0x1FFE0];
	_ =	sdelay $0x1  }
0xa4: {  	v0 =	vmul.f32 v22, v22  }
0xa5: {  	v51 =	vmul.f32 v29, v29;
	v29 =	vsub.f32 v15, v14;
	v32 =	vsub.f32 v5, v14;
	v5 =	vld [tilespmem:$0x1FEA0]  }
0xa6: {  	v22 =	vld [tilespmem:$0x1FFA0];
	v52 =	vmul.f32 v30, v30;
	v30 =	vsub.f32 v16, v13;
	v16 =	vmul.f32 v37, v37  }
0xa7: {  	v37 =	vsub.f32 v25, v14;
	v25 =	vmul.f32 v28, v28;
	v28 =	vmul.f32 v29, v29;
	v29 =	vld [tilespmem:$0x1FFC0]  }
0xa8: {  	[tilespmem:$0x1FC90] =	vst v9;
	v9 =	vmul.f32 v7, v7;
	v7 =	vmul.f32 v18, v18;
	v18 =	vld [tilespmem:$0x1FF90]  }
0xa9: {  	v35 =	vmul.f32 v3, v3;
	v11 =	vmul.f32 v11, v11  }
0xaa: {  	v3 =	vmul.f32 v21, v21;
	v21 =	vmul.f32 v41, v41;
	v33 =	vsub.f32 v5, v13;
	v5, _, _ =	vpop (xrf1)  }
0xab: {  	v54 =	vmul.f32 v32, v32;
	v32 =	vsub.f32 v22, v13;
	[tilespmem:$0x1FCC0] =	vst v5;
	v34, _, _ =	vpop (xrf1);
	v5 =	vmul.f32 v19, v19  }
0xac: {  	v19 =	vmul.f32 v39, v39;
	v39 =	vsub.f32 v29, v13;
	v13 =	vmul.f32 v30, v30;
	v30 =	vld [tilespmem:$0x1FFF0];
	v12, _, _ =	vpop (xrf1)  }
0xad: {  	v48 =	vmul.f32 v26, v26;
	v53 =	vmul.f32 v31, v31;
	v31 =	vsub.f32 v18, v14;
	v63, _, _ =	vpop (xrf1)  }
0xae: {  	v26 =	vmul.f32 v46, v46;
	v27 =	vmul.f32 v27, v27;
	v62, _, _ =	vpop (xrf1)  }
0xaf: {  	v18 =	vmul.f32 v40, v40;
	v29 =	vmul.f32 v31, v31;
	v31 =	vadd.f32 v45, v44;
	v61, _, _ =	vpop (xrf1)  }
0xb0: {  	v15 =	vmul.f32 v33, v33;
	v33 =	vmul.f32 v37, v37;
	v37 =	vadd.f32 v52, v51;
	v60, _, _ =	vpop (xrf1)  }
0xb1: {  	v52 =	vld [tilespmem:$0x1FCB0];
	v40 =	vsub.f32 v30, v14;
	v14 =	vmul.f32 v32, v32;
	v32 =	vmul.f32 v59, v59;
	v43, _, _ =	vpop (xrf1)  }
0xb2: {  	p0 =	sne.s32 s15, $0xBF0;
	v59 =	vadd.f32 v48, v47;
	v47 =	vadd.f32 v50, v49;
	v49 =	vmov v12;
	v12 =	vld [tilespmem:$0x1FCA0];
	v57, _, _ =	vpop (xrf1)  }
.Ltmp0:
0xb3: {  	v22 =	vmul.f32 v42, v42;
	v51 =	vld [tilespmem:$0x1FCC0];
	v46 =	vadd.f32 v35, v31;
	v31 =	vmul.f32 v39, v39;
	v58, _, _ =	vpop (xrf1);
	(pc) =	sbr.rel @p0 .LBB2_3-.Ltmp0, $4  }
0xb4: {  	v30 =	vmul.f32 v36, v36;
	v36 =	vadd.f32 v38, v47;
	v38 =	vadd.f32 v54, v53;
	v54 =	vld [tilespmem:$0x1FCE0];
	v56, _, _ =	vpop (xrf1)  }
0xb5: {  	v50 =	vmov v34;
	v34 =	vmul.f32 v40, v40;
	v53 =	vld [tilespmem:$0x1FCF0];
	v55, _, _ =	vpop (xrf1);
	v40 =	vmov v56  }
0xb6: {  	v56 =	vmovc v0;
	v0 =	vmovc v3;
	v3 =	vmov v5;
	v5 =	vmov v7;
	v7 =	vmov v10;
	v10 =	vld [tilespmem:$0x1FCD0]  }
0xb7: {  	s15 =	sadd.s32 $0x10, s15;
	v41 =	vmovc v57;
	v57 =	vmov v2;
	v35 =	vadd.f32 v12, v59;
	(xrf1) =	vsort.dscd.msk.f32 $0xffff, v46, v46;
	v39 =	vmov v55;
	v55 =	vld [tilespmem:$0x1FC90]  }
0xb8: {  	_ =	sdelay $0x2  }
0xb9: {  	v15 =	vadd.f32 v17, v15;
	(xrf1) =	vsort.dscd.msk.f32 $0xffff, v35, v35;
	v12 =	vadd.f32 v10, v37  }
0xba: {  	v57 =	vadd.f32 v57, v38;
	v16 =	vadd.f32 v19, v16;
	(xrf1) =	vsort.dscd.msk.f32 $0xffff, v36, v36  }
0xbb: {  	v59 =	vadd.f32 v21, v18;
	v9 =	vadd.f32 v9, v15;
	(xrf1) =	vsort.dscd.msk.f32 $0xffff, v12, v12  }
0xbc: {  	v2 =	vadd.f32 v24, v22;
	v6 =	vadd.f32 v6, v16;
	(xrf1) =	vsort.dscd.msk.f32 $0xffff, v57, v57  }
0xbd: {  	v15 =	vadd.f32 v11, v59;
	v16 =	vadd.f32 v26, v23;
	(xrf1) =	vsort.dscd.msk.f32 $0xffff, v9, v9  }
0xbe: {  	v17 =	vadd.f32 v27, v20;
	v7 =	vadd.f32 v7, v2;
	(xrf1) =	vsort.dscd.msk.f32 $0xffff, v6, v6  }
0xbf: {  	v19 =	vadd.f32 v28, v25;
	v18 =	vadd.f32 v8, v16;
	(xrf1) =	vsort.dscd.msk.f32 $0xffff, v15, v15  }
0xc0: {  	v20 =	vadd.f32 v29, v13;
	v4 =	vadd.f32 v4, v17;
	(xrf1) =	vsort.dscd.msk.f32 $0xffff, v7, v7  }
0xc1: {  	v21 =	vadd.f32 v32, v14;
	v5 =	vadd.f32 v5, v19;
	(xrf1) =	vsort.dscd.msk.f32 $0xffff, v18, v18  }
0xc2: {  	v22 =	vadd.f32 v33, v30;
	v3 =	vadd.f32 v3, v20;
	(xrf1) =	vsort.dscd.msk.f32 $0xffff, v4, v4  }
0xc3: {  	v2 =	vadd.f32 v1, v21;
	v23 =	vadd.f32 v34, v31;
	(xrf1) =	vsort.dscd.msk.f32 $0xffff, v5, v5  }
0xc4: {  	v24 =	vadd.f32 v0, v22;
	(xrf1) =	vsort.dscd.msk.f32 $0xffff, v3, v3  }
0xc5: {  	v25 =	vadd.f32 v56, v23;
	(xrf1) =	vsort.dscd.msk.f32 $0xffff, v2, v2  }
0xc6: {  	v26, _, _ =	vpop (xrf1);
	(xrf1) =	vsort.dscd.msk.f32 $0xffff, v24, v24  }
0xc7: {  	v27 =	vmin.f32 v55, v26;
	v28, _, _ =	vpop (xrf1);
	(xrf1) =	vsort.dscd.msk.f32 $0xffff, v25, v25  }
0xc8: {  	v29 =	vmin.f32 v54, v28;
	v30, _, _ =	vpop (xrf1);
	(xrf1) =	vsort.ascd.msk.f32 $0xffff, v27, v27  }
0xc9: {  	v1 =	vmin.f32 v53, v30;
	(xrf1) =	vsort.ascd.msk.f32 $0xffff, v29, v29;
	v31, _, _ =	vpop (xrf1)  }
0xca: {  	v0 =	vmin.f32 v52, v31;
	(xrf1) =	vsort.ascd.msk.f32 $0xffff, v1, v1;
	v32, _, _ =	vpop (xrf1)  }
0xcb: {  	v1 =	vmin.f32 v51, v32;
	(xrf1) =	vsort.ascd.msk.f32 $0xffff, v0, v0;
	v33, _, _ =	vpop (xrf1)  }
0xcc: {  	v0 =	vmin.f32 v50, v33;
	(xrf1) =	vsort.ascd.msk.f32 $0xffff, v1, v1;
	v34, _, _ =	vpop (xrf1)  }
0xcd: {  	v1 =	vmin.f32 v49, v34;
	(xrf1) =	vsort.ascd.msk.f32 $0xffff, v0, v0;
	v35, _, _ =	vpop (xrf1)  }
0xce: {  	v0 =	vmin.f32 v63, v35;
	(xrf1) =	vsort.ascd.msk.f32 $0xffff, v1, v1;
	v36, _, _ =	vpop (xrf1)  }
0xcf: {  	v1 =	vmin.f32 v62, v36;
	(xrf1) =	vsort.ascd.msk.f32 $0xffff, v0, v0;
	v37, _, _ =	vpop (xrf1)  }
0xd0: {  	v0 =	vmin.f32 v61, v37;
	(xrf1) =	vsort.ascd.msk.f32 $0xffff, v1, v1;
	v38, _, _ =	vpop (xrf1)  }
0xd1: {  	v1 =	vmin.f32 v60, v38;
	(xrf1) =	vsort.ascd.msk.f32 $0xffff, v0, v0;
	v42, _, _ =	vpop (xrf1)  }
0xd2: {  	v0 =	vmin.f32 v43, v42;
	(xrf1) =	vsort.ascd.msk.f32 $0xffff, v1, v1;
	v44, _, _ =	vpop (xrf1)  }
0xd3: {  	v1 =	vmin.f32 v41, v44;
	(xrf1) =	vsort.ascd.msk.f32 $0xffff, v0, v0;
	v45, _, _ =	vpop (xrf1)  }
0xd4: {  	v0 =	vmin.f32 v58, v45;
	(xrf1) =	vsort.ascd.msk.f32 $0xffff, v1, v1;
	v46, _, _ =	vpop (xrf1)  }
0xd5: {  	s14 =	sshll.u32 s13, $0x8;
	v1 =	vmin.f32 v40, v46;
	(xrf1) =	vsort.ascd.msk.f32 $0xffff, v0, v0;
	v47, _, _ =	vpop (xrf1)  }
0xd6: {  	s14 =	sand.u32 $0x3FFFFF00, s14;
	v0 =	vmin.f32 v39, v47;
	v48, _, _ =	vpop (xrf1);
	(xrf1) =	vsort.ascd.msk.f32 $0xffff, v1, v1  }
0xd7: {  	v49, _, _ =	vpop (xrf1);
	(xrf1) =	vsort.ascd.msk.f32 $0xffff, v0, v0;
	[tilespmem:s14+$0x4800] =	vst v48  }
0xd8: {  	v50, _, _ =	vpop (xrf1);
	[tilespmem:s14+$0x4810] =	vst v49  }
0xd9: {  	v51, _, _ =	vpop (xrf1);
	[tilespmem:s14+$0x4820] =	vst v50  }
0xda: {  	v52, _, _ =	vpop (xrf1);
	[tilespmem:s14+$0x4830] =	vst v51  }
0xdb: {  	v53, _, _ =	vpop (xrf1);
	[tilespmem:s14+$0x4840] =	vst v52  }
0xdc: {  	v54, _, _ =	vpop (xrf1);
	[tilespmem:s14+$0x4850] =	vst v53  }
0xdd: {  	v55, _, _ =	vpop (xrf1);
	[tilespmem:s14+$0x4860] =	vst v54  }
0xde: {  	v56, _, _ =	vpop (xrf1);
	[tilespmem:s14+$0x4870] =	vst v55  }
0xdf: {  	v57, _, _ =	vpop (xrf1);
	[tilespmem:s14+$0x4880] =	vst v56  }
0xe0: {  	s13 =	sadd.s32 $0x1, s13;
	v58, _, _ =	vpop (xrf1);
	[tilespmem:s14+$0x4890] =	vst v57  }
0xe1: {  	p0 =	sne.s32 s13, $0x8;
	v59, _, _ =	vpop (xrf1);
	[tilespmem:s14+$0x48A0] =	vst v58  }
.Ltmp1:
0xe2: {  	v60, _, _ =	vpop (xrf1);
	[tilespmem:s14+$0x48B0] =	vst v59;
	(pc) =	sbr.rel @p0 .LBB2_2-.Ltmp1, $4  }
0xe3: {  	v61, _, _ =	vpop (xrf1);
	[tilespmem:s14+$0x48C0] =	vst v60  }
0xe4: {  	v62, _, _ =	vpop (xrf1);
	[tilespmem:s14+$0x48D0] =	vst v61  }
0xe5: {  	v63, _, _ =	vpop (xrf1);
	[tilespmem:s14+$0x48E0] =	vst v62  }
0xe6: {  	[tilespmem:s14+$0x48F0] =	vst v63  }
0xe7: {  	s12 =	sadd.s32 $0x1, s12  }
0xe8: {  	p0 =	sne.s32 s12, s6  }
.Ltmp2:
0xe9: {  	_ = 	snop;
	(pc) =	sbr.rel @p0 .LBB2_1-.Ltmp2, $4  }
0xea: {  	[hbm4b:s5+s2] =	stream.linear.scatter [tilespmem:s11], [sflag:$0x1], $0x800, $0x38;
	[tilespmem:$0x5000] =	vst v63  }
0xeb: {  	_ =	swait.ge [sflag:s7], $0x800  }
0xec: {  	[sflag:s7] =	ssyncset.done $0x0  }
0xed: {  	[sflag:s7] =	ssyncadd.s32 $0xFFFFF800  }
0xee: {  	_ =	sfence.sel $0x180000  }
0xef: {  	[bflag:$0x0] =	sbarrier.arrive $0xFFFF  }
0xf0: {  	p0 =	sne.s32 s0, $0x0;
	_ =	strace $0x90000047  }
0xf1: {  	s0 =	sadd.s32 @!p0 $0x100000, s1;
	[bflag:$0x2] =	sbarrier.arrive $0xFFFF  }
0xf2: {  	[sflag:s0] =	ssyncadd.tile.s32 @!p0 $0x1;
	_ =	shalt  }
.Lfunc_end2:
_tile_overlayer_lowered:
.L_overlay_start_2:
0xf3: {  	(tag) =	ssettag $0x2  }
0xf4: {  	s0 =	rddreg [dreg:$0x0];
	s2 =	stileid.u32  }
0xf5: {  	s1 =	rddreg [dreg:$0x1];
	p0 =	sne.s32 s2, $0x0  }
0xf6: {  	s3 =	rddreg [dreg:$0x2];
	[bflag:$0x3] =	sbarrier.arrive $0xFFFF;
	s2 =	simm.s32 @!p0 $0x1C01  }
0xf7: {  	[timem:s3], [sflag:s2] =	dma.local @!p0 [hbm:s0], s1  }
0xf8: {  	s0 =	simm.s32 @!p0 $0x1  }
0xf9: {  	_ =	swait.ge @!p0 [sflag:s0], s1  }
0xfa: {  	s1 =	ssub.s32 @!p0 $0x0, s1;
	[sflag:s0] =	ssyncset.done @!p0 $0x0  }
0xfb: {  	[sflag:s0] =	ssyncadd.s32 @!p0 s1  }
0xfc: {  	[bflag:$0x3] =	sbarrier.arrive $0xFFFF  }
0xfd: {  	_ =	shalt  }

// kernel: kernel.8.cloned.1.call-start
scs
__scs_entry_jumppad:
0x0: {  	(pc) =	sbr.rel $0x88, $3  }
0x1: {  	(tag) =	ssettag $0x0;
	lr =	simm.s32 $0x1  }
0x2: {  	[smem:$0x3F99] =	sst lr;
	_ =	strace $0xD0000000  }
0x3: {  	_ = 	snop  }
0x4: {  	_ = 	snop  }
0x5: {  	_ = 	snop  }
0x6: {  	_ = 	snop  }
0x7: {  	_ = 	snop  }
__scs_overlays_trampoline_lowered:
0x8: {  	[smem:$0x3FA8] =	sst s0  }
0x9: {  	[smem:$0x3FA9] =	sst s1  }
0xa: {  	[smem:$0x3FAA] =	sst s2  }
0xb: {  	[smem:$0x3FAB] =	sst s3  }
0xc: {  	[smem:$0x3FAC] =	sst s4  }
0xd: {  	[smem:$0x3FAD] =	sst s5  }
0xe: {  	[smem:$0x3FAE] =	sst s6  }
0xf: {  	[smem:$0x3FAF] =	sst s7  }
0x10: {  	[smem:$0x3FB0] =	sst s8  }
0x11: {  	[smem:$0x3FB1] =	sst s9;
	s0 =	simm.s32 @!p0 $0x0  }
0x12: {  	s1 =	sld [smem:$0x3F97];
	s0 =	simm.s32 @p0 $0x1  }
0x13: {  	[smem:$0x3FB2] =	sst s0;
	s0 =	simm.s32 @!p1 $0x0  }
0x14: {  	s2 =	sld [smem:$0x3F96];
	s0 =	simm.s32 @p1 $0x1  }
0x15: {  	[smem:$0x3FB3] =	sst s0;
	s0 =	simm.s32 @!p2 $0x0  }
0x16: {  	s3 =	sld [smem:$0x3FDB];
	s0 =	simm.s32 @p2 $0x1  }
0x17: {  	s4 =	simm.s32 $0x1BF5;
	[smem:$0x3FB5] =	sst s0  }
0x18: {  	s0 =	sld [smem:$0x3F98];
	_ =	swait.ge [sflag:s4], $0x0  }
0x19: {  	s7 =	sld [smem:$0x3F99]  }
0x1a: {  	s8 =	sadd.s32 $0xFFFFE003, lr  }
0x1b: {  	s9 =	sadd.s32 $0xFFFFFEF7, lr;
	s5 =	simm.s32 $0xFFFFFFFF;
	p2 =	slt.u32 s8, $0xFFFFF086  }
0x1c: {  	p1 =	slt.u32 s9, $0xF7A;
	s5 =	simm.s32 @!p2 $0x0  }
0x1d: {  	s5 =	simm.s32 @p1 $0x1;
	p0 =	seq.s32 s7, s2  }
0x1e: {  	s7 =	smul.u32 @!p0 $0xF7A, s2;
	p2 =	seq.s32 @!p0 s5, $0x0  }
0x1f: {  	s9 =	smul.u32 $0xF7A, s1;
	s8 =	simm.s32 @!p0 $0x1BF5;
	p2 =	por !p2, p0  }
0x20: {  	[sflag:s8] =	ssyncset.s32 @!p0 $0xFFFFF086;
	s6 =	sadd.s32 @!p0 s3, s7;
	s7 =	simm.s32 @!p0 $0x108  }
0x21: {  	s3 =	sadd.s32 s3, s9;
	s6 =	sadd.s32 @!p0 $0x88, s6;
	s7 =	simm.s32 @p2 $0x1082  }
0x22: {  	[simem:s7], [sflag:s8] =	dma.local @!p0 [hbm:s6], $0xF7A  }
0x23: {  	s9 =	sor.u32 $0xD0000000, s2;
	s6 =	simm.s32 $0x108;
	_ =	swait.ge @!p0 [sflag:s8], $0x0  }
0x24: {  	s3 =	sadd.s32 $0x88, s3;
	s6 =	simm.s32 @!p1 $0x1082;
	[sflag:s4] =	ssyncset.s32 $0xFFFFF086  }
0x25: {  	[simem:s6], [sflag:s4] =	dma.local [hbm:s3], $0xF7A  }
0x26: {  	[smem:$0x3F99] =	sst s1;
	(tag) =	ssettag s2;
	_ =	strace s9  }
0x27: {  	s1 =	sld [smem:$0x3FA9]  }
0x28: {  	s2 =	sld [smem:$0x3FAA]  }
0x29: {  	s4 =	sld [smem:$0x3FAC]  }
0x2a: {  	p0 =	seq.s32 s5, $0x0;
	s5 =	sld [smem:$0x3FAD]  }
0x2b: {  	s6 =	sld [smem:$0x3FAE]  }
0x2c: {  	s7 =	sld [smem:$0x3FAF]  }
0x2d: {  	s3 =	simm.s32 $0x108;
	s8 =	sld [smem:$0x3FB0]  }
0x2e: {  	s3 =	simm.s32 @!p0 $0x1082;
	s9 =	sld [smem:$0x3FB1]  }
0x2f: {  	lr =	sadd.s32 s0, s3;
	s0 =	sld [smem:$0x3FA8]  }
0x30: {  	s3 =	sld [smem:$0x3FAB]  }
0x31: {  	[smem:$0x3FB4] =	sst s10  }
0x32: {  	s10 =	sld [smem:$0x3FB2];
	_ =	sdelay $0x3  }
0x33: {  	p0 =	seq.s32 s10, $0x1;
	s10 =	sld [smem:$0x3FB4];
	_ =	sdelay $0x3  }
0x34: {  	[smem:$0x3FB4] =	sst s10  }
0x35: {  	s10 =	sld [smem:$0x3FB3];
	_ =	sdelay $0x3  }
0x36: {  	p1 =	seq.s32 s10, $0x1;
	s10 =	sld [smem:$0x3FB4];
	_ =	sdelay $0x3  }
0x37: {  	[smem:$0x3FB4] =	sst s10  }
0x38: {  	s10 =	sld [smem:$0x3FB5]  }
0x39: {  	_ = 	snop;
	(pc) =	sbr.ind lr, $3  }
0x3a: {  	_ = 	snop  }
0x3b: {  	_ = 	snop  }
0x3c: {  	p2 =	seq.s32 s10, $0x1;
	s10 =	sld [smem:$0x3FB4]  }
0x3d: {  	_ =	shalt  }
0x3e: {  	_ =	shalt  }
0x3f: {  	_ =	shalt  }
0x40: {  	_ =	shalt  }
0x41: {  	_ =	shalt  }
0x42: {  	_ =	shalt  }
0x43: {  	_ =	shalt  }
0x44: {  	_ =	shalt  }
0x45: {  	_ =	shalt  }
0x46: {  	_ =	shalt  }
0x47: {  	_ =	shalt  }
0x48: {  	_ =	shalt  }
0x49: {  	_ =	shalt  }
0x4a: {  	_ =	shalt  }
0x4b: {  	_ =	shalt  }
0x4c: {  	_ =	shalt  }
0x4d: {  	_ =	shalt  }
0x4e: {  	_ =	shalt  }
0x4f: {  	_ =	shalt  }
0x50: {  	_ =	shalt  }
0x51: {  	_ =	shalt  }
0x52: {  	_ =	shalt  }
0x53: {  	_ =	shalt  }
0x54: {  	_ =	shalt  }
0x55: {  	_ =	shalt  }
0x56: {  	_ =	shalt  }
0x57: {  	_ =	shalt  }
0x58: {  	_ =	shalt  }
0x59: {  	_ =	shalt  }
0x5a: {  	_ =	shalt  }
0x5b: {  	_ =	shalt  }
0x5c: {  	_ =	shalt  }
0x5d: {  	_ =	shalt  }
0x5e: {  	_ =	shalt  }
0x5f: {  	_ =	shalt  }
0x60: {  	_ =	shalt  }
0x61: {  	_ =	shalt  }
0x62: {  	_ =	shalt  }
0x63: {  	_ =	shalt  }
0x64: {  	_ =	shalt  }
0x65: {  	_ =	shalt  }
0x66: {  	_ =	shalt  }
0x67: {  	_ =	shalt  }
0x68: {  	_ =	shalt  }
0x69: {  	_ =	shalt  }
0x6a: {  	_ =	shalt  }
0x6b: {  	_ =	shalt  }
0x6c: {  	_ =	shalt  }
0x6d: {  	_ =	shalt  }
0x6e: {  	_ =	shalt  }
0x6f: {  	_ =	shalt  }
0x70: {  	_ =	shalt  }
0x71: {  	_ =	shalt  }
0x72: {  	_ =	shalt  }
0x73: {  	_ =	shalt  }
0x74: {  	_ =	shalt  }
0x75: {  	_ =	shalt  }
0x76: {  	_ =	shalt  }
0x77: {  	_ =	shalt  }
0x78: {  	_ =	shalt  }
0x79: {  	_ =	shalt  }
0x7a: {  	_ =	shalt  }
0x7b: {  	_ =	shalt  }
0x7c: {  	_ =	shalt  }
0x7d: {  	_ =	shalt  }
0x7e: {  	_ =	shalt  }
0x7f: {  	_ =	shalt  }
0x80: {  	_ =	shalt  }
0x81: {  	_ =	shalt  }
0x82: {  	_ =	shalt  }
0x83: {  	_ =	shalt  }
0x84: {  	_ =	shalt  }
0x85: {  	_ =	shalt  }
0x86: {  	_ =	shalt  }
0x87: {  	_ =	shalt  }
.Lfunc_end0:
.L_simem_size_0:
called_computation_lowered:
.L_overlay_start_0:
0x88: {  	s2 =	sld [smem:$0x3FD9]  }
0x89: {  	s3 =	sld [smem:$0x3FFE];
	_ =	sdelay $0x1  }
0x8a: {  	s1 =	srdreg.scid  }
0x8b: {  	s0 =	sand.u32 $0x1, s1  }
0x8c: {  	s17 =	sshll.u32 s0, $0xA;
	s2 =	sadd.s32 s3, s2  }
0x8d: {  	s2 =	sadd.s32 s2, s17  }
0x8e: {  	[smem:$0x3FC0] =	sst s2  }
0x8f: {  	_ = 	snop  }
0x90: {  	(tm) =	ssettm $0x1  }
0x91: {  	s18 =	sld [smem:$0x3FFB];
	_ =	sdelay $0x3  }
0x92: {  	_ =	strace s18  }
0x93: {  	s2 =	sld [smem:$0x3FFC];
	_ =	sdelay $0x3  }
0x94: {  	_ =	strace s2  }
0x95: {  	s2 =	sld [smem:$0x3FFD];
	_ =	sdelay $0x3  }
0x96: {  	_ =	strace s2  }
0x97: {  	_ =	strace $0x8FFFFFFF  }
0x98: {  	s19 =	sld [smem:$0x3FDB];
	_ =	sdelay $0x1  }
0x99: {  	s20 =	simm.s32 $_scs_section_size  }
0x9a: {  	s4 =	simm.s32 $_size__tile_overlayer_lowered;
	s5 =	simm.s32 $_tile_overlayer_lowered  }
0x9b: {  	s6 =	simm.s32 $0x1BFF;
	s21 =	sshll.u32 s5, $0x1;
	s3 =	sadd.s32 s20, s19  }
0x9c: {  	s22 =	simm.s32 $0x0;
	s4 =	sshll.u32 s4, $0x1;
	s5 =	sadd.s32 s21, s3  }
0x9d: {  	[timem:s22], [sflag:s6] =	dma.local [hbm:s5], s4  }
0x9e: {  	_ =	swait.ge [sflag:s6], s4  }
0x9f: {  	s4 =	ssub.s32 $0x0, s4;
	[sflag:s6] =	ssyncset.done $0x0  }
0xa0: {  	[sflag:s6] =	ssyncadd.s32 s4;
	_ =	sdelay $0x1  }
0xa1: {  	s23 =	simm.s32 $0x1B8B  }
0xa2: {  	_ =	swait.ge [sflag:s23], $0x1  }
0xa3: {  	[sflag:s23] =	ssyncset.done $0x0  }
0xa4: {  	[sflag:s23] =	ssyncadd.s32 $0xFFFFFFFF  }
0xa5: {  	s4 =	sld [smem:$0x0]  }
0xa6: {  	s5 =	sand.u32 $0xFFFFFFFE, s1  }
0xa7: {  	p0 =	sne.s32 s1, s5  }
0xa8: {  	s5 =	sshll.u32 @p0 s5, $0xE  }
0xa9: {  	s5 =	sadd.s32 @p0 $0x11B8D, s5;
	s6 =	sshll.u32 @p0 s4, $0x11  }
0xaa: {  	s5 =	sor.u32 @p0 s6, s5  }
0xab: {  	[sflag:s5] =	ssyncadd.remote.s32 @p0 $0x1;
	_ =	sdelay $0x1  }
0xac: {  	s5 =	simm.s32 @p0 $0x1B8D  }
0xad: {  	_ =	swait.eq @p0 [sflag:s5], $0x1  }
0xae: {  	[sflag:s5] =	ssyncadd.s32 @p0 $0xFFFFFFFF  }
0xaf: {  	s6 =	sshll.u32 @!p0 s1, $0xE  }
0xb0: {  	s6 =	sor.u32 @!p0 $0x4000, s6;
	s5 =	simm.s32 @!p0 $0x1B8D  }
0xb1: {  	s4 =	sshll.u32 @!p0 s4, $0x11;
	s6 =	sadd.s32 @!p0 $0x11B8D, s6;
	_ =	swait.eq @!p0 [sflag:s5], $0x1  }
0xb2: {  	s4 =	sor.u32 @!p0 s4, s6;
	[sflag:s5] =	ssyncadd.s32 @!p0 $0xFFFFFFFF  }
0xb3: {  	s25 =	simm.s32 $0x1B8E;
	s24 =	sld [smem:$0x3FFE];
	[sflag:s4] =	ssyncadd.remote.s32 @!p0 $0x1  }
0xb4: {  	s26 =	simm.s32 $execute0_lowered;
	[smem:$0x3FD2] =	sst s25  }
0xb5: {  	s5 =	sshll.u32 s26, $0x1;
	_ =	strace $0x80000049;
	[dreg:$0x1] =	wrdreg $0xFFFFFFFF  }
0xb6: {  	s28 =	simm.s32 $_size_execute0_lowered;
	s3 =	sadd.s32 s3, s5;
	[dreg:$0x0] =	wrdreg $0x0  }
0xb7: {  	s5 =	sshll.u32 s28, $0x1;
	[dreg:$0x2] =	wrdreg s3  }
0xb8: {  	[dreg:$0x3] =	wrdreg s5  }
0xb9: {  	[dreg:$0x4] =	wrdreg $0xC0  }
0xba: {  	_ =	task [dreg:s22], $0x5FFFF  }
0xbb: {  	[dreg:$0x1] =	wrdreg $0xFFFFFFFF  }
0xbc: {  	[dreg:$0x0] =	wrdreg $0x60  }
0xbd: {  	[dreg:$0x2] =	wrdreg s24  }
0xbe: {  	[dreg:$0x3] =	wrdreg $0x9  }
0xbf: {  	_ =	task.clear_ibuf [dreg:s22], $0x4FFFF;
	_ =	strace $0x90000049  }
0xc0: {  	s29 =	simm.s32 $0x9;
	_ =	strace $0x8000004B  }
0xc1: {  	_ =	swait.ge [sflag:s29], $0x1  }
0xc2: {  	[sflag:s29] =	ssyncadd.s32 $0xFFFFFFFF  }
0xc3: {  	_ =	strace $0x9000004B  }
0xc4: {  	_ =	sfence  }
0xc5: {  	s30 =	sld [smem:$0x0];
	_ =	sdelay $0x2  }
0xc6: {  	s31 =	sshll.u32 s1, $0xD;
	s1 =	sshrl.u32 s1, $0x2  }
0xc7: {  	s4 =	sand.u32 $0x4000, s31;
	s1 =	sadd.s32 s1, s30  }
0xc8: {  	s0 =	sor.u32 s4, s0;
	s1 =	sshll.u32 s1, $0x11  }
0xc9: {  	s0 =	sor.u32 s1, s0  }
0xca: {  	s0 =	sadd.s32 $0x8F2B, s0  }
0xcb: {  	[sflag:s0] =	ssyncadd.remote.s32 $0x1  }
0xcc: {  	_ =	sfence.sel $0xFFFF  }
0xcd: {  	[dreg:$0x0] =	wrdreg $0xFFFFFFFF;
	(pc) =	sbr.abs _section_cstart, $3  }
0xce: {  	[dreg:$0x1] =	wrdreg $0xFFFFFFFF  }
0xcf: {  	_ =	task.clear_ibuf [dreg:s22], $0x2FFFF;
	_ =	strace $0x9FFFFFFF  }
0xd0: {  	(tm) =	ssettm $0x7FFFFFFF  }
0xd1: {  	_ =	shalt  }
tec
execute0_lowered:
.L_overlay_start_1:
0x0: {  	(tag) =	ssettag $0x1  }
0x1: {  	s0 =	stileid.u32  }
0x2: {  	s1 =	srdreg.scid;
	s3 =	rddreg [dreg:$0x0];
	s9 =	simm.s32 $0x400  }
0x3: {  	s10 =	simm.s32 $0x3000;
	s11 =	simm.s32 $0x4800;
	s12 =	simm.s32 $0x0  }
0x4: {  	s4 =	sand.u32 $0x1, s1;
	s2 =	sshll.u32 s0, $0x1;
	s5 =	sshrl.u32 s0, $0x2  }
0x5: {  	s1 =	rddreg [dreg:$0x1];
	s6 =	sor.u32 s4, s2;
	s7 =	smul.u32 $0xC000, s5  }
0x6: {  	s2 =	simm.s32 $0x0;
	s5 =	smul.u32 $0x600, s5;
	s8 =	sshll.u32 s6, $0x7  }
0x7: {  	s4 =	ssub.s32 $0x2, s4;
	[smem:$0x7FF] =	sst s2;
	s8 =	sand.u32 $0x380, s8  }
0x8: {  	s6 =	sshll.u32 s6, $0x8;
	s31 =	sshrl.u32 s4, $0x1;
	s7 =	sor.u32 s7, s8  }
0x9: {  	_ =	strace $0x8000004A;
	s5 =	sadd.s32 s5, s3;
	s7 =	sshrl.u32 s7, $0x3  }
0xa: {  	s6 =	sadd.s32 s6, s3;
	s8 =	ssub.s32 s4, s31;
	s7 =	sadd.s32 s7, s3  }
0xb: {  	s3 =	sadd.s32 $0x13000, s5;
	s5 =	sadd.s32 $0x14800, s6;
	s6 =	smax.u32 s8, $0x1  }
0xc: {  	s8 =	simm.s32 $0x80;
	s4 =	sadd.s32 $0xD000, s7;
	s7 =	simm.s32 $0x1  }
.LBB2_1:
0xd: {  	[tilespmem:s2], [sflag:$0x1] =	stream.linear.gather [hbm4b:s3+s2], $0x3000, $0x38;
	[tilespmem:$0x5000] =	vst v63  }
0xe: {  	_ =	swait.ge [sflag:s7], $0x3000  }
0xf: {  	[sflag:s7] =	ssyncset.done $0x0  }
0x10: {  	[sflag:s7] =	ssyncadd.s32 $0xFFFFD000  }
0x11: {  	[tilespmem:s10], [sflag:$0x1] =	stream.strided.gather [hbm4b:s4+s8], $0x1800, s9, s8, $0x38;
	[tilespmem:$0x5000] =	vst v63  }
0x12: {  	_ =	swait.ge [sflag:s7], $0x1800  }
0x13: {  	[sflag:s7] =	ssyncset.done $0x0  }
0x14: {  	s13 =	simm.s32 $0x0;
	[sflag:s7] =	ssyncadd.s32 $0xFFFFE800  }
.LBB2_2:
0x15: {  	s14 =	smul.u32 $0xC00, s13;
	_ =	sdelay $0x1  }
0x16: {  	s15 =	sshra.s32 s14, $0x2  }
0x17: {  	v9 =	vld [tilespmem:s15+$0x3000]  }
0x18: {  	v10 =	vld [tilespmem:s15+$0x3030]  }
0x19: {  	v12 =	vld [tilespmem:s15+$0x3060]  }
0x1a: {  	v26 =	vld [tilespmem:s15+$0x3090]  }
0x1b: {  	v21 =	vld [tilespmem:s15+$0x3010]  }
0x1c: {  	v1 =	vld [tilespmem:s15+$0x3020]  }
0x1d: {  	v2 =	vld [tilespmem:s15+$0x3050]  }
0x1e: {  	v3 =	vld [tilespmem:s15+$0x3080]  }
0x1f: {  	v4 =	vld [tilespmem:s15+$0x30B0]  }
0x20: {  	v5 =	vld [tilespmem:s15+$0x30E0]  }
0x21: {  	v6 =	vld [tilespmem:s15+$0x3110]  }
0x22: {  	v7 =	vld [tilespmem:s15+$0x3140]  }
0x23: {  	v8 =	vld [tilespmem:s15+$0x3170];
	[tilespmem:$0x1FD00] =	vst v1  }
0x24: {  	v11 =	vld [tilespmem:s15+$0x31A0];
	[tilespmem:$0x1FD10] =	vst v2  }
0x25: {  	s14 =	simm.s32 $0x0;
	v15 =	vld [tilespmem:s15+$0x31D0];
	[tilespmem:$0x1FD20] =	vst v3  }
0x26: {  	s16 =	sand.u32 $0x70, s14;
	s17 =	sand.u32 $0x3E00, s14;
	v16 =	vld [tilespmem:s15+$0x3200];
	[tilespmem:$0x1FD30] =	vst v4  }
0x27: {  	v17 =	vld [tilespmem:s15+$0x3230];
	s16 =	sor.u32 s16, s17;
	[tilespmem:$0x1FD40] =	vst v5  }
0x28: {  	v0 =	vld [tilespmem:s16+$0x100];
	[tilespmem:$0x1FD50] =	vst v6  }
0x29: {  	v18 =	vld [tilespmem:s15+$0x3260];
	[tilespmem:$0x1FD60] =	vst v7  }
0x2a: {  	v19 =	vld [tilespmem:s15+$0x3290];
	[tilespmem:$0x1FD70] =	vst v8  }
0x2b: {  	v20 =	vld [tilespmem:s15+$0x32C0];
	[tilespmem:$0x1FD80] =	vst v11  }
0x2c: {  	v22 =	vld [tilespmem:s15+$0x32F0];
	[tilespmem:$0x1FD90] =	vst v15  }
0x2d: {  	v23 =	vld [tilespmem:s15+$0x3040];
	[tilespmem:$0x1FDA0] =	vst v16;
	v1 =	vsub.f32 v1, v0;
	v2 =	vsub.f32 v2, v0  }
0x2e: {  	v25 =	vld [tilespmem:s15+$0x3070];
	[tilespmem:$0x1FDB0] =	vst v17;
	v3 =	vsub.f32 v3, v0;
	v4 =	vsub.f32 v4, v0  }
0x2f: {  	v13 =	vld [tilespmem:s16+$0x0];
	[tilespmem:$0x1FDC0] =	vst v18;
	v5 =	vsub.f32 v5, v0;
	v6 =	vsub.f32 v6, v0  }
0x30: {  	v30 =	vld [tilespmem:s16+$0x80];
	[tilespmem:$0x1FDD0] =	vst v19;
	v7 =	vsub.f32 v7, v0;
	v8 =	vsub.f32 v8, v0  }
0x31: {  	v27 =	vld [tilespmem:s15+$0x30A0];
	[tilespmem:$0x1FDE0] =	vst v20;
	v14 =	vsub.f32 v11, v0;
	v15 =	vsub.f32 v15, v0  }
0x32: {  	v29 =	vld [tilespmem:s15+$0x30C0];
	[tilespmem:$0x1FDF0] =	vst v22;
	v16 =	vsub.f32 v16, v0;
	v17 =	vsub.f32 v17, v0  }
0x33: {  	v32 =	vld [tilespmem:s15+$0x30F0];
	[tilespmem:$0x1FE10] =	vst v21;
	v18 =	vsub.f32 v18, v0;
	v19 =	vsub.f32 v19, v0  }
0x34: {  	v44 =	vld [tilespmem:s15+$0x3270];
	[tilespmem:$0x1FE30] =	vst v23;
	v20 =	vsub.f32 v20, v0;
	v36 =	vsub.f32 v22, v0  }
0x35: {  	v45 =	vld [tilespmem:s15+$0x32A0];
	[tilespmem:$0x1FE50] =	vst v25;
	v11 =	vsub.f32 v9, v13;
	v21 =	vsub.f32 v21, v30  }
0x36: {  	v55 =	vld [tilespmem:s15+$0x32D0];
	[tilespmem:$0x1FE60] =	vst v26;
	v22 =	vsub.f32 v10, v13;
	v23 =	vsub.f32 v23, v30  }
0x37: {  	v58 =	vld [tilespmem:s15+$0x3280];
	[tilespmem:$0x1FE70] =	vst v27;
	v24 =	vsub.f32 v12, v13;
	v25 =	vsub.f32 v25, v30  }
0x38: {  	v59 =	vld [tilespmem:s15+$0x32B0];
	[tilespmem:$0x1FE80] =	vst v29;
	v26 =	vsub.f32 v26, v13;
	v27 =	vsub.f32 v27, v30  }
0x39: {  	v53 =	vimm.f32 $+Inf;
	v60 =	vld [tilespmem:s15+$0x32E0];
	[tilespmem:$0x1FEA0] =	vst v32;
	v29 =	vsub.f32 v29, v13;
	v32 =	vsub.f32 v32, v13  }
0x3a: {  	v52 =	vimm.f32 $+Inf;
	v61 =	vsub.f32 v44, v13;
	v62 =	vsub.f32 v45, v13  }
0x3b: {  	v49 =	vsub.f32 v55, v13;
	v1 =	vmul.f32 v1, v1;
	v2 =	vmul.f32 v2, v2  }
0x3c: {  	[tilespmem:$0x1FE20] =	vst v10;
	v63 =	vsub.f32 v58, v30;
	v28 =	vmul.f32 v3, v3;
	v10 =	vmul.f32 v4, v4  }
0x3d: {  	v33 =	vld [tilespmem:s15+$0x3100];
	v50 =	vsub.f32 v59, v30;
	v57 =	vmul.f32 v5, v5;
	v3 =	vmul.f32 v11, v11  }
0x3e: {  	v38 =	vld [tilespmem:s15+$0x3150];
	[tilespmem:$0x1FE00] =	vst v9;
	v51 =	vsub.f32 v60, v30;
	v4 =	vmul.f32 v21, v21;
	v5 =	vmul.f32 v22, v22  }
0x3f: {  	[tilespmem:$0x1FFC0] =	vst v55;
	v55 =	vimm.f32 $+Inf;
	v22 =	vmul.f32 v23, v23;
	v11 =	vmul.f32 v8, v8  }
0x40: {  	[tilespmem:$0x1FFF0] =	vst v60;
	v60 =	vimm.f32 $+Inf;
	v23 =	vmul.f32 v25, v25;
	v8 =	vmul.f32 v15, v15  }
0x41: {  	[tilespmem:$0x1FFD0] =	vst v58;
	v9 =	vld [tilespmem:s15+$0x30D0];
	v58 =	vimm.f32 $+Inf;
	v15 =	vmul.f32 v26, v26;
	v0 =	vmul.f32 v20, v20  }
0x42: {  	v34 =	vld [tilespmem:s15+$0x3120];
	v21 =	vsub.f32 v33, v30;
	v56 =	vmul.f32 v36, v36;
	v54 =	vmul.f32 v29, v29  }
0x43: {  	v39 =	vld [tilespmem:s15+$0x3180];
	[tilespmem:$0x1FEB0] =	vst v33;
	v20 =	vsub.f32 v38, v13;
	v33 =	vmul.f32 v50, v50;
	v50 =	vimm.f32 $+Inf  }
0x44: {  	v40 =	vld [tilespmem:s15+$0x31B0];
	v3 =	vadd.f32 v4, v3;
	v4 =	vmul.f32 v16, v16;
	v16 =	vmul.f32 v27, v27  }
0x45: {  	[tilespmem:$0x1FE40] =	vst v12;
	v25 =	vld [tilespmem:s15+$0x31C0];
	v22 =	vadd.f32 v22, v5;
	v5 =	vmul.f32 v17, v17;
	v17 =	vmul.f32 v21, v21  }
0x46: {  	v29 =	vld [tilespmem:s15+$0x3250];
	[tilespmem:$0x1FE90] =	vst v9;
	v31 =	vsub.f32 v9, v30;
	v9 =	vmul.f32 v6, v6;
	v6 =	vmul.f32 v7, v7  }
0x47: {  	v42 =	vld [tilespmem:s15+$0x3210];
	[tilespmem:$0x1FEC0] =	vst v34;
	v7 =	vmul.f32 v14, v14;
	v14 =	vmul.f32 v24, v24;
	v48 =	vadd.f32 v1, v3  }
0x48: {  	v41 =	vld [tilespmem:s15+$0x31E0];
	[tilespmem:$0x1FEE0] =	vst v38;
	v3 =	vmul.f32 v18, v18;
	v35 =	vadd.f32 v2, v22;
	v1 =	vmul.f32 v19, v19  }
0x49: {  	[tilespmem:$0x1FF00] =	vst v39;
	v24 =	vld [tilespmem:s15+$0x3130];
	v37 =	vadd.f32 v16, v15;
	v15 =	vmul.f32 v32, v32;
	v14 =	vadd.f32 v23, v14  }
0x4a: {  	v43 =	vld [tilespmem:s15+$0x3240];
	v32 =	vmul.f32 v63, v63;
	v63 =	vimm.f32 $+Inf;
	[tilespmem:$0x1FF30] =	vst v25;
	v25 =	vsub.f32 v25, v30  }
0x4b: {  	v23 =	vld [tilespmem:s15+$0x3160];
	v31 =	vmul.f32 v31, v31;
	[tilespmem:$0x1FF90] =	vst v29;
	v29 =	vsub.f32 v29, v30;
	v36 =	vadd.f32 v28, v14  }
0x4c: {  	[tilespmem:$0x1FF20] =	vst v40;
	v22 =	vld [tilespmem:s15+$0x3190];
	v14 =	vsub.f32 v34, v13;
	v26 =	vmul.f32 v25, v25;
	v25 =	vsub.f32 v42, v13  }
0x4d: {  	[tilespmem:$0x1FF40] =	vst v41;
	v29 =	vmul.f32 v29, v29;
	v38 =	vadd.f32 v31, v54;
	v31 =	vmul.f32 v49, v49  }
0x4e: {  	[tilespmem:$0x1FF60] =	vst v42;
	v27 =	vld [tilespmem:s15+$0x31F0];
	v34 =	vmul.f32 v51, v51;
	v54 =	vimm.f32 $+Inf;
	v18 =	vsub.f32 v24, v30  }
0x4f: {  	[tilespmem:$0x1FF80] =	vst v43;
	v28 =	vld [tilespmem:s15+$0x3220];
	v51 =	vimm.f32 $+Inf;
	v49 =	vimm.f32 $+Inf;
	v16 =	vmul.f32 v14, v14  }
0x50: {  	[tilespmem:$0x1FFA0] =	vst v44;
	v25 =	vmul.f32 v25, v25;
	v19 =	vmul.f32 v18, v18;
	v14 =	vsub.f32 v23, v30  }
0x51: {  	[tilespmem:$0x1FEF0] =	vst v23;
	v18 =	vmul.f32 v20, v20;
	v20 =	vsub.f32 v39, v13;
	v23 =	vsub.f32 v22, v30  }
0x52: {  	[tilespmem:$0x1FED0] =	vst v24;
	v39 =	vimm.f32 $+Inf;
	v21 =	vmul.f32 v14, v14;
	v14 =	vsub.f32 v40, v13  }
0x53: {  	[tilespmem:$0x1FF10] =	vst v22;
	v22 =	vmul.f32 v20, v20;
	v24 =	vmul.f32 v23, v23;
	v20 =	vsub.f32 v41, v13  }
0x54: {  	[tilespmem:$0x1FF70] =	vst v28;
	v28 =	vsub.f32 v28, v30;
	v23 =	vmul.f32 v14, v14;
	v14 =	vsub.f32 v27, v30  }
0x55: {  	[tilespmem:$0x1FFB0] =	vst v45;
	v41 =	vimm.f32 $+Inf;
	v40 =	vimm.f32 $+Inf;
	v20 =	vmul.f32 v20, v20  }
0x56: {  	[tilespmem:$0x1FF50] =	vst v27;
	v28 =	vmul.f32 v28, v28;
	v27 =	vmul.f32 v14, v14;
	v14 =	vsub.f32 v43, v13  }
0x57: {  	[tilespmem:$0x1FFE0] =	vst v59;
	v30 =	vmul.f32 v62, v62;
	v62 =	vimm.f32 $+Inf;
	v43 =	vimm.f32 $+Inf  }
0x58: {  	(xrf1) =	vsort.dscd.msk.f32 $0xffff, v48, v48;
	s15 =	simm.s32 $0x10;
	v13 =	vmul.f32 v14, v14;
	v14 =	vmul.f32 v61, v61;
	v61 =	vimm.f32 $+Inf  }
.LBB2_3:
0x59: {  	_ =	sdelay $0x2  }
0x5a: {  	v15 =	vadd.f32 v17, v15;
	(xrf1) =	vsort.dscd.msk.f32 $0xffff, v35, v35;
	v12 =	vadd.f32 v10, v37  }
0x5b: {  	v16 =	vadd.f32 v19, v16;
	(xrf1) =	vsort.dscd.msk.f32 $0xffff, v36, v36;
	v10 =	vadd.f32 v57, v38  }
0x5c: {  	v9 =	vadd.f32 v9, v15;
	v15 =	vadd.f32 v21, v18;
	(xrf1) =	vsort.dscd.msk.f32 $0xffff, v12, v12  }
0x5d: {  	v6 =	vadd.f32 v6, v16;
	v12 =	vadd.f32 v24, v22;
	(xrf1) =	vsort.dscd.msk.f32 $0xffff, v10, v10  }
0x5e: {  	v10 =	vadd.f32 v11, v15;
	v11 =	vadd.f32 v26, v23;
	(xrf1) =	vsort.dscd.msk.f32 $0xffff, v9, v9  }
0x5f: {  	v7 =	vadd.f32 v7, v12;
	v9 =	vadd.f32 v27, v20;
	(xrf1) =	vsort.dscd.msk.f32 $0xffff, v6, v6  }
0x60: {  	v6 =	vadd.f32 v8, v11;
	v8 =	vadd.f32 v28, v25;
	(xrf1) =	vsort.dscd.msk.f32 $0xffff, v10, v10  }
0x61: {  	v4 =	vadd.f32 v4, v9;
	v9 =	vadd.f32 v29, v13;
	(xrf1) =	vsort.dscd.msk.f32 $0xffff, v7, v7  }
0x62: {  	v5 =	vadd.f32 v5, v8;
	v7 =	vadd.f32 v32, v14;
	(xrf1) =	vsort.dscd.msk.f32 $0xffff, v6, v6  }
0x63: {  	v3 =	vadd.f32 v3, v9;
	v6 =	vadd.f32 v33, v30;
	(xrf1) =	vsort.dscd.msk.f32 $0xffff, v4, v4  }
0x64: {  	v2 =	vadd.f32 v1, v7;
	v4 =	vadd.f32 v34, v31;
	(xrf1) =	vsort.dscd.msk.f32 $0xffff, v5, v5  }
0x65: {  	v1 =	vadd.f32 v0, v6;
	(xrf1) =	vsort.dscd.msk.f32 $0xffff, v3, v3  }
0x66: {  	v0 =	vadd.f32 v56, v4;
	(xrf1) =	vsort.dscd.msk.f32 $0xffff, v2, v2  }
0x67: {  	s14 =	sadd.s32 $0x40, s14;
	v5, _, _ =	vpop (xrf1);
	(xrf1) =	vsort.dscd.msk.f32 $0xffff, v1, v1  }
0x68: {  	s16 =	sand.u32 $0x70, s15;
	s17 =	sand.u32 $0x3E00, s14;
	v7 =	vmin.f32 v55, v5;
	v6, _, _ =	vpop (xrf1);
	(xrf1) =	vsort.dscd.msk.f32 $0xffff, v0, v0  }
0x69: {  	s16 =	sor.u32 s16, s17;
	v8 =	vmin.f32 v54, v6;
	v5, _, _ =	vpop (xrf1);
	(xrf1) =	vsort.ascd.msk.f32 $0xffff, v7, v7  }
0x6a: {  	v10 =	vld [tilespmem:s16+$0x100];
	v9 =	vmin.f32 v53, v5;
	(xrf1) =	vsort.ascd.msk.f32 $0xffff, v8, v8  }
0x6b: {  	v6, _, _ =	vpop (xrf1);
	(xrf1) =	vsort.ascd.msk.f32 $0xffff, v9, v9;
	v9 =	vld [tilespmem:$0x1FD70];
	_ =	sdelay $0x4  }
0x6c: {  	v11 =	vsub.f32 v9, v10;
	v9 =	vld [tilespmem:$0x1FD80];
	_ =	sdelay $0x4  }
0x6d: {  	v15 =	vsub.f32 v9, v10;
	v9 =	vld [tilespmem:$0x1FD90];
	_ =	sdelay $0x4  }
0x6e: {  	v16 =	vsub.f32 v9, v10;
	v9 =	vld [tilespmem:$0x1FDA0];
	_ =	sdelay $0x4  }
0x6f: {  	v17 =	vsub.f32 v9, v10;
	v9 =	vld [tilespmem:$0x1FDB0];
	_ =	sdelay $0x4  }
0x70: {  	v18 =	vsub.f32 v9, v10;
	v9 =	vld [tilespmem:$0x1FDC0];
	_ =	sdelay $0x3  }
0x71: {  	v12 =	vmin.f32 v52, v6;
	v5, _, _ =	vpop (xrf1)  }
0x72: {  	v13 =	vmin.f32 v51, v5;
	(xrf1) =	vsort.ascd.msk.f32 $0xffff, v12, v12;
	v6, _, _ =	vpop (xrf1);
	v19 =	vsub.f32 v9, v10;
	v9 =	vld [tilespmem:$0x1FDD0]  }
0x73: {  	v12 =	vmin.f32 v50, v6;
	(xrf1) =	vsort.ascd.msk.f32 $0xffff, v13, v13;
	v5, _, _ =	vpop (xrf1)  }
0x74: {  	v13 =	vmin.f32 v49, v5;
	(xrf1) =	vsort.ascd.msk.f32 $0xffff, v12, v12;
	v6, _, _ =	vpop (xrf1)  }
0x75: {  	v12 =	vmin.f32 v63, v6;
	(xrf1) =	vsort.ascd.msk.f32 $0xffff, v13, v13;
	v5, _, _ =	vpop (xrf1)  }
0x76: {  	v20 =	vmin.f32 v62, v5;
	(xrf1) =	vsort.ascd.msk.f32 $0xffff, v12, v12  }
0x77: {  	v6, _, _ =	vpop (xrf1);
	(xrf1) =	vsort.ascd.msk.f32 $0xffff, v20, v20;
	v20 =	vsub.f32 v9, v10;
	v9 =	vld [tilespmem:$0x1FDE0];
	_ =	sdelay $0x4  }
0x78: {  	v21 =	vsub.f32 v9, v10;
	v9 =	vld [tilespmem:$0x1FDF0]  }
0x79: {  	v14 =	vld [tilespmem:s16+$0x80]  }
0x7a: {  	v3 =	vld [tilespmem:$0x1FD00]  }
0x7b: {  	v2 =	vld [tilespmem:$0x1FD10];
	v12 =	vmin.f32 v61, v6;
	v5, _, _ =	vpop (xrf1)  }
0x7c: {  	v13 =	vld [tilespmem:s16+$0x0];
	v22 =	vmin.f32 v60, v5;
	(xrf1) =	vsort.ascd.msk.f32 $0xffff, v12, v12  }
0x7d: {  	v6, _, _ =	vpop (xrf1);
	(xrf1) =	vsort.ascd.msk.f32 $0xffff, v22, v22;
	v22 =	vsub.f32 v9, v10;
	v9 =	vld [tilespmem:$0x1FE00]  }
0x7e: {  	v4 =	vld [tilespmem:$0x1FD20]  }
0x7f: {  	v1 =	vld [tilespmem:$0x1FD30]  }
0x80: {  	v0 =	vld [tilespmem:$0x1FD40];
	v2 =	vsub.f32 v2, v10  }
0x81: {  	v7 =	vld [tilespmem:$0x1FD50]  }
0x82: {  	v2 =	vmul.f32 v2, v2;
	v23 =	vsub.f32 v9, v13;
	v9 =	vld [tilespmem:$0x1FE10]  }
0x83: {  	v8 =	vld [tilespmem:$0x1FD60]  }
0x84: {  	[tilespmem:$0x1FCA0] =	vst v2;
	v2 =	vld [tilespmem:$0x1FEB0]  }
0x85: {  	v3 =	vsub.f32 v3, v10  }
0x86: {  	v4 =	vsub.f32 v4, v10;
	v1 =	vsub.f32 v1, v10  }
0x87: {  	v0 =	vsub.f32 v0, v10;
	v24 =	vsub.f32 v9, v14;
	v9 =	vld [tilespmem:$0x1FE20]  }
0x88: {  	v7 =	vsub.f32 v7, v10;
	v8 =	vsub.f32 v8, v10;
	v12 =	vmin.f32 v43, v6;
	v5, _, _ =	vpop (xrf1)  }
0x89: {  	(xrf1) =	vsort.ascd.msk.f32 $0xffff, v12, v12;
	v6, _, _ =	vpop (xrf1);
	v36 =	vsub.f32 v2, v14;
	v10 =	vmin.f32 v41, v5  }
0x8a: {  	v2 =	vmul.f32 v0, v0;
	v0 =	vld [tilespmem:$0x1FED0];
	v12 =	vmin.f32 v58, v6;
	v5, _, _ =	vpop (xrf1);
	(xrf1) =	vsort.ascd.msk.f32 $0xffff, v10, v10  }
0x8b: {  	v5 =	vmin.f32 v40, v5;
	v6, _, _ =	vpop (xrf1);
	(xrf1) =	vsort.ascd.msk.f32 $0xffff, v12, v12  }
0x8c: {  	v25 =	vsub.f32 v9, v13;
	v9, _, _ =	vpop (xrf1);
	(xrf1) =	vsort.ascd.msk.f32 $0xffff, v5, v5;
	v5 =	vld [tilespmem:$0x1FE30];
	_ =	sdelay $0x2  }
0x8d: {  	v6 =	vmin.f32 v39, v6;
	v39 =	vsub.f32 v0, v14;
	v0 =	vld [tilespmem:$0x1FEE0];
	_ =	sdelay $0x1  }
0x8e: {  	v26 =	vsub.f32 v5, v14;
	v5 =	vld [tilespmem:$0x1FE40];
	_ =	sdelay $0x2  }
0x8f: {  	v40 =	vsub.f32 v0, v13;
	v0 =	vld [tilespmem:$0x1FEF0];
	_ =	sdelay $0x1  }
0x90: {  	v10 =	vmul.f32 v15, v15;
	v15 =	vld [tilespmem:$0x1FF30];
	v27 =	vsub.f32 v5, v13;
	v5, _, _ =	vpop (xrf1)  }
0x91: {  	[tilespmem:$0x1FCE0] =	vst v5;
	v5 =	vld [tilespmem:$0x1FE50];
	_ =	sdelay $0x1  }
0x92: {  	v41 =	vsub.f32 v0, v14;
	v0 =	vld [tilespmem:$0x1FF00];
	_ =	sdelay $0x1  }
0x93: {  	v46 =	vsub.f32 v15, v14;
	v15 =	vld [tilespmem:$0x1FF40]  }
0x94: {  	v28 =	vsub.f32 v5, v14;
	v5 =	vld [tilespmem:$0x1FE60];
	_ =	sdelay $0x1  }
0x95: {  	v1 =	vmul.f32 v1, v1;
	v42 =	vsub.f32 v0, v13;
	v0 =	vld [tilespmem:$0x1FF10];
	_ =	sdelay $0x1  }
0x96: {  	[tilespmem:$0x1FCD0] =	vst v1;
	v1 =	vld [tilespmem:$0x1FEC0]  }
0x97: {  	v47 =	vmul.f32 v25, v25;
	v25 =	vsub.f32 v15, v13;
	v15 =	vld [tilespmem:$0x1FF50];
	v29 =	vsub.f32 v5, v13;
	v5, _, _ =	vpop (xrf1)  }
0x98: {  	[tilespmem:$0x1FCF0] =	vst v5;
	v5 =	vld [tilespmem:$0x1FE70]  }
0x99: {  	v59 =	vsub.f32 v0, v14;
	v0 =	vld [tilespmem:$0x1FF20];
	_ =	sdelay $0x1  }
0x9a: {  	v44 =	vmul.f32 v23, v23;
	v23 =	vld [tilespmem:$0x1FFD0]  }
0x9b: {  	v49 =	vmul.f32 v27, v27;
	v27 =	vsub.f32 v15, v14;
	v15 =	vld [tilespmem:$0x1FF60]  }
0x9c: {  	v30 =	vsub.f32 v5, v14;
	v5 =	vld [tilespmem:$0x1FE80]  }
0x9d: {  	v37 =	vsub.f32 v1, v13;
	v1 =	vmul.f32 v20, v20;
	v20 =	vsub.f32 v0, v13  }
0x9e: {  	v45 =	vmul.f32 v24, v24  }
0x9f: {  	v24 =	vmul.f32 v59, v59;
	v59 =	vsub.f32 v23, v14;
	v23 =	vmul.f32 v20, v20;
	v20 =	vld [tilespmem:$0x1FFB0];
	_ =	sdelay $0x1  }
0xa0: {  	v50 =	vmul.f32 v28, v28;
	v28 =	vsub.f32 v15, v13;
	v15 =	vld [tilespmem:$0x1FF70];
	v31 =	vsub.f32 v5, v13;
	v5, _, _ =	vpop (xrf1)  }
0xa1: {  	v38 =	vmul.f32 v4, v4;
	v4 =	vmul.f32 v17, v17;
	[tilespmem:$0x1FCB0] =	vst v5;
	v5 =	vld [tilespmem:$0x1FE90]  }
0xa2: {  	(xrf1) =	vsort.ascd.msk.f32 $0xffff, v6, v6;
	v6 =	vmul.f32 v8, v8;
	v8 =	vmul.f32 v16, v16;
	v16 =	vld [tilespmem:$0x1FF80]  }
0xa3: {  	v17 =	vmul.f32 v36, v36;
	v36 =	vsub.f32 v20, v13;
	v20 =	vmul.f32 v25, v25;
	v25 =	vld [tilespmem:$0x1FFE0];
	_ =	sdelay $0x1  }
0xa4: {  	v0 =	vmul.f32 v22, v22  }
0xa5: {  	v51 =	vmul.f32 v29, v29;
	v29 =	vsub.f32 v15, v14;
	v32 =	vsub.f32 v5, v14;
	v5 =	vld [tilespmem:$0x1FEA0]  }
0xa6: {  	v22 =	vld [tilespmem:$0x1FFA0];
	v52 =	vmul.f32 v30, v30;
	v30 =	vsub.f32 v16, v13;
	v16 =	vmul.f32 v37, v37  }
0xa7: {  	v37 =	vsub.f32 v25, v14;
	v25 =	vmul.f32 v28, v28;
	v28 =	vmul.f32 v29, v29;
	v29 =	vld [tilespmem:$0x1FFC0]  }
0xa8: {  	[tilespmem:$0x1FC90] =	vst v9;
	v9 =	vmul.f32 v7, v7;
	v7 =	vmul.f32 v18, v18;
	v18 =	vld [tilespmem:$0x1FF90]  }
0xa9: {  	v35 =	vmul.f32 v3, v3;
	v11 =	vmul.f32 v11, v11  }
0xaa: {  	v3 =	vmul.f32 v21, v21;
	v21 =	vmul.f32 v41, v41;
	v33 =	vsub.f32 v5, v13;
	v5, _, _ =	vpop (xrf1)  }
0xab: {  	v54 =	vmul.f32 v32, v32;
	v32 =	vsub.f32 v22, v13;
	[tilespmem:$0x1FCC0] =	vst v5;
	v34, _, _ =	vpop (xrf1);
	v5 =	vmul.f32 v19, v19  }
0xac: {  	v19 =	vmul.f32 v39, v39;
	v39 =	vsub.f32 v29, v13;
	v13 =	vmul.f32 v30, v30;
	v30 =	vld [tilespmem:$0x1FFF0];
	v12, _, _ =	vpop (xrf1)  }
0xad: {  	v48 =	vmul.f32 v26, v26;
	v53 =	vmul.f32 v31, v31;
	v31 =	vsub.f32 v18, v14;
	v63, _, _ =	vpop (xrf1)  }
0xae: {  	v26 =	vmul.f32 v46, v46;
	v27 =	vmul.f32 v27, v27;
	v62, _, _ =	vpop (xrf1)  }
0xaf: {  	v18 =	vmul.f32 v40, v40;
	v29 =	vmul.f32 v31, v31;
	v31 =	vadd.f32 v45, v44;
	v61, _, _ =	vpop (xrf1)  }
0xb0: {  	v15 =	vmul.f32 v33, v33;
	v33 =	vmul.f32 v37, v37;
	v37 =	vadd.f32 v52, v51;
	v60, _, _ =	vpop (xrf1)  }
0xb1: {  	v52 =	vld [tilespmem:$0x1FCB0];
	v40 =	vsub.f32 v30, v14;
	v14 =	vmul.f32 v32, v32;
	v32 =	vmul.f32 v59, v59;
	v43, _, _ =	vpop (xrf1)  }
0xb2: {  	p0 =	sne.s32 s15, $0xBF0;
	v59 =	vadd.f32 v48, v47;
	v47 =	vadd.f32 v50, v49;
	v49 =	vmov v12;
	v12 =	vld [tilespmem:$0x1FCA0];
	v57, _, _ =	vpop (xrf1)  }
.Ltmp0:
0xb3: {  	v22 =	vmul.f32 v42, v42;
	v51 =	vld [tilespmem:$0x1FCC0];
	v46 =	vadd.f32 v35, v31;
	v31 =	vmul.f32 v39, v39;
	v58, _, _ =	vpop (xrf1);
	(pc) =	sbr.rel @p0 .LBB2_3-.Ltmp0, $4  }
0xb4: {  	v30 =	vmul.f32 v36, v36;
	v36 =	vadd.f32 v38, v47;
	v38 =	vadd.f32 v54, v53;
	v54 =	vld [tilespmem:$0x1FCE0];
	v56, _, _ =	vpop (xrf1)  }
0xb5: {  	v50 =	vmov v34;
	v34 =	vmul.f32 v40, v40;
	v53 =	vld [tilespmem:$0x1FCF0];
	v55, _, _ =	vpop (xrf1);
	v40 =	vmov v56  }
0xb6: {  	v56 =	vmovc v0;
	v0 =	vmovc v3;
	v3 =	vmov v5;
	v5 =	vmov v7;
	v7 =	vmov v10;
	v10 =	vld [tilespmem:$0x1FCD0]  }
0xb7: {  	s15 =	sadd.s32 $0x10, s15;
	v41 =	vmovc v57;
	v57 =	vmov v2;
	v35 =	vadd.f32 v12, v59;
	(xrf1) =	vsort.dscd.msk.f32 $0xffff, v46, v46;
	v39 =	vmov v55;
	v55 =	vld [tilespmem:$0x1FC90]  }
0xb8: {  	_ =	sdelay $0x2  }
0xb9: {  	v15 =	vadd.f32 v17, v15;
	(xrf1) =	vsort.dscd.msk.f32 $0xffff, v35, v35;
	v12 =	vadd.f32 v10, v37  }
0xba: {  	v57 =	vadd.f32 v57, v38;
	v16 =	vadd.f32 v19, v16;
	(xrf1) =	vsort.dscd.msk.f32 $0xffff, v36, v36  }
0xbb: {  	v59 =	vadd.f32 v21, v18;
	v9 =	vadd.f32 v9, v15;
	(xrf1) =	vsort.dscd.msk.f32 $0xffff, v12, v12  }
0xbc: {  	v2 =	vadd.f32 v24, v22;
	v6 =	vadd.f32 v6, v16;
	(xrf1) =	vsort.dscd.msk.f32 $0xffff, v57, v57  }
0xbd: {  	v15 =	vadd.f32 v11, v59;
	v16 =	vadd.f32 v26, v23;
	(xrf1) =	vsort.dscd.msk.f32 $0xffff, v9, v9  }
0xbe: {  	v17 =	vadd.f32 v27, v20;
	v7 =	vadd.f32 v7, v2;
	(xrf1) =	vsort.dscd.msk.f32 $0xffff, v6, v6  }
0xbf: {  	v19 =	vadd.f32 v28, v25;
	v18 =	vadd.f32 v8, v16;
	(xrf1) =	vsort.dscd.msk.f32 $0xffff, v15, v15  }
0xc0: {  	v20 =	vadd.f32 v29, v13;
	v4 =	vadd.f32 v4, v17;
	(xrf1) =	vsort.dscd.msk.f32 $0xffff, v7, v7  }
0xc1: {  	v21 =	vadd.f32 v32, v14;
	v5 =	vadd.f32 v5, v19;
	(xrf1) =	vsort.dscd.msk.f32 $0xffff, v18, v18  }
0xc2: {  	v22 =	vadd.f32 v33, v30;
	v3 =	vadd.f32 v3, v20;
	(xrf1) =	vsort.dscd.msk.f32 $0xffff, v4, v4  }
0xc3: {  	v2 =	vadd.f32 v1, v21;
	v23 =	vadd.f32 v34, v31;
	(xrf1) =	vsort.dscd.msk.f32 $0xffff, v5, v5  }
0xc4: {  	v24 =	vadd.f32 v0, v22;
	(xrf1) =	vsort.dscd.msk.f32 $0xffff, v3, v3  }
0xc5: {  	v25 =	vadd.f32 v56, v23;
	(xrf1) =	vsort.dscd.msk.f32 $0xffff, v2, v2  }
0xc6: {  	v26, _, _ =	vpop (xrf1);
	(xrf1) =	vsort.dscd.msk.f32 $0xffff, v24, v24  }
0xc7: {  	v27 =	vmin.f32 v55, v26;
	v28, _, _ =	vpop (xrf1);
	(xrf1) =	vsort.dscd.msk.f32 $0xffff, v25, v25  }
0xc8: {  	v29 =	vmin.f32 v54, v28;
	v30, _, _ =	vpop (xrf1);
	(xrf1) =	vsort.ascd.msk.f32 $0xffff, v27, v27  }
0xc9: {  	v1 =	vmin.f32 v53, v30;
	(xrf1) =	vsort.ascd.msk.f32 $0xffff, v29, v29;
	v31, _, _ =	vpop (xrf1)  }
0xca: {  	v0 =	vmin.f32 v52, v31;
	(xrf1) =	vsort.ascd.msk.f32 $0xffff, v1, v1;
	v32, _, _ =	vpop (xrf1)  }
0xcb: {  	v1 =	vmin.f32 v51, v32;
	(xrf1) =	vsort.ascd.msk.f32 $0xffff, v0, v0;
	v33, _, _ =	vpop (xrf1)  }
0xcc: {  	v0 =	vmin.f32 v50, v33;
	(xrf1) =	vsort.ascd.msk.f32 $0xffff, v1, v1;
	v34, _, _ =	vpop (xrf1)  }
0xcd: {  	v1 =	vmin.f32 v49, v34;
	(xrf1) =	vsort.ascd.msk.f32 $0xffff, v0, v0;
	v35, _, _ =	vpop (xrf1)  }
0xce: {  	v0 =	vmin.f32 v63, v35;
	(xrf1) =	vsort.ascd.msk.f32 $0xffff, v1, v1;
	v36, _, _ =	vpop (xrf1)  }
0xcf: {  	v1 =	vmin.f32 v62, v36;
	(xrf1) =	vsort.ascd.msk.f32 $0xffff, v0, v0;
	v37, _, _ =	vpop (xrf1)  }
0xd0: {  	v0 =	vmin.f32 v61, v37;
	(xrf1) =	vsort.ascd.msk.f32 $0xffff, v1, v1;
	v38, _, _ =	vpop (xrf1)  }
0xd1: {  	v1 =	vmin.f32 v60, v38;
	(xrf1) =	vsort.ascd.msk.f32 $0xffff, v0, v0;
	v42, _, _ =	vpop (xrf1)  }
0xd2: {  	v0 =	vmin.f32 v43, v42;
	(xrf1) =	vsort.ascd.msk.f32 $0xffff, v1, v1;
	v44, _, _ =	vpop (xrf1)  }
0xd3: {  	v1 =	vmin.f32 v41, v44;
	(xrf1) =	vsort.ascd.msk.f32 $0xffff, v0, v0;
	v45, _, _ =	vpop (xrf1)  }
0xd4: {  	v0 =	vmin.f32 v58, v45;
	(xrf1) =	vsort.ascd.msk.f32 $0xffff, v1, v1;
	v46, _, _ =	vpop (xrf1)  }
0xd5: {  	s14 =	sshll.u32 s13, $0x8;
	v1 =	vmin.f32 v40, v46;
	(xrf1) =	vsort.ascd.msk.f32 $0xffff, v0, v0;
	v47, _, _ =	vpop (xrf1)  }
0xd6: {  	s14 =	sand.u32 $0x3FFFFF00, s14;
	v0 =	vmin.f32 v39, v47;
	v48, _, _ =	vpop (xrf1);
	(xrf1) =	vsort.ascd.msk.f32 $0xffff, v1, v1  }
0xd7: {  	v49, _, _ =	vpop (xrf1);
	(xrf1) =	vsort.ascd.msk.f32 $0xffff, v0, v0;
	[tilespmem:s14+$0x4800] =	vst v48  }
0xd8: {  	v50, _, _ =	vpop (xrf1);
	[tilespmem:s14+$0x4810] =	vst v49  }
0xd9: {  	v51, _, _ =	vpop (xrf1);
	[tilespmem:s14+$0x4820] =	vst v50  }
0xda: {  	v52, _, _ =	vpop (xrf1);
	[tilespmem:s14+$0x4830] =	vst v51  }
0xdb: {  	v53, _, _ =	vpop (xrf1);
	[tilespmem:s14+$0x4840] =	vst v52  }
0xdc: {  	v54, _, _ =	vpop (xrf1);
	[tilespmem:s14+$0x4850] =	vst v53  }
0xdd: {  	v55, _, _ =	vpop (xrf1);
	[tilespmem:s14+$0x4860] =	vst v54  }
0xde: {  	v56, _, _ =	vpop (xrf1);
	[tilespmem:s14+$0x4870] =	vst v55  }
0xdf: {  	v57, _, _ =	vpop (xrf1);
	[tilespmem:s14+$0x4880] =	vst v56  }
0xe0: {  	s13 =	sadd.s32 $0x1, s13;
	v58, _, _ =	vpop (xrf1);
	[tilespmem:s14+$0x4890] =	vst v57  }
0xe1: {  	p0 =	sne.s32 s13, $0x8;
	v59, _, _ =	vpop (xrf1);
	[tilespmem:s14+$0x48A0] =	vst v58  }
.Ltmp1:
0xe2: {  	v60, _, _ =	vpop (xrf1);
	[tilespmem:s14+$0x48B0] =	vst v59;
	(pc) =	sbr.rel @p0 .LBB2_2-.Ltmp1, $4  }
0xe3: {  	v61, _, _ =	vpop (xrf1);
	[tilespmem:s14+$0x48C0] =	vst v60  }
0xe4: {  	v62, _, _ =	vpop (xrf1);
	[tilespmem:s14+$0x48D0] =	vst v61  }
0xe5: {  	v63, _, _ =	vpop (xrf1);
	[tilespmem:s14+$0x48E0] =	vst v62  }
0xe6: {  	[tilespmem:s14+$0x48F0] =	vst v63  }
0xe7: {  	s12 =	sadd.s32 $0x1, s12  }
0xe8: {  	p0 =	sne.s32 s12, s6  }
.Ltmp2:
0xe9: {  	_ = 	snop;
	(pc) =	sbr.rel @p0 .LBB2_1-.Ltmp2, $4  }
0xea: {  	[hbm4b:s5+s2] =	stream.linear.scatter [tilespmem:s11], [sflag:$0x1], $0x800, $0x38;
	[tilespmem:$0x5000] =	vst v63  }
0xeb: {  	_ =	swait.ge [sflag:s7], $0x800  }
0xec: {  	[sflag:s7] =	ssyncset.done $0x0  }
0xed: {  	[sflag:s7] =	ssyncadd.s32 $0xFFFFF800  }
0xee: {  	_ =	sfence.sel $0x180000  }
0xef: {  	[bflag:$0x0] =	sbarrier.arrive $0xFFFF  }
0xf0: {  	p0 =	sne.s32 s0, $0x0;
	_ =	strace $0x9000004A  }
0xf1: {  	s0 =	sadd.s32 @!p0 $0x100000, s1;
	[bflag:$0x2] =	sbarrier.arrive $0xFFFF  }
0xf2: {  	[sflag:s0] =	ssyncadd.tile.s32 @!p0 $0x1;
	_ =	shalt  }
.Lfunc_end2:
_tile_overlayer_lowered:
.L_overlay_start_2:
0xf3: {  	(tag) =	ssettag $0x2  }
0xf4: {  	s0 =	rddreg [dreg:$0x0];
	s2 =	stileid.u32  }
0xf5: {  	s1 =	rddreg [dreg:$0x1];
	p0 =	sne.s32 s2, $0x0  }
0xf6: {  	s3 =	rddreg [dreg:$0x2];
	[bflag:$0x3] =	sbarrier.arrive $0xFFFF;
	s2 =	simm.s32 @!p0 $0x1C01  }
0xf7: {  	[timem:s3], [sflag:s2] =	dma.local @!p0 [hbm:s0], s1  }
0xf8: {  	s0 =	simm.s32 @!p0 $0x1  }
0xf9: {  	_ =	swait.ge @!p0 [sflag:s0], s1  }
0xfa: {  	s1 =	ssub.s32 @!p0 $0x0, s1;
	[sflag:s0] =	ssyncset.done @!p0 $0x0  }
0xfb: {  	[sflag:s0] =	ssyncadd.s32 @!p0 s1  }
0xfc: {  	[bflag:$0x3] =	sbarrier.arrive $0xFFFF  }
0xfd: {  	_ =	shalt  }

</sc_bundles>
